<compile_context>
chip_gen: v7x
topology: tpu7x:2x2x1
jax: 0.10.2.dev20260603
libtpu: 0.0.44.dev20260713+nightly
codegen_flags: <defaults>
</compile_context>

<pallas_src>
import functools

import jax
import jax.numpy as jnp
from jax import lax
from jax.experimental import pallas as pl
from jax.experimental.pallas import tpu as pltpu
from jax.experimental.pallas import tpu_sc as plsc

N = 10000
E = 320000
F1 = 16
F2 = 40
NC = 2
NS = 16
NW = NC * NS
EP = E // NW
C = 125
NCH = EP // C
NP = 10240
RP = NP // NS
DW = 8
NB = 10
LA = 6


def _make_agg(F, use_tbl):
    mesh = plsc.VectorSubcoreMesh(core_axis_name="c", subcore_axis_name="s")

    @functools.partial(
        pl.kernel,
        mesh=mesh,
        compiler_params=pltpu.CompilerParams(use_tc_tiling_on_sc=False),
        out_type=jax.ShapeDtypeStruct((NC * NP, 128), jnp.float32),
        scratch_types=[
            pltpu.VMEM((NCH, C), jnp.int32),
            pltpu.VMEM((NCH, C), jnp.int32),
            pltpu.VMEM((NB, C, F), jnp.float32),
            pltpu.VMEM_SHARED((N, F) if use_tbl else (8, F), jnp.float32),
            pltpu.VMEM_SHARED((NP, F), jnp.float32),
            pltpu.SemaphoreType.DMA((NB,)),
        ],
    )
    def agg(ht, srcg, dstg, zrows, out, src_v, dst_v, rows_v, tbl_s, acc,
            gsem):
        cid = lax.axis_index("c")
        sid = lax.axis_index("s")
        wid = cid * NS + sid
        tbl = tbl_s if use_tbl else ht
        pltpu.sync_copy(srcg.at[wid], src_v)
        pltpu.sync_copy(dstg.at[wid], dst_v)
        if use_tbl:
            @pl.when(sid < NS - 1)
            def _():
                pltpu.sync_copy(ht.at[pl.ds(sid * RP, RP)],
                                tbl.at[pl.ds(sid * RP, RP)])

            @pl.when(sid == NS - 1)
            def _():
                pltpu.sync_copy(
                    ht.at[pl.ds((NS - 1) * RP, N - (NS - 1) * RP)],
                    tbl.at[pl.ds((NS - 1) * RP, N - (NS - 1) * RP)])

        pltpu.sync_copy(zrows, acc.at[pl.ds(sid * RP, RP)])
        plsc.subcore_barrier()

        def gather_wait(jj, b):
            pltpu.make_async_copy(tbl.at[src_v.at[jj]], rows_v.at[b],
                                  gsem.at[b]).wait()

        for k in range(LA):
            pltpu.async_copy(tbl.at[src_v.at[k]], rows_v.at[k], gsem.at[k])

        def body(j, carry):
            for b in range(NB):
                jj = j + b
                gather_wait(jj, b)
                pltpu.sync_copy(rows_v.at[b], acc.at[dst_v.at[jj]], add=True)
                k = jj + LA

                @pl.when(k < NCH)
                def _():
                    pltpu.async_copy(tbl.at[src_v.at[k]],
                                     rows_v.at[(b + LA) % NB],
                                     gsem.at[(b + LA) % NB])
            return carry

        lax.fori_loop(0, NCH // NB, lambda i, c: body(i * NB, c), 0)
        plsc.subcore_barrier()
        pltpu.sync_copy(
            acc.at[pl.ds(sid * RP, RP)],
            out.at[pl.ds(cid * NP + sid * RP, RP), pl.ds(0, F)])

    return agg


_deg_mesh = plsc.VectorSubcoreMesh(core_axis_name="c", subcore_axis_name="s")


@functools.partial(
    pl.kernel,
    mesh=_deg_mesh,
    compiler_params=pltpu.CompilerParams(use_tc_tiling_on_sc=False),
    out_type=jax.ShapeDtypeStruct((NC * NP, 128), jnp.float32),
    scratch_types=[
        pltpu.VMEM((NCH, C), jnp.int32),
        pltpu.VMEM((C, DW), jnp.float32),
        pltpu.VMEM_SHARED((NP, DW), jnp.float32),
    ],
)
def _deg(dstg, ones_rows, zrows, out, dst_v, ones_v, acc):
    cid = lax.axis_index("c")
    sid = lax.axis_index("s")
    wid = cid * NS + sid
    pltpu.sync_copy(dstg.at[wid], dst_v)
    pltpu.sync_copy(ones_rows, ones_v)
    pltpu.sync_copy(zrows, acc.at[pl.ds(sid * RP, RP)])
    plsc.subcore_barrier()

    def fire(j, carry):
        pltpu.sync_copy(ones_v, acc.at[dst_v.at[j]], add=True)
        return carry

    lax.fori_loop(0, NCH, fire, 0)
    plsc.subcore_barrier()
    pltpu.sync_copy(
        acc.at[pl.ds(sid * RP, RP)],
        out.at[pl.ds(cid * NP + sid * RP, RP), pl.ds(0, DW)])


_agg_f1 = _make_agg(F1, use_tbl=True)
_agg_f2 = _make_agg(F2, use_tbl=False)


def _tc0_body(x_ref, w1_ref, h_ref):
    h_ref[...] = jnp.dot(x_ref[...], w1_ref[...],
                         preferred_element_type=jnp.float32)


_tc0 = pl.pallas_call(
    _tc0_body,
    out_shape=jax.ShapeDtypeStruct((N, F1), jnp.float32),
)


def _tc1_body(h_ref, degp_ref, ht_ref, dinv_ref):
    deg = (degp_ref[0, 0:N, 0:1] + degp_ref[1, 0:N, 0:1]
           + 1.0)
    dinv = lax.rsqrt(deg)
    ht_ref[...] = h_ref[...] * dinv
    dinv_ref[...] = dinv


_tc1 = pl.pallas_call(
    _tc1_body,
    out_shape=(jax.ShapeDtypeStruct((N, F1), jnp.float32),
               jax.ShapeDtypeStruct((N, 1), jnp.float32)),
)


def _tc2_body(aggp_ref, ht1_ref, dinv_ref, b1_ref, w2_ref, out_ref):
    agg = (aggp_ref[0, 0:N, 0:F1] + aggp_ref[1, 0:N, 0:F1]
           + ht1_ref[...])
    z = dinv_ref[...] * agg + b1_ref[...]
    z = jnp.where(z > 0, z, jnp.exp(z) - 1.0)
    h2 = jnp.dot(z, w2_ref[...], preferred_element_type=jnp.float32)
    out_ref[...] = h2 * dinv_ref[...]


_tc2 = pl.pallas_call(
    _tc2_body,
    out_shape=jax.ShapeDtypeStruct((N, F2), jnp.float32),
)


def _tc3_body(aggp_ref, ht2_ref, dinv_ref, b2_ref, out_ref):
    o = (dinv_ref[...] * (aggp_ref[0, 0:N, 0:F2] + aggp_ref[1, 0:N, 0:F2]
                          + ht2_ref[...]) + b2_ref[...])
    m = jnp.max(o, axis=1, keepdims=True)
    e = o - m
    lse = jnp.log(jnp.sum(jnp.exp(e), axis=1, keepdims=True))
    out_ref[...] = e - lse


_tc3 = pl.pallas_call(
    _tc3_body,
    out_shape=jax.ShapeDtypeStruct((N, F2), jnp.float32),
)


def kernel(x, edge_index, W1, b1, W2, b2):
    ei = edge_index.astype(jnp.int32)
    srcg = ei[0].reshape(NW, NCH, C)
    dstg = ei[1].reshape(NW, NCH, C)
    ones_rows = jnp.ones((C, DW), jnp.float32)
    zd = jnp.zeros((RP, DW), jnp.float32)
    zf1 = jnp.zeros((RP, F1), jnp.float32)
    zf2 = jnp.zeros((RP, F2), jnp.float32)

    h1 = _tc0(x, W1)
    degp = _deg(dstg, ones_rows, zd).reshape(2, NP, 128)
    ht1, dinv = _tc1(h1, degp)
    aggp1 = _agg_f1(ht1, srcg, dstg, zf1).reshape(2, NP, 128)
    ht2 = _tc2(aggp1, ht1, dinv, b1.reshape(1, F1), W2)
    aggp2 = _agg_f2(ht2, srcg, dstg, zf2).reshape(2, NP, 128)
    return _tc3(aggp2, ht2, dinv, b2.reshape(1, F2))

# --- scband reference (transcript-rebuilt; emitter-appended) ---
"""Pipeline reference for scband-my-gcn-4406636445725 (READ-ONLY COPY).

The authoritative reference and input builder live on the scoring server;
editing this copy changes nothing except your own understanding.
"""

import jax, jax.numpy as jnp
import numpy as np

N_NODES = 10000
N_EDGES = 320000
N_FEAT = 128
HIDDEN = 16
NUM_CLASSES = 40


def setup_inputs(seed: int = 0) -> dict:
    key = jax.random.key(seed)
    k_x, k_e, k_w1, k_b1, k_w2, k_b2 = jax.random.split(key, 6)
    x = jax.random.normal(k_x, (N_NODES, N_FEAT), dtype=jnp.float32)
    edge_index = jax.random.randint(k_e, (2, N_EDGES), 0, N_NODES, dtype=jnp.int64)
    # GCNConv layer 1 params (glorot-style init)
    s1 = 1.0 / np.sqrt(N_FEAT)
    W1 = jax.random.uniform(k_w1, (N_FEAT, HIDDEN), dtype=jnp.float32, minval=-s1, maxval=s1)
    b1 = jnp.zeros((HIDDEN,), dtype=jnp.float32)
    # GCNConv layer 2 params
    s2 = 1.0 / np.sqrt(HIDDEN)
    W2 = jax.random.uniform(k_w2, (HIDDEN, NUM_CLASSES), dtype=jnp.float32, minval=-s2, maxval=s2)
    b2 = jnp.zeros((NUM_CLASSES,), dtype=jnp.float32)
    return {"x": x, "edge_index": edge_index, "W1": W1, "b1": b1, "W2": W2, "b2": b2}


def _gcn_conv(x, edge_index, W, b, num_nodes):
    # x @ W, then symmetric-normalized aggregation with self-loops (PyG GCNConv semantics)
    h = x @ W
    src = edge_index[0]
    dst = edge_index[1]
    loop = jnp.arange(num_nodes, dtype=src.dtype)
    src = jnp.concatenate([src, loop])
    dst = jnp.concatenate([dst, loop])
    deg = jnp.zeros((num_nodes,), dtype=h.dtype).at[dst].add(1.0)
    deg_inv_sqrt = jnp.where(deg > 0, jax.lax.rsqrt(deg), 0.0)
    norm = deg_inv_sqrt[src] * deg_inv_sqrt[dst]
    msg = h[src] * norm[:, None]
    out = jnp.zeros((num_nodes, h.shape[1]), dtype=h.dtype).at[dst].add(msg)
    return out + b


def reference(x, edge_index, W1, b1, W2, b2):
    # eval-mode: F.dropout with training=False is identity
    num_nodes = x.shape[0]
    h = jax.nn.elu(_gcn_conv(x, edge_index, W1, b1, num_nodes))
    out = _gcn_conv(h, edge_index, W2, b2, num_nodes)
    return jax.nn.log_softmax(out, axis=1)

if __name__ == "__main__":
    import jax
    _d = setup_inputs()
    print(jax.jit(kernel)(*tuple(_d.values())))

</pallas_src>

<mosaic_0001>
#map = affine_map<(d0, d1) -> (0, 0)>
#map1 = affine_map<(d0, d1) -> (0, 0, 0)>
module attributes {stable_mosaic.version = 14 : i64} {
  func.func @agg(%arg0: i32, %arg1: i32, %arg2: memref<10000x16xf32, #tpu.memory_space<hbm>>, %arg3: memref<32x80x125xi32, #tpu.memory_space<hbm>>, %arg4: memref<32x80x125xi32, #tpu.memory_space<hbm>>, %arg5: memref<640x16xf32, #tpu.memory_space<hbm>>, %arg6: memref<20480x128xf32, #tpu.memory_space<hbm>>, %arg7: memref<80x125xi32, #tpu.memory_space<vmem>>, %arg8: memref<80x125xi32, #tpu.memory_space<vmem>>, %arg9: memref<10x125x16xf32, #tpu.memory_space<vmem>>, %arg10: memref<10000x16xf32, #tpu.memory_space<vmem_shared>>, %arg11: memref<10240x16xf32, #tpu.memory_space<vmem_shared>>, %arg12: memref<10x!tpu.dma_semaphore, #tpu.memory_space<semaphore_mem>>) attributes {dimension_semantics = [#tpu.dimension_semantics<core_parallel>, #tpu.dimension_semantics<subcore_parallel>], iteration_bounds = array<i64: 2, 16>, scalar_prefetch = 0 : i64, scratch_operands = 6 : i64, tpu.core_type = #tpu.core_type<sc_vector_subcore>, window_params = [{transform_indices = #map}, {transform_indices = #map1}, {transform_indices = #map1}, {transform_indices = #map}, {transform_indices = #map}]} {
    %mul3A = arith.constant 16 : i32
    %mul3A_0 = arith.muli %arg0, %mul3A : i32
    %add3A = arith.addi %mul3A_0, %arg1 : i32
    "tpu.region"() ({
      %run_scoped3A = tpu.sem_alloc : memref<!tpu.dma_semaphore, #tpu.memory_space<semaphore_mem>>
      %dma_start3A_111 = arith.constant 0 : i32
      %dma_start3A_112 = arith.constant 0 : i32
      %dma_start3A_113 = tpu.memref_slice %arg3[%add3A, %dma_start3A_111, %dma_start3A_112] : memref<32x80x125xi32, #tpu.memory_space<hbm>> -> memref<1x80x125xi32, #tpu.memory_space<hbm>>
      %dma_start3A_114 = tpu.memref_squeeze %dma_start3A_113 : memref<1x80x125xi32, #tpu.memory_space<hbm>> -> memref<80x125xi32, #tpu.memory_space<hbm>>
      %dma_start3A_115 = arith.constant 0 : i32
      %dma_start3A_116 = arith.constant 0 : i32
      %dma_start3A_117 = tpu.memref_slice %arg3[%add3A, %dma_start3A_115, %dma_start3A_116] : memref<32x80x125xi32, #tpu.memory_space<hbm>> -> memref<1x80x125xi32, #tpu.memory_space<hbm>>
      %dma_start3A_118 = tpu.memref_squeeze %dma_start3A_117 : memref<1x80x125xi32, #tpu.memory_space<hbm>> -> memref<80x125xi32, #tpu.memory_space<hbm>>
      tpu.enqueue_dma source(%dma_start3A_118 : memref<80x125xi32, #tpu.memory_space<hbm>>) target(%arg7 : memref<80x125xi32, #tpu.memory_space<vmem>>) target_semaphore(%run_scoped3A : memref<!tpu.dma_semaphore, #tpu.memory_space<semaphore_mem>>)
      %dma_wait3A = arith.constant 0 : i32
      %dma_wait3A_119 = arith.constant 0 : i32
      %dma_wait3A_120 = tpu.memref_slice %arg3[%add3A, %dma_wait3A, %dma_wait3A_119] : memref<32x80x125xi32, #tpu.memory_space<hbm>> -> memref<1x80x125xi32, #tpu.memory_space<hbm>>
      %dma_wait3A_121 = tpu.memref_squeeze %dma_wait3A_120 : memref<1x80x125xi32, #tpu.memory_space<hbm>> -> memref<80x125xi32, #tpu.memory_space<hbm>>
      %dma_wait3A_122 = arith.constant 0 : i32
      %dma_wait3A_123 = arith.constant 0 : i32
      %dma_wait3A_124 = tpu.memref_slice %arg3[%add3A, %dma_wait3A_122, %dma_wait3A_123] : memref<32x80x125xi32, #tpu.memory_space<hbm>> -> memref<1x80x125xi32, #tpu.memory_space<hbm>>
      %dma_wait3A_125 = tpu.memref_squeeze %dma_wait3A_124 : memref<1x80x125xi32, #tpu.memory_space<hbm>> -> memref<80x125xi32, #tpu.memory_space<hbm>>
      tpu.wait_dma2 semaphore(%run_scoped3A : memref<!tpu.dma_semaphore, #tpu.memory_space<semaphore_mem>>) src(%dma_wait3A_125 : memref<80x125xi32, #tpu.memory_space<hbm>>) dst(%arg7 : memref<80x125xi32, #tpu.memory_space<vmem>>)
      tpu.yield
    }) : () -> ()
    "tpu.region"() ({
      %run_scoped3A = tpu.sem_alloc : memref<!tpu.dma_semaphore, #tpu.memory_space<semaphore_mem>>
      %dma_start3A_111 = arith.constant 0 : i32
      %dma_start3A_112 = arith.constant 0 : i32
      %dma_start3A_113 = tpu.memref_slice %arg4[%add3A, %dma_start3A_111, %dma_start3A_112] : memref<32x80x125xi32, #tpu.memory_space<hbm>> -> memref<1x80x125xi32, #tpu.memory_space<hbm>>
      %dma_start3A_114 = tpu.memref_squeeze %dma_start3A_113 : memref<1x80x125xi32, #tpu.memory_space<hbm>> -> memref<80x125xi32, #tpu.memory_space<hbm>>
      %dma_start3A_115 = arith.constant 0 : i32
      %dma_start3A_116 = arith.constant 0 : i32
      %dma_start3A_117 = tpu.memref_slice %arg4[%add3A, %dma_start3A_115, %dma_start3A_116] : memref<32x80x125xi32, #tpu.memory_space<hbm>> -> memref<1x80x125xi32, #tpu.memory_space<hbm>>
      %dma_start3A_118 = tpu.memref_squeeze %dma_start3A_117 : memref<1x80x125xi32, #tpu.memory_space<hbm>> -> memref<80x125xi32, #tpu.memory_space<hbm>>
      tpu.enqueue_dma source(%dma_start3A_118 : memref<80x125xi32, #tpu.memory_space<hbm>>) target(%arg8 : memref<80x125xi32, #tpu.memory_space<vmem>>) target_semaphore(%run_scoped3A : memref<!tpu.dma_semaphore, #tpu.memory_space<semaphore_mem>>)
      %dma_wait3A = arith.constant 0 : i32
      %dma_wait3A_119 = arith.constant 0 : i32
      %dma_wait3A_120 = tpu.memref_slice %arg4[%add3A, %dma_wait3A, %dma_wait3A_119] : memref<32x80x125xi32, #tpu.memory_space<hbm>> -> memref<1x80x125xi32, #tpu.memory_space<hbm>>
      %dma_wait3A_121 = tpu.memref_squeeze %dma_wait3A_120 : memref<1x80x125xi32, #tpu.memory_space<hbm>> -> memref<80x125xi32, #tpu.memory_space<hbm>>
      %dma_wait3A_122 = arith.constant 0 : i32
      %dma_wait3A_123 = arith.constant 0 : i32
      %dma_wait3A_124 = tpu.memref_slice %arg4[%add3A, %dma_wait3A_122, %dma_wait3A_123] : memref<32x80x125xi32, #tpu.memory_space<hbm>> -> memref<1x80x125xi32, #tpu.memory_space<hbm>>
      %dma_wait3A_125 = tpu.memref_squeeze %dma_wait3A_124 : memref<1x80x125xi32, #tpu.memory_space<hbm>> -> memref<80x125xi32, #tpu.memory_space<hbm>>
      tpu.wait_dma2 semaphore(%run_scoped3A : memref<!tpu.dma_semaphore, #tpu.memory_space<semaphore_mem>>) src(%dma_wait3A_125 : memref<80x125xi32, #tpu.memory_space<hbm>>) dst(%arg8 : memref<80x125xi32, #tpu.memory_space<vmem>>)
      tpu.yield
    }) : () -> ()
    %lt3A = arith.constant 15 : i32
    %lt3A_1 = arith.cmpi slt, %arg1, %lt3A : i32
    %convert_element_type3A = arith.extui %lt3A_1 : i1 to i32
    %cond3A = arith.constant 0 : i32
    %cond3A_2 = arith.cmpi ne, %convert_element_type3A, %cond3A : i32
    scf.if %cond3A_2 {
      %mul3A_111 = arith.constant 640 : i32
      %mul3A_112 = arith.muli %arg1, %mul3A_111 : i32
      %mul3A_113 = arith.constant 640 : i32
      %mul3A_114 = arith.muli %arg1, %mul3A_113 : i32
      "tpu.region"() ({
        %run_scoped3A = tpu.sem_alloc : memref<!tpu.dma_semaphore, #tpu.memory_space<semaphore_mem>>
        %dma_start3A_115 = arith.constant 0 : i32
        %dma_start3A_116 = tpu.memref_slice %arg10[%mul3A_114, %dma_start3A_115] : memref<10000x16xf32, #tpu.memory_space<vmem_shared>> -> memref<640x16xf32, #tpu.memory_space<vmem_shared>>
        %dma_start3A_117 = arith.constant 0 : i32
        %dma_start3A_118 = tpu.memref_slice %arg2[%mul3A_112, %dma_start3A_117] : memref<10000x16xf32, #tpu.memory_space<hbm>> -> memref<640x16xf32, #tpu.memory_space<hbm>>
        tpu.enqueue_dma source(%dma_start3A_118 : memref<640x16xf32, #tpu.memory_space<hbm>>) target(%dma_start3A_116 : memref<640x16xf32, #tpu.memory_space<vmem_shared>>) target_semaphore(%run_scoped3A : memref<!tpu.dma_semaphore, #tpu.memory_space<semaphore_mem>>)
        %dma_wait3A = arith.constant 0 : i32
        %dma_wait3A_119 = tpu.memref_slice %arg10[%mul3A_114, %dma_wait3A] : memref<10000x16xf32, #tpu.memory_space<vmem_shared>> -> memref<640x16xf32, #tpu.memory_space<vmem_shared>>
        %dma_wait3A_120 = arith.constant 0 : i32
        %dma_wait3A_121 = tpu.memref_slice %arg2[%mul3A_112, %dma_wait3A_120] : memref<10000x16xf32, #tpu.memory_space<hbm>> -> memref<640x16xf32, #tpu.memory_space<hbm>>
        tpu.wait_dma2 semaphore(%run_scoped3A : memref<!tpu.dma_semaphore, #tpu.memory_space<semaphore_mem>>) src(%dma_wait3A_121 : memref<640x16xf32, #tpu.memory_space<hbm>>) dst(%dma_wait3A_119 : memref<640x16xf32, #tpu.memory_space<vmem_shared>>)
        tpu.yield
      }) : () -> ()
    } else {
    }
    %eq3A = arith.constant 15 : i32
    %eq3A_3 = arith.cmpi eq, %arg1, %eq3A : i32
    %convert_element_type3A_4 = arith.extui %eq3A_3 : i1 to i32
    %cond3A_5 = arith.constant 0 : i32
    %cond3A_6 = arith.cmpi ne, %convert_element_type3A_4, %cond3A_5 : i32
    scf.if %cond3A_6 {
      "tpu.region"() ({
        %run_scoped3A = tpu.sem_alloc : memref<!tpu.dma_semaphore, #tpu.memory_space<semaphore_mem>>
        %dma_start3A_111 = arith.constant 9600 : i32
        %dma_start3A_112 = arith.constant 0 : i32
        %dma_start3A_113 = tpu.memref_slice %arg10[%dma_start3A_111, %dma_start3A_112] : memref<10000x16xf32, #tpu.memory_space<vmem_shared>> -> memref<400x16xf32, #tpu.memory_space<vmem_shared>>
        %dma_start3A_114 = arith.constant 9600 : i32
        %dma_start3A_115 = arith.constant 0 : i32
        %dma_start3A_116 = tpu.memref_slice %arg2[%dma_start3A_114, %dma_start3A_115] : memref<10000x16xf32, #tpu.memory_space<hbm>> -> memref<400x16xf32, #tpu.memory_space<hbm>>
        tpu.enqueue_dma source(%dma_start3A_116 : memref<400x16xf32, #tpu.memory_space<hbm>>) target(%dma_start3A_113 : memref<400x16xf32, #tpu.memory_space<vmem_shared>>) target_semaphore(%run_scoped3A : memref<!tpu.dma_semaphore, #tpu.memory_space<semaphore_mem>>)
        %dma_wait3A = arith.constant 9600 : i32
        %dma_wait3A_117 = arith.constant 0 : i32
        %dma_wait3A_118 = tpu.memref_slice %arg10[%dma_wait3A, %dma_wait3A_117] : memref<10000x16xf32, #tpu.memory_space<vmem_shared>> -> memref<400x16xf32, #tpu.memory_space<vmem_shared>>
        %dma_wait3A_119 = arith.constant 9600 : i32
        %dma_wait3A_120 = arith.constant 0 : i32
        %dma_wait3A_121 = tpu.memref_slice %arg2[%dma_wait3A_119, %dma_wait3A_120] : memref<10000x16xf32, #tpu.memory_space<hbm>> -> memref<400x16xf32, #tpu.memory_space<hbm>>
        tpu.wait_dma2 semaphore(%run_scoped3A : memref<!tpu.dma_semaphore, #tpu.memory_space<semaphore_mem>>) src(%dma_wait3A_121 : memref<400x16xf32, #tpu.memory_space<hbm>>) dst(%dma_wait3A_118 : memref<400x16xf32, #tpu.memory_space<vmem_shared>>)
        tpu.yield
      }) : () -> ()
    } else {
    }
    %mul3A_7 = arith.constant 640 : i32
    %mul3A_8 = arith.muli %arg1, %mul3A_7 : i32
    "tpu.region"() ({
      %run_scoped3A = tpu.sem_alloc : memref<!tpu.dma_semaphore, #tpu.memory_space<semaphore_mem>>
      %dma_start3A_111 = arith.constant 0 : i32
      %dma_start3A_112 = tpu.memref_slice %arg11[%mul3A_8, %dma_start3A_111] : memref<10240x16xf32, #tpu.memory_space<vmem_shared>> -> memref<640x16xf32, #tpu.memory_space<vmem_shared>>
      tpu.enqueue_dma source(%arg5 : memref<640x16xf32, #tpu.memory_space<hbm>>) target(%dma_start3A_112 : memref<640x16xf32, #tpu.memory_space<vmem_shared>>) target_semaphore(%run_scoped3A : memref<!tpu.dma_semaphore, #tpu.memory_space<semaphore_mem>>)
      %dma_wait3A = arith.constant 0 : i32
      %dma_wait3A_113 = tpu.memref_slice %arg11[%mul3A_8, %dma_wait3A] : memref<10240x16xf32, #tpu.memory_space<vmem_shared>> -> memref<640x16xf32, #tpu.memory_space<vmem_shared>>
      tpu.wait_dma2 semaphore(%run_scoped3A : memref<!tpu.dma_semaphore, #tpu.memory_space<semaphore_mem>>) src(%arg5 : memref<640x16xf32, #tpu.memory_space<hbm>>) dst(%dma_wait3A_113 : memref<640x16xf32, #tpu.memory_space<vmem_shared>>)
      tpu.yield
    }) : () -> ()
    %barrier3A = arith.constant 0 : index
    tpu.barrier barrier_id(%barrier3A)
    %dma_start3A = arith.constant 0 : i32
    %dma_start3A_9 = arith.constant 0 : i32
    %dma_start3A_10 = arith.constant 0 : i32
    %dma_start3A_11 = arith.constant 0 : i32
    %dma_start3A_12 = arith.constant 0 : i32
    %dma_start3A_13 = tpu.memref_slice %arg9[%dma_start3A_9, %dma_start3A_11, %dma_start3A_12] : memref<10x125x16xf32, #tpu.memory_space<vmem>> -> memref<1x125x16xf32, #tpu.memory_space<vmem>>
    %dma_start3A_14 = tpu.memref_squeeze %dma_start3A_13 : memref<1x125x16xf32, #tpu.memory_space<vmem>> -> memref<125x16xf32, #tpu.memory_space<vmem>>
    %dma_start3A_15 = arith.constant 0 : i32
    %dma_start3A_16 = tpu.memref_slice %arg7[%dma_start3A, %dma_start3A_15] : memref<80x125xi32, #tpu.memory_space<vmem>> -> memref<1x125xi32, #tpu.memory_space<vmem>>
    %dma_start3A_17 = tpu.memref_squeeze %dma_start3A_16 : memref<1x125xi32, #tpu.memory_space<vmem>> -> memref<125xi32, #tpu.memory_space<vmem>>
    %dma_start3A_18 = arith.constant 0 : i32
    %dma_start3A_19 = arith.constant 0 : i32
    %dma_start3A_20 = tpu.memref_slice %arg10[%dma_start3A_18, %dma_start3A_19] : memref<10000x16xf32, #tpu.memory_space<vmem_shared>> -> memref<10000x16xf32, #tpu.memory_space<vmem_shared>>
    %dma_start3A_21 = tpu.memref_slice %arg12[%dma_start3A_10] : memref<10x!tpu.dma_semaphore, #tpu.memory_space<semaphore_mem>> -> memref<1x!tpu.dma_semaphore, #tpu.memory_space<semaphore_mem>>
    %dma_start3A_22 = tpu.memref_squeeze %dma_start3A_21 : memref<1x!tpu.dma_semaphore, #tpu.memory_space<semaphore_mem>> -> memref<!tpu.dma_semaphore, #tpu.memory_space<semaphore_mem>>
    tpu.enqueue_indirect_dma source(%dma_start3A_20 : memref<10000x16xf32, #tpu.memory_space<vmem_shared>>) target(%dma_start3A_14 : memref<125x16xf32, #tpu.memory_space<vmem>>) offsets(%dma_start3A_17 : memref<125xi32, #tpu.memory_space<vmem>>) semaphore(%dma_start3A_22 : memref<!tpu.dma_semaphore, #tpu.memory_space<semaphore_mem>>)
    %dma_start3A_23 = arith.constant 1 : i32
    %dma_start3A_24 = arith.constant 1 : i32
    %dma_start3A_25 = arith.constant 1 : i32
    %dma_start3A_26 = arith.constant 0 : i32
    %dma_start3A_27 = arith.constant 0 : i32
    %dma_start3A_28 = tpu.memref_slice %arg9[%dma_start3A_24, %dma_start3A_26, %dma_start3A_27] : memref<10x125x16xf32, #tpu.memory_space<vmem>> -> memref<1x125x16xf32, #tpu.memory_space<vmem>>
    %dma_start3A_29 = tpu.memref_squeeze %dma_start3A_28 : memref<1x125x16xf32, #tpu.memory_space<vmem>> -> memref<125x16xf32, #tpu.memory_space<vmem>>
    %dma_start3A_30 = arith.constant 0 : i32
    %dma_start3A_31 = tpu.memref_slice %arg7[%dma_start3A_23, %dma_start3A_30] : memref<80x125xi32, #tpu.memory_space<vmem>> -> memref<1x125xi32, #tpu.memory_space<vmem>>
    %dma_start3A_32 = tpu.memref_squeeze %dma_start3A_31 : memref<1x125xi32, #tpu.memory_space<vmem>> -> memref<125xi32, #tpu.memory_space<vmem>>
    %dma_start3A_33 = arith.constant 0 : i32
    %dma_start3A_34 = arith.constant 0 : i32
    %dma_start3A_35 = tpu.memref_slice %arg10[%dma_start3A_33, %dma_start3A_34] : memref<10000x16xf32, #tpu.memory_space<vmem_shared>> -> memref<10000x16xf32, #tpu.memory_space<vmem_shared>>
    %dma_start3A_36 = tpu.memref_slice %arg12[%dma_start3A_25] : memref<10x!tpu.dma_semaphore, #tpu.memory_space<semaphore_mem>> -> memref<1x!tpu.dma_semaphore, #tpu.memory_space<semaphore_mem>>
    %dma_start3A_37 = tpu.memref_squeeze %dma_start3A_36 : memref<1x!tpu.dma_semaphore, #tpu.memory_space<semaphore_mem>> -> memref<!tpu.dma_semaphore, #tpu.memory_space<semaphore_mem>>
    tpu.enqueue_indirect_dma source(%dma_start3A_35 : memref<10000x16xf32, #tpu.memory_space<vmem_shared>>) target(%dma_start3A_29 : memref<125x16xf32, #tpu.memory_space<vmem>>) offsets(%dma_start3A_32 : memref<125xi32, #tpu.memory_space<vmem>>) semaphore(%dma_start3A_37 : memref<!tpu.dma_semaphore, #tpu.memory_space<semaphore_mem>>)
    %dma_start3A_38 = arith.constant 2 : i32
    %dma_start3A_39 = arith.constant 2 : i32
    %dma_start3A_40 = arith.constant 2 : i32
    %dma_start3A_41 = arith.constant 0 : i32
    %dma_start3A_42 = arith.constant 0 : i32
    %dma_start3A_43 = tpu.memref_slice %arg9[%dma_start3A_39, %dma_start3A_41, %dma_start3A_42] : memref<10x125x16xf32, #tpu.memory_space<vmem>> -> memref<1x125x16xf32, #tpu.memory_space<vmem>>
    %dma_start3A_44 = tpu.memref_squeeze %dma_start3A_43 : memref<1x125x16xf32, #tpu.memory_space<vmem>> -> memref<125x16xf32, #tpu.memory_space<vmem>>
    %dma_start3A_45 = arith.constant 0 : i32
    %dma_start3A_46 = tpu.memref_slice %arg7[%dma_start3A_38, %dma_start3A_45] : memref<80x125xi32, #tpu.memory_space<vmem>> -> memref<1x125xi32, #tpu.memory_space<vmem>>
    %dma_start3A_47 = tpu.memref_squeeze %dma_start3A_46 : memref<1x125xi32, #tpu.memory_space<vmem>> -> memref<125xi32, #tpu.memory_space<vmem>>
    %dma_start3A_48 = arith.constant 0 : i32
    %dma_start3A_49 = arith.constant 0 : i32
    %dma_start3A_50 = tpu.memref_slice %arg10[%dma_start3A_48, %dma_start3A_49] : memref<10000x16xf32, #tpu.memory_space<vmem_shared>> -> memref<10000x16xf32, #tpu.memory_space<vmem_shared>>
    %dma_start3A_51 = tpu.memref_slice %arg12[%dma_start3A_40] : memref<10x!tpu.dma_semaphore, #tpu.memory_space<semaphore_mem>> -> memref<1x!tpu.dma_semaphore, #tpu.memory_space<semaphore_mem>>
    %dma_start3A_52 = tpu.memref_squeeze %dma_start3A_51 : memref<1x!tpu.dma_semaphore, #tpu.memory_space<semaphore_mem>> -> memref<!tpu.dma_semaphore, #tpu.memory_space<semaphore_mem>>
    tpu.enqueue_indirect_dma source(%dma_start3A_50 : memref<10000x16xf32, #tpu.memory_space<vmem_shared>>) target(%dma_start3A_44 : memref<125x16xf32, #tpu.memory_space<vmem>>) offsets(%dma_start3A_47 : memref<125xi32, #tpu.memory_space<vmem>>) semaphore(%dma_start3A_52 : memref<!tpu.dma_semaphore, #tpu.memory_space<semaphore_mem>>)
    %dma_start3A_53 = arith.constant 3 : i32
    %dma_start3A_54 = arith.constant 3 : i32
    %dma_start3A_55 = arith.constant 3 : i32
    %dma_start3A_56 = arith.constant 0 : i32
    %dma_start3A_57 = arith.constant 0 : i32
    %dma_start3A_58 = tpu.memref_slice %arg9[%dma_start3A_54, %dma_start3A_56, %dma_start3A_57] : memref<10x125x16xf32, #tpu.memory_space<vmem>> -> memref<1x125x16xf32, #tpu.memory_space<vmem>>
    %dma_start3A_59 = tpu.memref_squeeze %dma_start3A_58 : memref<1x125x16xf32, #tpu.memory_space<vmem>> -> memref<125x16xf32, #tpu.memory_space<vmem>>
    %dma_start3A_60 = arith.constant 0 : i32
    %dma_start3A_61 = tpu.memref_slice %arg7[%dma_start3A_53, %dma_start3A_60] : memref<80x125xi32, #tpu.memory_space<vmem>> -> memref<1x125xi32, #tpu.memory_space<vmem>>
    %dma_start3A_62 = tpu.memref_squeeze %dma_start3A_61 : memref<1x125xi32, #tpu.memory_space<vmem>> -> memref<125xi32, #tpu.memory_space<vmem>>
    %dma_start3A_63 = arith.constant 0 : i32
    %dma_start3A_64 = arith.constant 0 : i32
    %dma_start3A_65 = tpu.memref_slice %arg10[%dma_start3A_63, %dma_start3A_64] : memref<10000x16xf32, #tpu.memory_space<vmem_shared>> -> memref<10000x16xf32, #tpu.memory_space<vmem_shared>>
    %dma_start3A_66 = tpu.memref_slice %arg12[%dma_start3A_55] : memref<10x!tpu.dma_semaphore, #tpu.memory_space<semaphore_mem>> -> memref<1x!tpu.dma_semaphore, #tpu.memory_space<semaphore_mem>>
    %dma_start3A_67 = tpu.memref_squeeze %dma_start3A_66 : memref<1x!tpu.dma_semaphore, #tpu.memory_space<semaphore_mem>> -> memref<!tpu.dma_semaphore, #tpu.memory_space<semaphore_mem>>
    tpu.enqueue_indirect_dma source(%dma_start3A_65 : memref<10000x16xf32, #tpu.memory_space<vmem_shared>>) target(%dma_start3A_59 : memref<125x16xf32, #tpu.memory_space<vmem>>) offsets(%dma_start3A_62 : memref<125xi32, #tpu.memory_space<vmem>>) semaphore(%dma_start3A_67 : memref<!tpu.dma_semaphore, #tpu.memory_space<semaphore_mem>>)
    %dma_start3A_68 = arith.constant 4 : i32
    %dma_start3A_69 = arith.constant 4 : i32
    %dma_start3A_70 = arith.constant 4 : i32
    %dma_start3A_71 = arith.constant 0 : i32
    %dma_start3A_72 = arith.constant 0 : i32
    %dma_start3A_73 = tpu.memref_slice %arg9[%dma_start3A_69, %dma_start3A_71, %dma_start3A_72] : memref<10x125x16xf32, #tpu.memory_space<vmem>> -> memref<1x125x16xf32, #tpu.memory_space<vmem>>
    %dma_start3A_74 = tpu.memref_squeeze %dma_start3A_73 : memref<1x125x16xf32, #tpu.memory_space<vmem>> -> memref<125x16xf32, #tpu.memory_space<vmem>>
    %dma_start3A_75 = arith.constant 0 : i32
    %dma_start3A_76 = tpu.memref_slice %arg7[%dma_start3A_68, %dma_start3A_75] : memref<80x125xi32, #tpu.memory_space<vmem>> -> memref<1x125xi32, #tpu.memory_space<vmem>>
    %dma_start3A_77 = tpu.memref_squeeze %dma_start3A_76 : memref<1x125xi32, #tpu.memory_space<vmem>> -> memref<125xi32, #tpu.memory_space<vmem>>
    %dma_start3A_78 = arith.constant 0 : i32
    %dma_start3A_79 = arith.constant 0 : i32
    %dma_start3A_80 = tpu.memref_slice %arg10[%dma_start3A_78, %dma_start3A_79] : memref<10000x16xf32, #tpu.memory_space<vmem_shared>> -> memref<10000x16xf32, #tpu.memory_space<vmem_shared>>
    %dma_start3A_81 = tpu.memref_slice %arg12[%dma_start3A_70] : memref<10x!tpu.dma_semaphore, #tpu.memory_space<semaphore_mem>> -> memref<1x!tpu.dma_semaphore, #tpu.memory_space<semaphore_mem>>
    %dma_start3A_82 = tpu.memref_squeeze %dma_start3A_81 : memref<1x!tpu.dma_semaphore, #tpu.memory_space<semaphore_mem>> -> memref<!tpu.dma_semaphore, #tpu.memory_space<semaphore_mem>>
    tpu.enqueue_indirect_dma source(%dma_start3A_80 : memref<10000x16xf32, #tpu.memory_space<vmem_shared>>) target(%dma_start3A_74 : memref<125x16xf32, #tpu.memory_space<vmem>>) offsets(%dma_start3A_77 : memref<125xi32, #tpu.memory_space<vmem>>) semaphore(%dma_start3A_82 : memref<!tpu.dma_semaphore, #tpu.memory_space<semaphore_mem>>)
    %dma_start3A_83 = arith.constant 5 : i32
    %dma_start3A_84 = arith.constant 5 : i32
    %dma_start3A_85 = arith.constant 5 : i32
    %dma_start3A_86 = arith.constant 0 : i32
    %dma_start3A_87 = arith.constant 0 : i32
    %dma_start3A_88 = tpu.memref_slice %arg9[%dma_start3A_84, %dma_start3A_86, %dma_start3A_87] : memref<10x125x16xf32, #tpu.memory_space<vmem>> -> memref<1x125x16xf32, #tpu.memory_space<vmem>>
    %dma_start3A_89 = tpu.memref_squeeze %dma_start3A_88 : memref<1x125x16xf32, #tpu.memory_space<vmem>> -> memref<125x16xf32, #tpu.memory_space<vmem>>
    %dma_start3A_90 = arith.constant 0 : i32
    %dma_start3A_91 = tpu.memref_slice %arg7[%dma_start3A_83, %dma_start3A_90] : memref<80x125xi32, #tpu.memory_space<vmem>> -> memref<1x125xi32, #tpu.memory_space<vmem>>
    %dma_start3A_92 = tpu.memref_squeeze %dma_start3A_91 : memref<1x125xi32, #tpu.memory_space<vmem>> -> memref<125xi32, #tpu.memory_space<vmem>>
    %dma_start3A_93 = arith.constant 0 : i32
    %dma_start3A_94 = arith.constant 0 : i32
    %dma_start3A_95 = tpu.memref_slice %arg10[%dma_start3A_93, %dma_start3A_94] : memref<10000x16xf32, #tpu.memory_space<vmem_shared>> -> memref<10000x16xf32, #tpu.memory_space<vmem_shared>>
    %dma_start3A_96 = tpu.memref_slice %arg12[%dma_start3A_85] : memref<10x!tpu.dma_semaphore, #tpu.memory_space<semaphore_mem>> -> memref<1x!tpu.dma_semaphore, #tpu.memory_space<semaphore_mem>>
    %dma_start3A_97 = tpu.memref_squeeze %dma_start3A_96 : memref<1x!tpu.dma_semaphore, #tpu.memory_space<semaphore_mem>> -> memref<!tpu.dma_semaphore, #tpu.memory_space<semaphore_mem>>
    tpu.enqueue_indirect_dma source(%dma_start3A_95 : memref<10000x16xf32, #tpu.memory_space<vmem_shared>>) target(%dma_start3A_89 : memref<125x16xf32, #tpu.memory_space<vmem>>) offsets(%dma_start3A_92 : memref<125xi32, #tpu.memory_space<vmem>>) semaphore(%dma_start3A_97 : memref<!tpu.dma_semaphore, #tpu.memory_space<semaphore_mem>>)
    %scan3A = arith.constant 0 : i32
    %scan3A_98 = arith.constant 0 : i32
    %scan3A_99 = arith.constant 8 : i32
    %scan3A_100 = arith.addi %scan3A_98, %scan3A_99 : i32
    %scan3A_101 = arith.constant 1 : i32
    scf.for %scan3A_111 = %scan3A_98 to %scan3A_100 step %scan3A_101  : i32 {
      %mul3A_112 = arith.constant 10 : i32
      %mul3A_113 = arith.muli %scan3A_111, %mul3A_112 : i32
      %add3A_114 = arith.constant 0 : i32
      %add3A_115 = arith.addi %mul3A_113, %add3A_114 : i32
      %dma_wait3A = arith.constant 0 : i32
      %dma_wait3A_116 = arith.constant 0 : i32
      %dma_wait3A_117 = arith.constant 0 : i32
      %dma_wait3A_118 = arith.constant 0 : i32
      %dma_wait3A_119 = tpu.memref_slice %arg9[%dma_wait3A, %dma_wait3A_117, %dma_wait3A_118] : memref<10x125x16xf32, #tpu.memory_space<vmem>> -> memref<1x125x16xf32, #tpu.memory_space<vmem>>
      %dma_wait3A_120 = tpu.memref_squeeze %dma_wait3A_119 : memref<1x125x16xf32, #tpu.memory_space<vmem>> -> memref<125x16xf32, #tpu.memory_space<vmem>>
      %dma_wait3A_121 = arith.constant 0 : i32
      %dma_wait3A_122 = tpu.memref_slice %arg7[%add3A_115, %dma_wait3A_121] : memref<80x125xi32, #tpu.memory_space<vmem>> -> memref<1x125xi32, #tpu.memory_space<vmem>>
      %dma_wait3A_123 = tpu.memref_squeeze %dma_wait3A_122 : memref<1x125xi32, #tpu.memory_space<vmem>> -> memref<125xi32, #tpu.memory_space<vmem>>
      %dma_wait3A_124 = arith.constant 0 : i32
      %dma_wait3A_125 = arith.constant 0 : i32
      %dma_wait3A_126 = tpu.memref_slice %arg10[%dma_wait3A_124, %dma_wait3A_125] : memref<10000x16xf32, #tpu.memory_space<vmem_shared>> -> memref<10000x16xf32, #tpu.memory_space<vmem_shared>>
      %dma_wait3A_127 = tpu.memref_slice %arg12[%dma_wait3A_116] : memref<10x!tpu.dma_semaphore, #tpu.memory_space<semaphore_mem>> -> memref<1x!tpu.dma_semaphore, #tpu.memory_space<semaphore_mem>>
      %dma_wait3A_128 = tpu.memref_squeeze %dma_wait3A_127 : memref<1x!tpu.dma_semaphore, #tpu.memory_space<semaphore_mem>> -> memref<!tpu.dma_semaphore, #tpu.memory_space<semaphore_mem>>
      tpu.wait_indirect_dma semaphore(%dma_wait3A_128 : memref<!tpu.dma_semaphore, #tpu.memory_space<semaphore_mem>>) src(%dma_wait3A_126 : memref<10000x16xf32, #tpu.memory_space<vmem_shared>>) dst(%dma_wait3A_120 : memref<125x16xf32, #tpu.memory_space<vmem>>)
      %run_scoped3A = arith.constant 0 : i32
      "tpu.region"() ({
        %run_scoped3A_352 = tpu.sem_alloc : memref<!tpu.dma_semaphore, #tpu.memory_space<semaphore_mem>>
        %dma_start3A_353 = arith.constant 0 : i32
        %dma_start3A_354 = arith.constant 0 : i32
        %dma_start3A_355 = tpu.memref_slice %arg9[%run_scoped3A, %dma_start3A_353, %dma_start3A_354] : memref<10x125x16xf32, #tpu.memory_space<vmem>> -> memref<1x125x16xf32, #tpu.memory_space<vmem>>
        %dma_start3A_356 = tpu.memref_squeeze %dma_start3A_355 : memref<1x125x16xf32, #tpu.memory_space<vmem>> -> memref<125x16xf32, #tpu.memory_space<vmem>>
        %dma_start3A_357 = arith.constant 0 : i32
        %dma_start3A_358 = tpu.memref_slice %arg8[%add3A_115, %dma_start3A_357] : memref<80x125xi32, #tpu.memory_space<vmem>> -> memref<1x125xi32, #tpu.memory_space<vmem>>
        %dma_start3A_359 = tpu.memref_squeeze %dma_start3A_358 : memref<1x125xi32, #tpu.memory_space<vmem>> -> memref<125xi32, #tpu.memory_space<vmem>>
        %dma_start3A_360 = arith.constant 0 : i32
        %dma_start3A_361 = arith.constant 0 : i32
        %dma_start3A_362 = tpu.memref_slice %arg11[%dma_start3A_360, %dma_start3A_361] : memref<10240x16xf32, #tpu.memory_space<vmem_shared>> -> memref<10240x16xf32, #tpu.memory_space<vmem_shared>>
        tpu.enqueue_indirect_dma source(%dma_start3A_356 : memref<125x16xf32, #tpu.memory_space<vmem>>) target(%dma_start3A_362 : memref<10240x16xf32, #tpu.memory_space<vmem_shared>>) offsets(%dma_start3A_359 : memref<125xi32, #tpu.memory_space<vmem>>) semaphore(%run_scoped3A_352 : memref<!tpu.dma_semaphore, #tpu.memory_space<semaphore_mem>>) {add = true}
        %dma_wait3A_363 = arith.constant 0 : i32
        %dma_wait3A_364 = arith.constant 0 : i32
        %dma_wait3A_365 = tpu.memref_slice %arg9[%run_scoped3A, %dma_wait3A_363, %dma_wait3A_364] : memref<10x125x16xf32, #tpu.memory_space<vmem>> -> memref<1x125x16xf32, #tpu.memory_space<vmem>>
        %dma_wait3A_366 = tpu.memref_squeeze %dma_wait3A_365 : memref<1x125x16xf32, #tpu.memory_space<vmem>> -> memref<125x16xf32, #tpu.memory_space<vmem>>
        %dma_wait3A_367 = arith.constant 0 : i32
        %dma_wait3A_368 = tpu.memref_slice %arg8[%add3A_115, %dma_wait3A_367] : memref<80x125xi32, #tpu.memory_space<vmem>> -> memref<1x125xi32, #tpu.memory_space<vmem>>
        %dma_wait3A_369 = tpu.memref_squeeze %dma_wait3A_368 : memref<1x125xi32, #tpu.memory_space<vmem>> -> memref<125xi32, #tpu.memory_space<vmem>>
        %dma_wait3A_370 = arith.constant 0 : i32
        %dma_wait3A_371 = arith.constant 0 : i32
        %dma_wait3A_372 = tpu.memref_slice %arg11[%dma_wait3A_370, %dma_wait3A_371] : memref<10240x16xf32, #tpu.memory_space<vmem_shared>> -> memref<10240x16xf32, #tpu.memory_space<vmem_shared>>
        tpu.wait_indirect_dma semaphore(%run_scoped3A_352 : memref<!tpu.dma_semaphore, #tpu.memory_space<semaphore_mem>>) src(%dma_wait3A_366 : memref<125x16xf32, #tpu.memory_space<vmem>>) dst(%dma_wait3A_372 : memref<10240x16xf32, #tpu.memory_space<vmem_shared>>)
        tpu.yield
      }) : () -> ()
      %add3A_129 = arith.constant 6 : i32
      %add3A_130 = arith.addi %add3A_115, %add3A_129 : i32
      %lt3A_131 = arith.constant 80 : i32
      %lt3A_132 = arith.cmpi slt, %add3A_130, %lt3A_131 : i32
      %convert_element_type3A_133 = arith.extui %lt3A_132 : i1 to i32
      %cond3A_134 = arith.constant 0 : i32
      %cond3A_135 = arith.cmpi ne, %convert_element_type3A_133, %cond3A_134 : i32
      scf.if %cond3A_135 {
        %dma_start3A_352 = arith.constant 6 : i32
        %dma_start3A_353 = arith.constant 6 : i32
        %dma_start3A_354 = arith.constant 0 : i32
        %dma_start3A_355 = arith.constant 0 : i32
        %dma_start3A_356 = tpu.memref_slice %arg9[%dma_start3A_352, %dma_start3A_354, %dma_start3A_355] : memref<10x125x16xf32, #tpu.memory_space<vmem>> -> memref<1x125x16xf32, #tpu.memory_space<vmem>>
        %dma_start3A_357 = tpu.memref_squeeze %dma_start3A_356 : memref<1x125x16xf32, #tpu.memory_space<vmem>> -> memref<125x16xf32, #tpu.memory_space<vmem>>
        %dma_start3A_358 = arith.constant 0 : i32
        %dma_start3A_359 = tpu.memref_slice %arg7[%add3A_130, %dma_start3A_358] : memref<80x125xi32, #tpu.memory_space<vmem>> -> memref<1x125xi32, #tpu.memory_space<vmem>>
        %dma_start3A_360 = tpu.memref_squeeze %dma_start3A_359 : memref<1x125xi32, #tpu.memory_space<vmem>> -> memref<125xi32, #tpu.memory_space<vmem>>
        %dma_start3A_361 = arith.constant 0 : i32
        %dma_start3A_362 = arith.constant 0 : i32
        %dma_start3A_363 = tpu.memref_slice %arg10[%dma_start3A_361, %dma_start3A_362] : memref<10000x16xf32, #tpu.memory_space<vmem_shared>> -> memref<10000x16xf32, #tpu.memory_space<vmem_shared>>
        %dma_start3A_364 = tpu.memref_slice %arg12[%dma_start3A_353] : memref<10x!tpu.dma_semaphore, #tpu.memory_space<semaphore_mem>> -> memref<1x!tpu.dma_semaphore, #tpu.memory_space<semaphore_mem>>
        %dma_start3A_365 = tpu.memref_squeeze %dma_start3A_364 : memref<1x!tpu.dma_semaphore, #tpu.memory_space<semaphore_mem>> -> memref<!tpu.dma_semaphore, #tpu.memory_space<semaphore_mem>>
        tpu.enqueue_indirect_dma source(%dma_start3A_363 : memref<10000x16xf32, #tpu.memory_space<vmem_shared>>) target(%dma_start3A_357 : memref<125x16xf32, #tpu.memory_space<vmem>>) offsets(%dma_start3A_360 : memref<125xi32, #tpu.memory_space<vmem>>) semaphore(%dma_start3A_365 : memref<!tpu.dma_semaphore, #tpu.memory_space<semaphore_mem>>)
      } else {
      }
      %add3A_136 = arith.constant 1 : i32
      %add3A_137 = arith.addi %mul3A_113, %add3A_136 : i32
      %dma_wait3A_138 = arith.constant 1 : i32
      %dma_wait3A_139 = arith.constant 1 : i32
      %dma_wait3A_140 = arith.constant 0 : i32
      %dma_wait3A_141 = arith.constant 0 : i32
      %dma_wait3A_142 = tpu.memref_slice %arg9[%dma_wait3A_138, %dma_wait3A_140, %dma_wait3A_141] : memref<10x125x16xf32, #tpu.memory_space<vmem>> -> memref<1x125x16xf32, #tpu.memory_space<vmem>>
      %dma_wait3A_143 = tpu.memref_squeeze %dma_wait3A_142 : memref<1x125x16xf32, #tpu.memory_space<vmem>> -> memref<125x16xf32, #tpu.memory_space<vmem>>
      %dma_wait3A_144 = arith.constant 0 : i32
      %dma_wait3A_145 = tpu.memref_slice %arg7[%add3A_137, %dma_wait3A_144] : memref<80x125xi32, #tpu.memory_space<vmem>> -> memref<1x125xi32, #tpu.memory_space<vmem>>
      %dma_wait3A_146 = tpu.memref_squeeze %dma_wait3A_145 : memref<1x125xi32, #tpu.memory_space<vmem>> -> memref<125xi32, #tpu.memory_space<vmem>>
      %dma_wait3A_147 = arith.constant 0 : i32
      %dma_wait3A_148 = arith.constant 0 : i32
      %dma_wait3A_149 = tpu.memref_slice %arg10[%dma_wait3A_147, %dma_wait3A_148] : memref<10000x16xf32, #tpu.memory_space<vmem_shared>> -> memref<10000x16xf32, #tpu.memory_space<vmem_shared>>
      %dma_wait3A_150 = tpu.memref_slice %arg12[%dma_wait3A_139] : memref<10x!tpu.dma_semaphore, #tpu.memory_space<semaphore_mem>> -> memref<1x!tpu.dma_semaphore, #tpu.memory_space<semaphore_mem>>
      %dma_wait3A_151 = tpu.memref_squeeze %dma_wait3A_150 : memref<1x!tpu.dma_semaphore, #tpu.memory_space<semaphore_mem>> -> memref<!tpu.dma_semaphore, #tpu.memory_space<semaphore_mem>>
      tpu.wait_indirect_dma semaphore(%dma_wait3A_151 : memref<!tpu.dma_semaphore, #tpu.memory_space<semaphore_mem>>) src(%dma_wait3A_149 : memref<10000x16xf32, #tpu.memory_space<vmem_shared>>) dst(%dma_wait3A_143 : memref<125x16xf32, #tpu.memory_space<vmem>>)
      %run_scoped3A_152 = arith.constant 1 : i32
      "tpu.region"() ({
        %run_scoped3A_352 = tpu.sem_alloc : memref<!tpu.dma_semaphore, #tpu.memory_space<semaphore_mem>>
        %dma_start3A_353 = arith.constant 0 : i32
        %dma_start3A_354 = arith.constant 0 : i32
        %dma_start3A_355 = tpu.memref_slice %arg9[%run_scoped3A_152, %dma_start3A_353, %dma_start3A_354] : memref<10x125x16xf32, #tpu.memory_space<vmem>> -> memref<1x125x16xf32, #tpu.memory_space<vmem>>
        %dma_start3A_356 = tpu.memref_squeeze %dma_start3A_355 : memref<1x125x16xf32, #tpu.memory_space<vmem>> -> memref<125x16xf32, #tpu.memory_space<vmem>>
        %dma_start3A_357 = arith.constant 0 : i32
        %dma_start3A_358 = tpu.memref_slice %arg8[%add3A_137, %dma_start3A_357] : memref<80x125xi32, #tpu.memory_space<vmem>> -> memref<1x125xi32, #tpu.memory_space<vmem>>
        %dma_start3A_359 = tpu.memref_squeeze %dma_start3A_358 : memref<1x125xi32, #tpu.memory_space<vmem>> -> memref<125xi32, #tpu.memory_space<vmem>>
        %dma_start3A_360 = arith.constant 0 : i32
        %dma_start3A_361 = arith.constant 0 : i32
        %dma_start3A_362 = tpu.memref_slice %arg11[%dma_start3A_360, %dma_start3A_361] : memref<10240x16xf32, #tpu.memory_space<vmem_shared>> -> memref<10240x16xf32, #tpu.memory_space<vmem_shared>>
        tpu.enqueue_indirect_dma source(%dma_start3A_356 : memref<125x16xf32, #tpu.memory_space<vmem>>) target(%dma_start3A_362 : memref<10240x16xf32, #tpu.memory_space<vmem_shared>>) offsets(%dma_start3A_359 : memref<125xi32, #tpu.memory_space<vmem>>) semaphore(%run_scoped3A_352 : memref<!tpu.dma_semaphore, #tpu.memory_space<semaphore_mem>>) {add = true}
        %dma_wait3A_363 = arith.constant 0 : i32
        %dma_wait3A_364 = arith.constant 0 : i32
        %dma_wait3A_365 = tpu.memref_slice %arg9[%run_scoped3A_152, %dma_wait3A_363, %dma_wait3A_364] : memref<10x125x16xf32, #tpu.memory_space<vmem>> -> memref<1x125x16xf32, #tpu.memory_space<vmem>>
        %dma_wait3A_366 = tpu.memref_squeeze %dma_wait3A_365 : memref<1x125x16xf32, #tpu.memory_space<vmem>> -> memref<125x16xf32, #tpu.memory_space<vmem>>
        %dma_wait3A_367 = arith.constant 0 : i32
        %dma_wait3A_368 = tpu.memref_slice %arg8[%add3A_137, %dma_wait3A_367] : memref<80x125xi32, #tpu.memory_space<vmem>> -> memref<1x125xi32, #tpu.memory_space<vmem>>
        %dma_wait3A_369 = tpu.memref_squeeze %dma_wait3A_368 : memref<1x125xi32, #tpu.memory_space<vmem>> -> memref<125xi32, #tpu.memory_space<vmem>>
        %dma_wait3A_370 = arith.constant 0 : i32
        %dma_wait3A_371 = arith.constant 0 : i32
        %dma_wait3A_372 = tpu.memref_slice %arg11[%dma_wait3A_370, %dma_wait3A_371] : memref<10240x16xf32, #tpu.memory_space<vmem_shared>> -> memref<10240x16xf32, #tpu.memory_space<vmem_shared>>
        tpu.wait_indirect_dma semaphore(%run_scoped3A_352 : memref<!tpu.dma_semaphore, #tpu.memory_space<semaphore_mem>>) src(%dma_wait3A_366 : memref<125x16xf32, #tpu.memory_space<vmem>>) dst(%dma_wait3A_372 : memref<10240x16xf32, #tpu.memory_space<vmem_shared>>)
        tpu.yield
      }) : () -> ()
      %add3A_153 = arith.constant 6 : i32
      %add3A_154 = arith.addi %add3A_137, %add3A_153 : i32
      %lt3A_155 = arith.constant 80 : i32
      %lt3A_156 = arith.cmpi slt, %add3A_154, %lt3A_155 : i32
      %convert_element_type3A_157 = arith.extui %lt3A_156 : i1 to i32
      %cond3A_158 = arith.constant 0 : i32
      %cond3A_159 = arith.cmpi ne, %convert_element_type3A_157, %cond3A_158 : i32
      scf.if %cond3A_159 {
        %dma_start3A_352 = arith.constant 7 : i32
        %dma_start3A_353 = arith.constant 7 : i32
        %dma_start3A_354 = arith.constant 0 : i32
        %dma_start3A_355 = arith.constant 0 : i32
        %dma_start3A_356 = tpu.memref_slice %arg9[%dma_start3A_352, %dma_start3A_354, %dma_start3A_355] : memref<10x125x16xf32, #tpu.memory_space<vmem>> -> memref<1x125x16xf32, #tpu.memory_space<vmem>>
        %dma_start3A_357 = tpu.memref_squeeze %dma_start3A_356 : memref<1x125x16xf32, #tpu.memory_space<vmem>> -> memref<125x16xf32, #tpu.memory_space<vmem>>
        %dma_start3A_358 = arith.constant 0 : i32
        %dma_start3A_359 = tpu.memref_slice %arg7[%add3A_154, %dma_start3A_358] : memref<80x125xi32, #tpu.memory_space<vmem>> -> memref<1x125xi32, #tpu.memory_space<vmem>>
        %dma_start3A_360 = tpu.memref_squeeze %dma_start3A_359 : memref<1x125xi32, #tpu.memory_space<vmem>> -> memref<125xi32, #tpu.memory_space<vmem>>
        %dma_start3A_361 = arith.constant 0 : i32
        %dma_start3A_362 = arith.constant 0 : i32
        %dma_start3A_363 = tpu.memref_slice %arg10[%dma_start3A_361, %dma_start3A_362] : memref<10000x16xf32, #tpu.memory_space<vmem_shared>> -> memref<10000x16xf32, #tpu.memory_space<vmem_shared>>
        %dma_start3A_364 = tpu.memref_slice %arg12[%dma_start3A_353] : memref<10x!tpu.dma_semaphore, #tpu.memory_space<semaphore_mem>> -> memref<1x!tpu.dma_semaphore, #tpu.memory_space<semaphore_mem>>
        %dma_start3A_365 = tpu.memref_squeeze %dma_start3A_364 : memref<1x!tpu.dma_semaphore, #tpu.memory_space<semaphore_mem>> -> memref<!tpu.dma_semaphore, #tpu.memory_space<semaphore_mem>>
        tpu.enqueue_indirect_dma source(%dma_start3A_363 : memref<10000x16xf32, #tpu.memory_space<vmem_shared>>) target(%dma_start3A_357 : memref<125x16xf32, #tpu.memory_space<vmem>>) offsets(%dma_start3A_360 : memref<125xi32, #tpu.memory_space<vmem>>) semaphore(%dma_start3A_365 : memref<!tpu.dma_semaphore, #tpu.memory_space<semaphore_mem>>)
      } else {
      }
      %add3A_160 = arith.constant 2 : i32
      %add3A_161 = arith.addi %mul3A_113, %add3A_160 : i32
      %dma_wait3A_162 = arith.constant 2 : i32
      %dma_wait3A_163 = arith.constant 2 : i32
      %dma_wait3A_164 = arith.constant 0 : i32
      %dma_wait3A_165 = arith.constant 0 : i32
      %dma_wait3A_166 = tpu.memref_slice %arg9[%dma_wait3A_162, %dma_wait3A_164, %dma_wait3A_165] : memref<10x125x16xf32, #tpu.memory_space<vmem>> -> memref<1x125x16xf32, #tpu.memory_space<vmem>>
      %dma_wait3A_167 = tpu.memref_squeeze %dma_wait3A_166 : memref<1x125x16xf32, #tpu.memory_space<vmem>> -> memref<125x16xf32, #tpu.memory_space<vmem>>
      %dma_wait3A_168 = arith.constant 0 : i32
      %dma_wait3A_169 = tpu.memref_slice %arg7[%add3A_161, %dma_wait3A_168] : memref<80x125xi32, #tpu.memory_space<vmem>> -> memref<1x125xi32, #tpu.memory_space<vmem>>
      %dma_wait3A_170 = tpu.memref_squeeze %dma_wait3A_169 : memref<1x125xi32, #tpu.memory_space<vmem>> -> memref<125xi32, #tpu.memory_space<vmem>>
      %dma_wait3A_171 = arith.constant 0 : i32
      %dma_wait3A_172 = arith.constant 0 : i32
      %dma_wait3A_173 = tpu.memref_slice %arg10[%dma_wait3A_171, %dma_wait3A_172] : memref<10000x16xf32, #tpu.memory_space<vmem_shared>> -> memref<10000x16xf32, #tpu.memory_space<vmem_shared>>
      %dma_wait3A_174 = tpu.memref_slice %arg12[%dma_wait3A_163] : memref<10x!tpu.dma_semaphore, #tpu.memory_space<semaphore_mem>> -> memref<1x!tpu.dma_semaphore, #tpu.memory_space<semaphore_mem>>
      %dma_wait3A_175 = tpu.memref_squeeze %dma_wait3A_174 : memref<1x!tpu.dma_semaphore, #tpu.memory_space<semaphore_mem>> -> memref<!tpu.dma_semaphore, #tpu.memory_space<semaphore_mem>>
      tpu.wait_indirect_dma semaphore(%dma_wait3A_175 : memref<!tpu.dma_semaphore, #tpu.memory_space<semaphore_mem>>) src(%dma_wait3A_173 : memref<10000x16xf32, #tpu.memory_space<vmem_shared>>) dst(%dma_wait3A_167 : memref<125x16xf32, #tpu.memory_space<vmem>>)
      %run_scoped3A_176 = arith.constant 2 : i32
      "tpu.region"() ({
        %run_scoped3A_352 = tpu.sem_alloc : memref<!tpu.dma_semaphore, #tpu.memory_space<semaphore_mem>>
        %dma_start3A_353 = arith.constant 0 : i32
        %dma_start3A_354 = arith.constant 0 : i32
        %dma_start3A_355 = tpu.memref_slice %arg9[%run_scoped3A_176, %dma_start3A_353, %dma_start3A_354] : memref<10x125x16xf32, #tpu.memory_space<vmem>> -> memref<1x125x16xf32, #tpu.memory_space<vmem>>
        %dma_start3A_356 = tpu.memref_squeeze %dma_start3A_355 : memref<1x125x16xf32, #tpu.memory_space<vmem>> -> memref<125x16xf32, #tpu.memory_space<vmem>>
        %dma_start3A_357 = arith.constant 0 : i32
        %dma_start3A_358 = tpu.memref_slice %arg8[%add3A_161, %dma_start3A_357] : memref<80x125xi32, #tpu.memory_space<vmem>> -> memref<1x125xi32, #tpu.memory_space<vmem>>
        %dma_start3A_359 = tpu.memref_squeeze %dma_start3A_358 : memref<1x125xi32, #tpu.memory_space<vmem>> -> memref<125xi32, #tpu.memory_space<vmem>>
        %dma_start3A_360 = arith.constant 0 : i32
        %dma_start3A_361 = arith.constant 0 : i32
        %dma_start3A_362 = tpu.memref_slice %arg11[%dma_start3A_360, %dma_start3A_361] : memref<10240x16xf32, #tpu.memory_space<vmem_shared>> -> memref<10240x16xf32, #tpu.memory_space<vmem_shared>>
        tpu.enqueue_indirect_dma source(%dma_start3A_356 : memref<125x16xf32, #tpu.memory_space<vmem>>) target(%dma_start3A_362 : memref<10240x16xf32, #tpu.memory_space<vmem_shared>>) offsets(%dma_start3A_359 : memref<125xi32, #tpu.memory_space<vmem>>) semaphore(%run_scoped3A_352 : memref<!tpu.dma_semaphore, #tpu.memory_space<semaphore_mem>>) {add = true}
        %dma_wait3A_363 = arith.constant 0 : i32
        %dma_wait3A_364 = arith.constant 0 : i32
        %dma_wait3A_365 = tpu.memref_slice %arg9[%run_scoped3A_176, %dma_wait3A_363, %dma_wait3A_364] : memref<10x125x16xf32, #tpu.memory_space<vmem>> -> memref<1x125x16xf32, #tpu.memory_space<vmem>>
        %dma_wait3A_366 = tpu.memref_squeeze %dma_wait3A_365 : memref<1x125x16xf32, #tpu.memory_space<vmem>> -> memref<125x16xf32, #tpu.memory_space<vmem>>
        %dma_wait3A_367 = arith.constant 0 : i32
        %dma_wait3A_368 = tpu.memref_slice %arg8[%add3A_161, %dma_wait3A_367] : memref<80x125xi32, #tpu.memory_space<vmem>> -> memref<1x125xi32, #tpu.memory_space<vmem>>
        %dma_wait3A_369 = tpu.memref_squeeze %dma_wait3A_368 : memref<1x125xi32, #tpu.memory_space<vmem>> -> memref<125xi32, #tpu.memory_space<vmem>>
        %dma_wait3A_370 = arith.constant 0 : i32
        %dma_wait3A_371 = arith.constant 0 : i32
        %dma_wait3A_372 = tpu.memref_slice %arg11[%dma_wait3A_370, %dma_wait3A_371] : memref<10240x16xf32, #tpu.memory_space<vmem_shared>> -> memref<10240x16xf32, #tpu.memory_space<vmem_shared>>
        tpu.wait_indirect_dma semaphore(%run_scoped3A_352 : memref<!tpu.dma_semaphore, #tpu.memory_space<semaphore_mem>>) src(%dma_wait3A_366 : memref<125x16xf32, #tpu.memory_space<vmem>>) dst(%dma_wait3A_372 : memref<10240x16xf32, #tpu.memory_space<vmem_shared>>)
        tpu.yield
      }) : () -> ()
      %add3A_177 = arith.constant 6 : i32
      %add3A_178 = arith.addi %add3A_161, %add3A_177 : i32
      %lt3A_179 = arith.constant 80 : i32
      %lt3A_180 = arith.cmpi slt, %add3A_178, %lt3A_179 : i32
      %convert_element_type3A_181 = arith.extui %lt3A_180 : i1 to i32
      %cond3A_182 = arith.constant 0 : i32
      %cond3A_183 = arith.cmpi ne, %convert_element_type3A_181, %cond3A_182 : i32
      scf.if %cond3A_183 {
        %dma_start3A_352 = arith.constant 8 : i32
        %dma_start3A_353 = arith.constant 8 : i32
        %dma_start3A_354 = arith.constant 0 : i32
        %dma_start3A_355 = arith.constant 0 : i32
        %dma_start3A_356 = tpu.memref_slice %arg9[%dma_start3A_352, %dma_start3A_354, %dma_start3A_355] : memref<10x125x16xf32, #tpu.memory_space<vmem>> -> memref<1x125x16xf32, #tpu.memory_space<vmem>>
        %dma_start3A_357 = tpu.memref_squeeze %dma_start3A_356 : memref<1x125x16xf32, #tpu.memory_space<vmem>> -> memref<125x16xf32, #tpu.memory_space<vmem>>
        %dma_start3A_358 = arith.constant 0 : i32
        %dma_start3A_359 = tpu.memref_slice %arg7[%add3A_178, %dma_start3A_358] : memref<80x125xi32, #tpu.memory_space<vmem>> -> memref<1x125xi32, #tpu.memory_space<vmem>>
        %dma_start3A_360 = tpu.memref_squeeze %dma_start3A_359 : memref<1x125xi32, #tpu.memory_space<vmem>> -> memref<125xi32, #tpu.memory_space<vmem>>
        %dma_start3A_361 = arith.constant 0 : i32
        %dma_start3A_362 = arith.constant 0 : i32
        %dma_start3A_363 = tpu.memref_slice %arg10[%dma_start3A_361, %dma_start3A_362] : memref<10000x16xf32, #tpu.memory_space<vmem_shared>> -> memref<10000x16xf32, #tpu.memory_space<vmem_shared>>
        %dma_start3A_364 = tpu.memref_slice %arg12[%dma_start3A_353] : memref<10x!tpu.dma_semaphore, #tpu.memory_space<semaphore_mem>> -> memref<1x!tpu.dma_semaphore, #tpu.memory_space<semaphore_mem>>
        %dma_start3A_365 = tpu.memref_squeeze %dma_start3A_364 : memref<1x!tpu.dma_semaphore, #tpu.memory_space<semaphore_mem>> -> memref<!tpu.dma_semaphore, #tpu.memory_space<semaphore_mem>>
        tpu.enqueue_indirect_dma source(%dma_start3A_363 : memref<10000x16xf32, #tpu.memory_space<vmem_shared>>) target(%dma_start3A_357 : memref<125x16xf32, #tpu.memory_space<vmem>>) offsets(%dma_start3A_360 : memref<125xi32, #tpu.memory_space<vmem>>) semaphore(%dma_start3A_365 : memref<!tpu.dma_semaphore, #tpu.memory_space<semaphore_mem>>)
      } else {
      }
      %add3A_184 = arith.constant 3 : i32
      %add3A_185 = arith.addi %mul3A_113, %add3A_184 : i32
      %dma_wait3A_186 = arith.constant 3 : i32
      %dma_wait3A_187 = arith.constant 3 : i32
      %dma_wait3A_188 = arith.constant 0 : i32
      %dma_wait3A_189 = arith.constant 0 : i32
      %dma_wait3A_190 = tpu.memref_slice %arg9[%dma_wait3A_186, %dma_wait3A_188, %dma_wait3A_189] : memref<10x125x16xf32, #tpu.memory_space<vmem>> -> memref<1x125x16xf32, #tpu.memory_space<vmem>>
      %dma_wait3A_191 = tpu.memref_squeeze %dma_wait3A_190 : memref<1x125x16xf32, #tpu.memory_space<vmem>> -> memref<125x16xf32, #tpu.memory_space<vmem>>
      %dma_wait3A_192 = arith.constant 0 : i32
      %dma_wait3A_193 = tpu.memref_slice %arg7[%add3A_185, %dma_wait3A_192] : memref<80x125xi32, #tpu.memory_space<vmem>> -> memref<1x125xi32, #tpu.memory_space<vmem>>
      %dma_wait3A_194 = tpu.memref_squeeze %dma_wait3A_193 : memref<1x125xi32, #tpu.memory_space<vmem>> -> memref<125xi32, #tpu.memory_space<vmem>>
      %dma_wait3A_195 = arith.constant 0 : i32
      %dma_wait3A_196 = arith.constant 0 : i32
      %dma_wait3A_197 = tpu.memref_slice %arg10[%dma_wait3A_195, %dma_wait3A_196] : memref<10000x16xf32, #tpu.memory_space<vmem_shared>> -> memref<10000x16xf32, #tpu.memory_space<vmem_shared>>
      %dma_wait3A_198 = tpu.memref_slice %arg12[%dma_wait3A_187] : memref<10x!tpu.dma_semaphore, #tpu.memory_space<semaphore_mem>> -> memref<1x!tpu.dma_semaphore, #tpu.memory_space<semaphore_mem>>
      %dma_wait3A_199 = tpu.memref_squeeze %dma_wait3A_198 : memref<1x!tpu.dma_semaphore, #tpu.memory_space<semaphore_mem>> -> memref<!tpu.dma_semaphore, #tpu.memory_space<semaphore_mem>>
      tpu.wait_indirect_dma semaphore(%dma_wait3A_199 : memref<!tpu.dma_semaphore, #tpu.memory_space<semaphore_mem>>) src(%dma_wait3A_197 : memref<10000x16xf32, #tpu.memory_space<vmem_shared>>) dst(%dma_wait3A_191 : memref<125x16xf32, #tpu.memory_space<vmem>>)
      %run_scoped3A_200 = arith.constant 3 : i32
      "tpu.region"() ({
        %run_scoped3A_352 = tpu.sem_alloc : memref<!tpu.dma_semaphore, #tpu.memory_space<semaphore_mem>>
        %dma_start3A_353 = arith.constant 0 : i32
        %dma_start3A_354 = arith.constant 0 : i32
        %dma_start3A_355 = tpu.memref_slice %arg9[%run_scoped3A_200, %dma_start3A_353, %dma_start3A_354] : memref<10x125x16xf32, #tpu.memory_space<vmem>> -> memref<1x125x16xf32, #tpu.memory_space<vmem>>
        %dma_start3A_356 = tpu.memref_squeeze %dma_start3A_355 : memref<1x125x16xf32, #tpu.memory_space<vmem>> -> memref<125x16xf32, #tpu.memory_space<vmem>>
        %dma_start3A_357 = arith.constant 0 : i32
        %dma_start3A_358 = tpu.memref_slice %arg8[%add3A_185, %dma_start3A_357] : memref<80x125xi32, #tpu.memory_space<vmem>> -> memref<1x125xi32, #tpu.memory_space<vmem>>
        %dma_start3A_359 = tpu.memref_squeeze %dma_start3A_358 : memref<1x125xi32, #tpu.memory_space<vmem>> -> memref<125xi32, #tpu.memory_space<vmem>>
        %dma_start3A_360 = arith.constant 0 : i32
        %dma_start3A_361 = arith.constant 0 : i32
        %dma_start3A_362 = tpu.memref_slice %arg11[%dma_start3A_360, %dma_start3A_361] : memref<10240x16xf32, #tpu.memory_space<vmem_shared>> -> memref<10240x16xf32, #tpu.memory_space<vmem_shared>>
        tpu.enqueue_indirect_dma source(%dma_start3A_356 : memref<125x16xf32, #tpu.memory_space<vmem>>) target(%dma_start3A_362 : memref<10240x16xf32, #tpu.memory_space<vmem_shared>>) offsets(%dma_start3A_359 : memref<125xi32, #tpu.memory_space<vmem>>) semaphore(%run_scoped3A_352 : memref<!tpu.dma_semaphore, #tpu.memory_space<semaphore_mem>>) {add = true}
        %dma_wait3A_363 = arith.constant 0 : i32
        %dma_wait3A_364 = arith.constant 0 : i32
        %dma_wait3A_365 = tpu.memref_slice %arg9[%run_scoped3A_200, %dma_wait3A_363, %dma_wait3A_364] : memref<10x125x16xf32, #tpu.memory_space<vmem>> -> memref<1x125x16xf32, #tpu.memory_space<vmem>>
        %dma_wait3A_366 = tpu.memref_squeeze %dma_wait3A_365 : memref<1x125x16xf32, #tpu.memory_space<vmem>> -> memref<125x16xf32, #tpu.memory_space<vmem>>
        %dma_wait3A_367 = arith.constant 0 : i32
        %dma_wait3A_368 = tpu.memref_slice %arg8[%add3A_185, %dma_wait3A_367] : memref<80x125xi32, #tpu.memory_space<vmem>> -> memref<1x125xi32, #tpu.memory_space<vmem>>
        %dma_wait3A_369 = tpu.memref_squeeze %dma_wait3A_368 : memref<1x125xi32, #tpu.memory_space<vmem>> -> memref<125xi32, #tpu.memory_space<vmem>>
        %dma_wait3A_370 = arith.constant 0 : i32
        %dma_wait3A_371 = arith.constant 0 : i32
        %dma_wait3A_372 = tpu.memref_slice %arg11[%dma_wait3A_370, %dma_wait3A_371] : memref<10240x16xf32, #tpu.memory_space<vmem_shared>> -> memref<10240x16xf32, #tpu.memory_space<vmem_shared>>
        tpu.wait_indirect_dma semaphore(%run_scoped3A_352 : memref<!tpu.dma_semaphore, #tpu.memory_space<semaphore_mem>>) src(%dma_wait3A_366 : memref<125x16xf32, #tpu.memory_space<vmem>>) dst(%dma_wait3A_372 : memref<10240x16xf32, #tpu.memory_space<vmem_shared>>)
        tpu.yield
      }) : () -> ()
      %add3A_201 = arith.constant 6 : i32
      %add3A_202 = arith.addi %add3A_185, %add3A_201 : i32
      %lt3A_203 = arith.constant 80 : i32
      %lt3A_204 = arith.cmpi slt, %add3A_202, %lt3A_203 : i32
      %convert_element_type3A_205 = arith.extui %lt3A_204 : i1 to i32
      %cond3A_206 = arith.constant 0 : i32
      %cond3A_207 = arith.cmpi ne, %convert_element_type3A_205, %cond3A_206 : i32
      scf.if %cond3A_207 {
        %dma_start3A_352 = arith.constant 9 : i32
        %dma_start3A_353 = arith.constant 9 : i32
        %dma_start3A_354 = arith.constant 0 : i32
        %dma_start3A_355 = arith.constant 0 : i32
        %dma_start3A_356 = tpu.memref_slice %arg9[%dma_start3A_352, %dma_start3A_354, %dma_start3A_355] : memref<10x125x16xf32, #tpu.memory_space<vmem>> -> memref<1x125x16xf32, #tpu.memory_space<vmem>>
        %dma_start3A_357 = tpu.memref_squeeze %dma_start3A_356 : memref<1x125x16xf32, #tpu.memory_space<vmem>> -> memref<125x16xf32, #tpu.memory_space<vmem>>
        %dma_start3A_358 = arith.constant 0 : i32
        %dma_start3A_359 = tpu.memref_slice %arg7[%add3A_202, %dma_start3A_358] : memref<80x125xi32, #tpu.memory_space<vmem>> -> memref<1x125xi32, #tpu.memory_space<vmem>>
        %dma_start3A_360 = tpu.memref_squeeze %dma_start3A_359 : memref<1x125xi32, #tpu.memory_space<vmem>> -> memref<125xi32, #tpu.memory_space<vmem>>
        %dma_start3A_361 = arith.constant 0 : i32
        %dma_start3A_362 = arith.constant 0 : i32
        %dma_start3A_363 = tpu.memref_slice %arg10[%dma_start3A_361, %dma_start3A_362] : memref<10000x16xf32, #tpu.memory_space<vmem_shared>> -> memref<10000x16xf32, #tpu.memory_space<vmem_shared>>
        %dma_start3A_364 = tpu.memref_slice %arg12[%dma_start3A_353] : memref<10x!tpu.dma_semaphore, #tpu.memory_space<semaphore_mem>> -> memref<1x!tpu.dma_semaphore, #tpu.memory_space<semaphore_mem>>
        %dma_start3A_365 = tpu.memref_squeeze %dma_start3A_364 : memref<1x!tpu.dma_semaphore, #tpu.memory_space<semaphore_mem>> -> memref<!tpu.dma_semaphore, #tpu.memory_space<semaphore_mem>>
        tpu.enqueue_indirect_dma source(%dma_start3A_363 : memref<10000x16xf32, #tpu.memory_space<vmem_shared>>) target(%dma_start3A_357 : memref<125x16xf32, #tpu.memory_space<vmem>>) offsets(%dma_start3A_360 : memref<125xi32, #tpu.memory_space<vmem>>) semaphore(%dma_start3A_365 : memref<!tpu.dma_semaphore, #tpu.memory_space<semaphore_mem>>)
      } else {
      }
      %add3A_208 = arith.constant 4 : i32
      %add3A_209 = arith.addi %mul3A_113, %add3A_208 : i32
      %dma_wait3A_210 = arith.constant 4 : i32
      %dma_wait3A_211 = arith.constant 4 : i32
      %dma_wait3A_212 = arith.constant 0 : i32
      %dma_wait3A_213 = arith.constant 0 : i32
      %dma_wait3A_214 = tpu.memref_slice %arg9[%dma_wait3A_210, %dma_wait3A_212, %dma_wait3A_213] : memref<10x125x16xf32, #tpu.memory_space<vmem>> -> memref<1x125x16xf32, #tpu.memory_space<vmem>>
      %dma_wait3A_215 = tpu.memref_squeeze %dma_wait3A_214 : memref<1x125x16xf32, #tpu.memory_space<vmem>> -> memref<125x16xf32, #tpu.memory_space<vmem>>
      %dma_wait3A_216 = arith.constant 0 : i32
      %dma_wait3A_217 = tpu.memref_slice %arg7[%add3A_209, %dma_wait3A_216] : memref<80x125xi32, #tpu.memory_space<vmem>> -> memref<1x125xi32, #tpu.memory_space<vmem>>
      %dma_wait3A_218 = tpu.memref_squeeze %dma_wait3A_217 : memref<1x125xi32, #tpu.memory_space<vmem>> -> memref<125xi32, #tpu.memory_space<vmem>>
      %dma_wait3A_219 = arith.constant 0 : i32
      %dma_wait3A_220 = arith.constant 0 : i32
      %dma_wait3A_221 = tpu.memref_slice %arg10[%dma_wait3A_219, %dma_wait3A_220] : memref<10000x16xf32, #tpu.memory_space<vmem_shared>> -> memref<10000x16xf32, #tpu.memory_space<vmem_shared>>
      %dma_wait3A_222 = tpu.memref_slice %arg12[%dma_wait3A_211] : memref<10x!tpu.dma_semaphore, #tpu.memory_space<semaphore_mem>> -> memref<1x!tpu.dma_semaphore, #tpu.memory_space<semaphore_mem>>
      %dma_wait3A_223 = tpu.memref_squeeze %dma_wait3A_222 : memref<1x!tpu.dma_semaphore, #tpu.memory_space<semaphore_mem>> -> memref<!tpu.dma_semaphore, #tpu.memory_space<semaphore_mem>>
      tpu.wait_indirect_dma semaphore(%dma_wait3A_223 : memref<!tpu.dma_semaphore, #tpu.memory_space<semaphore_mem>>) src(%dma_wait3A_221 : memref<10000x16xf32, #tpu.memory_space<vmem_shared>>) dst(%dma_wait3A_215 : memref<125x16xf32, #tpu.memory_space<vmem>>)
      %run_scoped3A_224 = arith.constant 4 : i32
      "tpu.region"() ({
        %run_scoped3A_352 = tpu.sem_alloc : memref<!tpu.dma_semaphore, #tpu.memory_space<semaphore_mem>>
        %dma_start3A_353 = arith.constant 0 : i32
        %dma_start3A_354 = arith.constant 0 : i32
        %dma_start3A_355 = tpu.memref_slice %arg9[%run_scoped3A_224, %dma_start3A_353, %dma_start3A_354] : memref<10x125x16xf32, #tpu.memory_space<vmem>> -> memref<1x125x16xf32, #tpu.memory_space<vmem>>
        %dma_start3A_356 = tpu.memref_squeeze %dma_start3A_355 : memref<1x125x16xf32, #tpu.memory_space<vmem>> -> memref<125x16xf32, #tpu.memory_space<vmem>>
        %dma_start3A_357 = arith.constant 0 : i32
        %dma_start3A_358 = tpu.memref_slice %arg8[%add3A_209, %dma_start3A_357] : memref<80x125xi32, #tpu.memory_space<vmem>> -> memref<1x125xi32, #tpu.memory_space<vmem>>
        %dma_start3A_359 = tpu.memref_squeeze %dma_start3A_358 : memref<1x125xi32, #tpu.memory_space<vmem>> -> memref<125xi32, #tpu.memory_space<vmem>>
        %dma_start3A_360 = arith.constant 0 : i32
        %dma_start3A_361 = arith.constant 0 : i32
        %dma_start3A_362 = tpu.memref_slice %arg11[%dma_start3A_360, %dma_start3A_361] : memref<10240x16xf32, #tpu.memory_space<vmem_shared>> -> memref<10240x16xf32, #tpu.memory_space<vmem_shared>>
        tpu.enqueue_indirect_dma source(%dma_start3A_356 : memref<125x16xf32, #tpu.memory_space<vmem>>) target(%dma_start3A_362 : memref<10240x16xf32, #tpu.memory_space<vmem_shared>>) offsets(%dma_start3A_359 : memref<125xi32, #tpu.memory_space<vmem>>) semaphore(%run_scoped3A_352 : memref<!tpu.dma_semaphore, #tpu.memory_space<semaphore_mem>>) {add = true}
        %dma_wait3A_363 = arith.constant 0 : i32
        %dma_wait3A_364 = arith.constant 0 : i32
        %dma_wait3A_365 = tpu.memref_slice %arg9[%run_scoped3A_224, %dma_wait3A_363, %dma_wait3A_364] : memref<10x125x16xf32, #tpu.memory_space<vmem>> -> memref<1x125x16xf32, #tpu.memory_space<vmem>>
        %dma_wait3A_366 = tpu.memref_squeeze %dma_wait3A_365 : memref<1x125x16xf32, #tpu.memory_space<vmem>> -> memref<125x16xf32, #tpu.memory_space<vmem>>
        %dma_wait3A_367 = arith.constant 0 : i32
        %dma_wait3A_368 = tpu.memref_slice %arg8[%add3A_209, %dma_wait3A_367] : memref<80x125xi32, #tpu.memory_space<vmem>> -> memref<1x125xi32, #tpu.memory_space<vmem>>
        %dma_wait3A_369 = tpu.memref_squeeze %dma_wait3A_368 : memref<1x125xi32, #tpu.memory_space<vmem>> -> memref<125xi32, #tpu.memory_space<vmem>>
        %dma_wait3A_370 = arith.constant 0 : i32
        %dma_wait3A_371 = arith.constant 0 : i32
        %dma_wait3A_372 = tpu.memref_slice %arg11[%dma_wait3A_370, %dma_wait3A_371] : memref<10240x16xf32, #tpu.memory_space<vmem_shared>> -> memref<10240x16xf32, #tpu.memory_space<vmem_shared>>
        tpu.wait_indirect_dma semaphore(%run_scoped3A_352 : memref<!tpu.dma_semaphore, #tpu.memory_space<semaphore_mem>>) src(%dma_wait3A_366 : memref<125x16xf32, #tpu.memory_space<vmem>>) dst(%dma_wait3A_372 : memref<10240x16xf32, #tpu.memory_space<vmem_shared>>)
        tpu.yield
      }) : () -> ()
      %add3A_225 = arith.constant 6 : i32
      %add3A_226 = arith.addi %add3A_209, %add3A_225 : i32
      %lt3A_227 = arith.constant 80 : i32
      %lt3A_228 = arith.cmpi slt, %add3A_226, %lt3A_227 : i32
      %convert_element_type3A_229 = arith.extui %lt3A_228 : i1 to i32
      %cond3A_230 = arith.constant 0 : i32
      %cond3A_231 = arith.cmpi ne, %convert_element_type3A_229, %cond3A_230 : i32
      scf.if %cond3A_231 {
        %dma_start3A_352 = arith.constant 0 : i32
        %dma_start3A_353 = arith.constant 0 : i32
        %dma_start3A_354 = arith.constant 0 : i32
        %dma_start3A_355 = arith.constant 0 : i32
        %dma_start3A_356 = tpu.memref_slice %arg9[%dma_start3A_352, %dma_start3A_354, %dma_start3A_355] : memref<10x125x16xf32, #tpu.memory_space<vmem>> -> memref<1x125x16xf32, #tpu.memory_space<vmem>>
        %dma_start3A_357 = tpu.memref_squeeze %dma_start3A_356 : memref<1x125x16xf32, #tpu.memory_space<vmem>> -> memref<125x16xf32, #tpu.memory_space<vmem>>
        %dma_start3A_358 = arith.constant 0 : i32
        %dma_start3A_359 = tpu.memref_slice %arg7[%add3A_226, %dma_start3A_358] : memref<80x125xi32, #tpu.memory_space<vmem>> -> memref<1x125xi32, #tpu.memory_space<vmem>>
        %dma_start3A_360 = tpu.memref_squeeze %dma_start3A_359 : memref<1x125xi32, #tpu.memory_space<vmem>> -> memref<125xi32, #tpu.memory_space<vmem>>
        %dma_start3A_361 = arith.constant 0 : i32
        %dma_start3A_362 = arith.constant 0 : i32
        %dma_start3A_363 = tpu.memref_slice %arg10[%dma_start3A_361, %dma_start3A_362] : memref<10000x16xf32, #tpu.memory_space<vmem_shared>> -> memref<10000x16xf32, #tpu.memory_space<vmem_shared>>
        %dma_start3A_364 = tpu.memref_slice %arg12[%dma_start3A_353] : memref<10x!tpu.dma_semaphore, #tpu.memory_space<semaphore_mem>> -> memref<1x!tpu.dma_semaphore, #tpu.memory_space<semaphore_mem>>
        %dma_start3A_365 = tpu.memref_squeeze %dma_start3A_364 : memref<1x!tpu.dma_semaphore, #tpu.memory_space<semaphore_mem>> -> memref<!tpu.dma_semaphore, #tpu.memory_space<semaphore_mem>>
        tpu.enqueue_indirect_dma source(%dma_start3A_363 : memref<10000x16xf32, #tpu.memory_space<vmem_shared>>) target(%dma_start3A_357 : memref<125x16xf32, #tpu.memory_space<vmem>>) offsets(%dma_start3A_360 : memref<125xi32, #tpu.memory_space<vmem>>) semaphore(%dma_start3A_365 : memref<!tpu.dma_semaphore, #tpu.memory_space<semaphore_mem>>)
      } else {
      }
      %add3A_232 = arith.constant 5 : i32
      %add3A_233 = arith.addi %mul3A_113, %add3A_232 : i32
      %dma_wait3A_234 = arith.constant 5 : i32
      %dma_wait3A_235 = arith.constant 5 : i32
      %dma_wait3A_236 = arith.constant 0 : i32
      %dma_wait3A_237 = arith.constant 0 : i32
      %dma_wait3A_238 = tpu.memref_slice %arg9[%dma_wait3A_234, %dma_wait3A_236, %dma_wait3A_237] : memref<10x125x16xf32, #tpu.memory_space<vmem>> -> memref<1x125x16xf32, #tpu.memory_space<vmem>>
      %dma_wait3A_239 = tpu.memref_squeeze %dma_wait3A_238 : memref<1x125x16xf32, #tpu.memory_space<vmem>> -> memref<125x16xf32, #tpu.memory_space<vmem>>
      %dma_wait3A_240 = arith.constant 0 : i32
      %dma_wait3A_241 = tpu.memref_slice %arg7[%add3A_233, %dma_wait3A_240] : memref<80x125xi32, #tpu.memory_space<vmem>> -> memref<1x125xi32, #tpu.memory_space<vmem>>
      %dma_wait3A_242 = tpu.memref_squeeze %dma_wait3A_241 : memref<1x125xi32, #tpu.memory_space<vmem>> -> memref<125xi32, #tpu.memory_space<vmem>>
      %dma_wait3A_243 = arith.constant 0 : i32
      %dma_wait3A_244 = arith.constant 0 : i32
      %dma_wait3A_245 = tpu.memref_slice %arg10[%dma_wait3A_243, %dma_wait3A_244] : memref<10000x16xf32, #tpu.memory_space<vmem_shared>> -> memref<10000x16xf32, #tpu.memory_space<vmem_shared>>
      %dma_wait3A_246 = tpu.memref_slice %arg12[%dma_wait3A_235] : memref<10x!tpu.dma_semaphore, #tpu.memory_space<semaphore_mem>> -> memref<1x!tpu.dma_semaphore, #tpu.memory_space<semaphore_mem>>
      %dma_wait3A_247 = tpu.memref_squeeze %dma_wait3A_246 : memref<1x!tpu.dma_semaphore, #tpu.memory_space<semaphore_mem>> -> memref<!tpu.dma_semaphore, #tpu.memory_space<semaphore_mem>>
      tpu.wait_indirect_dma semaphore(%dma_wait3A_247 : memref<!tpu.dma_semaphore, #tpu.memory_space<semaphore_mem>>) src(%dma_wait3A_245 : memref<10000x16xf32, #tpu.memory_space<vmem_shared>>) dst(%dma_wait3A_239 : memref<125x16xf32, #tpu.memory_space<vmem>>)
      %run_scoped3A_248 = arith.constant 5 : i32
      "tpu.region"() ({
        %run_scoped3A_352 = tpu.sem_alloc : memref<!tpu.dma_semaphore, #tpu.memory_space<semaphore_mem>>
        %dma_start3A_353 = arith.constant 0 : i32
        %dma_start3A_354 = arith.constant 0 : i32
        %dma_start3A_355 = tpu.memref_slice %arg9[%run_scoped3A_248, %dma_start3A_353, %dma_start3A_354] : memref<10x125x16xf32, #tpu.memory_space<vmem>> -> memref<1x125x16xf32, #tpu.memory_space<vmem>>
        %dma_start3A_356 = tpu.memref_squeeze %dma_start3A_355 : memref<1x125x16xf32, #tpu.memory_space<vmem>> -> memref<125x16xf32, #tpu.memory_space<vmem>>
        %dma_start3A_357 = arith.constant 0 : i32
        %dma_start3A_358 = tpu.memref_slice %arg8[%add3A_233, %dma_start3A_357] : memref<80x125xi32, #tpu.memory_space<vmem>> -> memref<1x125xi32, #tpu.memory_space<vmem>>
        %dma_start3A_359 = tpu.memref_squeeze %dma_start3A_358 : memref<1x125xi32, #tpu.memory_space<vmem>> -> memref<125xi32, #tpu.memory_space<vmem>>
        %dma_start3A_360 = arith.constant 0 : i32
        %dma_start3A_361 = arith.constant 0 : i32
        %dma_start3A_362 = tpu.memref_slice %arg11[%dma_start3A_360, %dma_start3A_361] : memref<10240x16xf32, #tpu.memory_space<vmem_shared>> -> memref<10240x16xf32, #tpu.memory_space<vmem_shared>>
        tpu.enqueue_indirect_dma source(%dma_start3A_356 : memref<125x16xf32, #tpu.memory_space<vmem>>) target(%dma_start3A_362 : memref<10240x16xf32, #tpu.memory_space<vmem_shared>>) offsets(%dma_start3A_359 : memref<125xi32, #tpu.memory_space<vmem>>) semaphore(%run_scoped3A_352 : memref<!tpu.dma_semaphore, #tpu.memory_space<semaphore_mem>>) {add = true}
        %dma_wait3A_363 = arith.constant 0 : i32
        %dma_wait3A_364 = arith.constant 0 : i32
        %dma_wait3A_365 = tpu.memref_slice %arg9[%run_scoped3A_248, %dma_wait3A_363, %dma_wait3A_364] : memref<10x125x16xf32, #tpu.memory_space<vmem>> -> memref<1x125x16xf32, #tpu.memory_space<vmem>>
        %dma_wait3A_366 = tpu.memref_squeeze %dma_wait3A_365 : memref<1x125x16xf32, #tpu.memory_space<vmem>> -> memref<125x16xf32, #tpu.memory_space<vmem>>
        %dma_wait3A_367 = arith.constant 0 : i32
        %dma_wait3A_368 = tpu.memref_slice %arg8[%add3A_233, %dma_wait3A_367] : memref<80x125xi32, #tpu.memory_space<vmem>> -> memref<1x125xi32, #tpu.memory_space<vmem>>
        %dma_wait3A_369 = tpu.memref_squeeze %dma_wait3A_368 : memref<1x125xi32, #tpu.memory_space<vmem>> -> memref<125xi32, #tpu.memory_space<vmem>>
        %dma_wait3A_370 = arith.constant 0 : i32
        %dma_wait3A_371 = arith.constant 0 : i32
        %dma_wait3A_372 = tpu.memref_slice %arg11[%dma_wait3A_370, %dma_wait3A_371] : memref<10240x16xf32, #tpu.memory_space<vmem_shared>> -> memref<10240x16xf32, #tpu.memory_space<vmem_shared>>
        tpu.wait_indirect_dma semaphore(%run_scoped3A_352 : memref<!tpu.dma_semaphore, #tpu.memory_space<semaphore_mem>>) src(%dma_wait3A_366 : memref<125x16xf32, #tpu.memory_space<vmem>>) dst(%dma_wait3A_372 : memref<10240x16xf32, #tpu.memory_space<vmem_shared>>)
        tpu.yield
      }) : () -> ()
      %add3A_249 = arith.constant 6 : i32
      %add3A_250 = arith.addi %add3A_233, %add3A_249 : i32
      %lt3A_251 = arith.constant 80 : i32
      %lt3A_252 = arith.cmpi slt, %add3A_250, %lt3A_251 : i32
      %convert_element_type3A_253 = arith.extui %lt3A_252 : i1 to i32
      %cond3A_254 = arith.constant 0 : i32
      %cond3A_255 = arith.cmpi ne, %convert_element_type3A_253, %cond3A_254 : i32
      scf.if %cond3A_255 {
        %dma_start3A_352 = arith.constant 1 : i32
        %dma_start3A_353 = arith.constant 1 : i32
        %dma_start3A_354 = arith.constant 0 : i32
        %dma_start3A_355 = arith.constant 0 : i32
        %dma_start3A_356 = tpu.memref_slice %arg9[%dma_start3A_352, %dma_start3A_354, %dma_start3A_355] : memref<10x125x16xf32, #tpu.memory_space<vmem>> -> memref<1x125x16xf32, #tpu.memory_space<vmem>>
        %dma_start3A_357 = tpu.memref_squeeze %dma_start3A_356 : memref<1x125x16xf32, #tpu.memory_space<vmem>> -> memref<125x16xf32, #tpu.memory_space<vmem>>
        %dma_start3A_358 = arith.constant 0 : i32
        %dma_start3A_359 = tpu.memref_slice %arg7[%add3A_250, %dma_start3A_358] : memref<80x125xi32, #tpu.memory_space<vmem>> -> memref<1x125xi32, #tpu.memory_space<vmem>>
        %dma_start3A_360 = tpu.memref_squeeze %dma_start3A_359 : memref<1x125xi32, #tpu.memory_space<vmem>> -> memref<125xi32, #tpu.memory_space<vmem>>
        %dma_start3A_361 = arith.constant 0 : i32
        %dma_start3A_362 = arith.constant 0 : i32
        %dma_start3A_363 = tpu.memref_slice %arg10[%dma_start3A_361, %dma_start3A_362] : memref<10000x16xf32, #tpu.memory_space<vmem_shared>> -> memref<10000x16xf32, #tpu.memory_space<vmem_shared>>
        %dma_start3A_364 = tpu.memref_slice %arg12[%dma_start3A_353] : memref<10x!tpu.dma_semaphore, #tpu.memory_space<semaphore_mem>> -> memref<1x!tpu.dma_semaphore, #tpu.memory_space<semaphore_mem>>
        %dma_start3A_365 = tpu.memref_squeeze %dma_start3A_364 : memref<1x!tpu.dma_semaphore, #tpu.memory_space<semaphore_mem>> -> memref<!tpu.dma_semaphore, #tpu.memory_space<semaphore_mem>>
        tpu.enqueue_indirect_dma source(%dma_start3A_363 : memref<10000x16xf32, #tpu.memory_space<vmem_shared>>) target(%dma_start3A_357 : memref<125x16xf32, #tpu.memory_space<vmem>>) offsets(%dma_start3A_360 : memref<125xi32, #tpu.memory_space<vmem>>) semaphore(%dma_start3A_365 : memref<!tpu.dma_semaphore, #tpu.memory_space<semaphore_mem>>)
      } else {
      }
      %add3A_256 = arith.constant 6 : i32
      %add3A_257 = arith.addi %mul3A_113, %add3A_256 : i32
      %dma_wait3A_258 = arith.constant 6 : i32
      %dma_wait3A_259 = arith.constant 6 : i32
      %dma_wait3A_260 = arith.constant 0 : i32
      %dma_wait3A_261 = arith.constant 0 : i32
      %dma_wait3A_262 = tpu.memref_slice %arg9[%dma_wait3A_258, %dma_wait3A_260, %dma_wait3A_261] : memref<10x125x16xf32, #tpu.memory_space<vmem>> -> memref<1x125x16xf32, #tpu.memory_space<vmem>>
      %dma_wait3A_263 = tpu.memref_squeeze %dma_wait3A_262 : memref<1x125x16xf32, #tpu.memory_space<vmem>> -> memref<125x16xf32, #tpu.memory_space<vmem>>
      %dma_wait3A_264 = arith.constant 0 : i32
      %dma_wait3A_265 = tpu.memref_slice %arg7[%add3A_257, %dma_wait3A_264] : memref<80x125xi32, #tpu.memory_space<vmem>> -> memref<1x125xi32, #tpu.memory_space<vmem>>
      %dma_wait3A_266 = tpu.memref_squeeze %dma_wait3A_265 : memref<1x125xi32, #tpu.memory_space<vmem>> -> memref<125xi32, #tpu.memory_space<vmem>>
      %dma_wait3A_267 = arith.constant 0 : i32
      %dma_wait3A_268 = arith.constant 0 : i32
      %dma_wait3A_269 = tpu.memref_slice %arg10[%dma_wait3A_267, %dma_wait3A_268] : memref<10000x16xf32, #tpu.memory_space<vmem_shared>> -> memref<10000x16xf32, #tpu.memory_space<vmem_shared>>
      %dma_wait3A_270 = tpu.memref_slice %arg12[%dma_wait3A_259] : memref<10x!tpu.dma_semaphore, #tpu.memory_space<semaphore_mem>> -> memref<1x!tpu.dma_semaphore, #tpu.memory_space<semaphore_mem>>
      %dma_wait3A_271 = tpu.memref_squeeze %dma_wait3A_270 : memref<1x!tpu.dma_semaphore, #tpu.memory_space<semaphore_mem>> -> memref<!tpu.dma_semaphore, #tpu.memory_space<semaphore_mem>>
      tpu.wait_indirect_dma semaphore(%dma_wait3A_271 : memref<!tpu.dma_semaphore, #tpu.memory_space<semaphore_mem>>) src(%dma_wait3A_269 : memref<10000x16xf32, #tpu.memory_space<vmem_shared>>) dst(%dma_wait3A_263 : memref<125x16xf32, #tpu.memory_space<vmem>>)
      %run_scoped3A_272 = arith.constant 6 : i32
      "tpu.region"() ({
        %run_scoped3A_352 = tpu.sem_alloc : memref<!tpu.dma_semaphore, #tpu.memory_space<semaphore_mem>>
        %dma_start3A_353 = arith.constant 0 : i32
        %dma_start3A_354 = arith.constant 0 : i32
        %dma_start3A_355 = tpu.memref_slice %arg9[%run_scoped3A_272, %dma_start3A_353, %dma_start3A_354] : memref<10x125x16xf32, #tpu.memory_space<vmem>> -> memref<1x125x16xf32, #tpu.memory_space<vmem>>
        %dma_start3A_356 = tpu.memref_squeeze %dma_start3A_355 : memref<1x125x16xf32, #tpu.memory_space<vmem>> -> memref<125x16xf32, #tpu.memory_space<vmem>>
        %dma_start3A_357 = arith.constant 0 : i32
        %dma_start3A_358 = tpu.memref_slice %arg8[%add3A_257, %dma_start3A_357] : memref<80x125xi32, #tpu.memory_space<vmem>> -> memref<1x125xi32, #tpu.memory_space<vmem>>
        %dma_start3A_359 = tpu.memref_squeeze %dma_start3A_358 : memref<1x125xi32, #tpu.memory_space<vmem>> -> memref<125xi32, #tpu.memory_space<vmem>>
        %dma_start3A_360 = arith.constant 0 : i32
        %dma_start3A_361 = arith.constant 0 : i32
        %dma_start3A_362 = tpu.memref_slice %arg11[%dma_start3A_360, %dma_start3A_361] : memref<10240x16xf32, #tpu.memory_space<vmem_shared>> -> memref<10240x16xf32, #tpu.memory_space<vmem_shared>>
        tpu.enqueue_indirect_dma source(%dma_start3A_356 : memref<125x16xf32, #tpu.memory_space<vmem>>) target(%dma_start3A_362 : memref<10240x16xf32, #tpu.memory_space<vmem_shared>>) offsets(%dma_start3A_359 : memref<125xi32, #tpu.memory_space<vmem>>) semaphore(%run_scoped3A_352 : memref<!tpu.dma_semaphore, #tpu.memory_space<semaphore_mem>>) {add = true}
        %dma_wait3A_363 = arith.constant 0 : i32
        %dma_wait3A_364 = arith.constant 0 : i32
        %dma_wait3A_365 = tpu.memref_slice %arg9[%run_scoped3A_272, %dma_wait3A_363, %dma_wait3A_364] : memref<10x125x16xf32, #tpu.memory_space<vmem>> -> memref<1x125x16xf32, #tpu.memory_space<vmem>>
        %dma_wait3A_366 = tpu.memref_squeeze %dma_wait3A_365 : memref<1x125x16xf32, #tpu.memory_space<vmem>> -> memref<125x16xf32, #tpu.memory_space<vmem>>
        %dma_wait3A_367 = arith.constant 0 : i32
        %dma_wait3A_368 = tpu.memref_slice %arg8[%add3A_257, %dma_wait3A_367] : memref<80x125xi32, #tpu.memory_space<vmem>> -> memref<1x125xi32, #tpu.memory_space<vmem>>
        %dma_wait3A_369 = tpu.memref_squeeze %dma_wait3A_368 : memref<1x125xi32, #tpu.memory_space<vmem>> -> memref<125xi32, #tpu.memory_space<vmem>>
        %dma_wait3A_370 = arith.constant 0 : i32
        %dma_wait3A_371 = arith.constant 0 : i32
        %dma_wait3A_372 = tpu.memref_slice %arg11[%dma_wait3A_370, %dma_wait3A_371] : memref<10240x16xf32, #tpu.memory_space<vmem_shared>> -> memref<10240x16xf32, #tpu.memory_space<vmem_shared>>
        tpu.wait_indirect_dma semaphore(%run_scoped3A_352 : memref<!tpu.dma_semaphore, #tpu.memory_space<semaphore_mem>>) src(%dma_wait3A_366 : memref<125x16xf32, #tpu.memory_space<vmem>>) dst(%dma_wait3A_372 : memref<10240x16xf32, #tpu.memory_space<vmem_shared>>)
        tpu.yield
      }) : () -> ()
      %add3A_273 = arith.constant 6 : i32
      %add3A_274 = arith.addi %add3A_257, %add3A_273 : i32
      %lt3A_275 = arith.constant 80 : i32
      %lt3A_276 = arith.cmpi slt, %add3A_274, %lt3A_275 : i32
      %convert_element_type3A_277 = arith.extui %lt3A_276 : i1 to i32
      %cond3A_278 = arith.constant 0 : i32
      %cond3A_279 = arith.cmpi ne, %convert_element_type3A_277, %cond3A_278 : i32
      scf.if %cond3A_279 {
        %dma_start3A_352 = arith.constant 2 : i32
        %dma_start3A_353 = arith.constant 2 : i32
        %dma_start3A_354 = arith.constant 0 : i32
        %dma_start3A_355 = arith.constant 0 : i32
        %dma_start3A_356 = tpu.memref_slice %arg9[%dma_start3A_352, %dma_start3A_354, %dma_start3A_355] : memref<10x125x16xf32, #tpu.memory_space<vmem>> -> memref<1x125x16xf32, #tpu.memory_space<vmem>>
        %dma_start3A_357 = tpu.memref_squeeze %dma_start3A_356 : memref<1x125x16xf32, #tpu.memory_space<vmem>> -> memref<125x16xf32, #tpu.memory_space<vmem>>
        %dma_start3A_358 = arith.constant 0 : i32
        %dma_start3A_359 = tpu.memref_slice %arg7[%add3A_274, %dma_start3A_358] : memref<80x125xi32, #tpu.memory_space<vmem>> -> memref<1x125xi32, #tpu.memory_space<vmem>>
        %dma_start3A_360 = tpu.memref_squeeze %dma_start3A_359 : memref<1x125xi32, #tpu.memory_space<vmem>> -> memref<125xi32, #tpu.memory_space<vmem>>
        %dma_start3A_361 = arith.constant 0 : i32
        %dma_start3A_362 = arith.constant 0 : i32
        %dma_start3A_363 = tpu.memref_slice %arg10[%dma_start3A_361, %dma_start3A_362] : memref<10000x16xf32, #tpu.memory_space<vmem_shared>> -> memref<10000x16xf32, #tpu.memory_space<vmem_shared>>
        %dma_start3A_364 = tpu.memref_slice %arg12[%dma_start3A_353] : memref<10x!tpu.dma_semaphore, #tpu.memory_space<semaphore_mem>> -> memref<1x!tpu.dma_semaphore, #tpu.memory_space<semaphore_mem>>
        %dma_start3A_365 = tpu.memref_squeeze %dma_start3A_364 : memref<1x!tpu.dma_semaphore, #tpu.memory_space<semaphore_mem>> -> memref<!tpu.dma_semaphore, #tpu.memory_space<semaphore_mem>>
        tpu.enqueue_indirect_dma source(%dma_start3A_363 : memref<10000x16xf32, #tpu.memory_space<vmem_shared>>) target(%dma_start3A_357 : memref<125x16xf32, #tpu.memory_space<vmem>>) offsets(%dma_start3A_360 : memref<125xi32, #tpu.memory_space<vmem>>) semaphore(%dma_start3A_365 : memref<!tpu.dma_semaphore, #tpu.memory_space<semaphore_mem>>)
      } else {
      }
      %add3A_280 = arith.constant 7 : i32
      %add3A_281 = arith.addi %mul3A_113, %add3A_280 : i32
      %dma_wait3A_282 = arith.constant 7 : i32
      %dma_wait3A_283 = arith.constant 7 : i32
      %dma_wait3A_284 = arith.constant 0 : i32
      %dma_wait3A_285 = arith.constant 0 : i32
      %dma_wait3A_286 = tpu.memref_slice %arg9[%dma_wait3A_282, %dma_wait3A_284, %dma_wait3A_285] : memref<10x125x16xf32, #tpu.memory_space<vmem>> -> memref<1x125x16xf32, #tpu.memory_space<vmem>>
      %dma_wait3A_287 = tpu.memref_squeeze %dma_wait3A_286 : memref<1x125x16xf32, #tpu.memory_space<vmem>> -> memref<125x16xf32, #tpu.memory_space<vmem>>
      %dma_wait3A_288 = arith.constant 0 : i32
      %dma_wait3A_289 = tpu.memref_slice %arg7[%add3A_281, %dma_wait3A_288] : memref<80x125xi32, #tpu.memory_space<vmem>> -> memref<1x125xi32, #tpu.memory_space<vmem>>
      %dma_wait3A_290 = tpu.memref_squeeze %dma_wait3A_289 : memref<1x125xi32, #tpu.memory_space<vmem>> -> memref<125xi32, #tpu.memory_space<vmem>>
      %dma_wait3A_291 = arith.constant 0 : i32
      %dma_wait3A_292 = arith.constant 0 : i32
      %dma_wait3A_293 = tpu.memref_slice %arg10[%dma_wait3A_291, %dma_wait3A_292] : memref<10000x16xf32, #tpu.memory_space<vmem_shared>> -> memref<10000x16xf32, #tpu.memory_space<vmem_shared>>
      %dma_wait3A_294 = tpu.memref_slice %arg12[%dma_wait3A_283] : memref<10x!tpu.dma_semaphore, #tpu.memory_space<semaphore_mem>> -> memref<1x!tpu.dma_semaphore, #tpu.memory_space<semaphore_mem>>
      %dma_wait3A_295 = tpu.memref_squeeze %dma_wait3A_294 : memref<1x!tpu.dma_semaphore, #tpu.memory_space<semaphore_mem>> -> memref<!tpu.dma_semaphore, #tpu.memory_space<semaphore_mem>>
      tpu.wait_indirect_dma semaphore(%dma_wait3A_295 : memref<!tpu.dma_semaphore, #tpu.memory_space<semaphore_mem>>) src(%dma_wait3A_293 : memref<10000x16xf32, #tpu.memory_space<vmem_shared>>) dst(%dma_wait3A_287 : memref<125x16xf32, #tpu.memory_space<vmem>>)
      %run_scoped3A_296 = arith.constant 7 : i32
      "tpu.region"() ({
        %run_scoped3A_352 = tpu.sem_alloc : memref<!tpu.dma_semaphore, #tpu.memory_space<semaphore_mem>>
        %dma_start3A_353 = arith.constant 0 : i32
        %dma_start3A_354 = arith.constant 0 : i32
        %dma_start3A_355 = tpu.memref_slice %arg9[%run_scoped3A_296, %dma_start3A_353, %dma_start3A_354] : memref<10x125x16xf32, #tpu.memory_space<vmem>> -> memref<1x125x16xf32, #tpu.memory_space<vmem>>
        %dma_start3A_356 = tpu.memref_squeeze %dma_start3A_355 : memref<1x125x16xf32, #tpu.memory_space<vmem>> -> memref<125x16xf32, #tpu.memory_space<vmem>>
        %dma_start3A_357 = arith.constant 0 : i32
        %dma_start3A_358 = tpu.memref_slice %arg8[%add3A_281, %dma_start3A_357] : memref<80x125xi32, #tpu.memory_space<vmem>> -> memref<1x125xi32, #tpu.memory_space<vmem>>
        %dma_start3A_359 = tpu.memref_squeeze %dma_start3A_358 : memref<1x125xi32, #tpu.memory_space<vmem>> -> memref<125xi32, #tpu.memory_space<vmem>>
        %dma_start3A_360 = arith.constant 0 : i32
        %dma_start3A_361 = arith.constant 0 : i32
        %dma_start3A_362 = tpu.memref_slice %arg11[%dma_start3A_360, %dma_start3A_361] : memref<10240x16xf32, #tpu.memory_space<vmem_shared>> -> memref<10240x16xf32, #tpu.memory_space<vmem_shared>>
        tpu.enqueue_indirect_dma source(%dma_start3A_356 : memref<125x16xf32, #tpu.memory_space<vmem>>) target(%dma_start3A_362 : memref<10240x16xf32, #tpu.memory_space<vmem_shared>>) offsets(%dma_start3A_359 : memref<125xi32, #tpu.memory_space<vmem>>) semaphore(%run_scoped3A_352 : memref<!tpu.dma_semaphore, #tpu.memory_space<semaphore_mem>>) {add = true}
        %dma_wait3A_363 = arith.constant 0 : i32
        %dma_wait3A_364 = arith.constant 0 : i32
        %dma_wait3A_365 = tpu.memref_slice %arg9[%run_scoped3A_296, %dma_wait3A_363, %dma_wait3A_364] : memref<10x125x16xf32, #tpu.memory_space<vmem>> -> memref<1x125x16xf32, #tpu.memory_space<vmem>>
        %dma_wait3A_366 = tpu.memref_squeeze %dma_wait3A_365 : memref<1x125x16xf32, #tpu.memory_space<vmem>> -> memref<125x16xf32, #tpu.memory_space<vmem>>
        %dma_wait3A_367 = arith.constant 0 : i32
        %dma_wait3A_368 = tpu.memref_slice %arg8[%add3A_281, %dma_wait3A_367] : memref<80x125xi32, #tpu.memory_space<vmem>> -> memref<1x125xi32, #tpu.memory_space<vmem>>
        %dma_wait3A_369 = tpu.memref_squeeze %dma_wait3A_368 : memref<1x125xi32, #tpu.memory_space<vmem>> -> memref<125xi32, #tpu.memory_space<vmem>>
        %dma_wait3A_370 = arith.constant 0 : i32
        %dma_wait3A_371 = arith.constant 0 : i32
        %dma_wait3A_372 = tpu.memref_slice %arg11[%dma_wait3A_370, %dma_wait3A_371] : memref<10240x16xf32, #tpu.memory_space<vmem_shared>> -> memref<10240x16xf32, #tpu.memory_space<vmem_shared>>
        tpu.wait_indirect_dma semaphore(%run_scoped3A_352 : memref<!tpu.dma_semaphore, #tpu.memory_space<semaphore_mem>>) src(%dma_wait3A_366 : memref<125x16xf32, #tpu.memory_space<vmem>>) dst(%dma_wait3A_372 : memref<10240x16xf32, #tpu.memory_space<vmem_shared>>)
        tpu.yield
      }) : () -> ()
      %add3A_297 = arith.constant 6 : i32
      %add3A_298 = arith.addi %add3A_281, %add3A_297 : i32
      %lt3A_299 = arith.constant 80 : i32
      %lt3A_300 = arith.cmpi slt, %add3A_298, %lt3A_299 : i32
      %convert_element_type3A_301 = arith.extui %lt3A_300 : i1 to i32
      %cond3A_302 = arith.constant 0 : i32
      %cond3A_303 = arith.cmpi ne, %convert_element_type3A_301, %cond3A_302 : i32
      scf.if %cond3A_303 {
        %dma_start3A_352 = arith.constant 3 : i32
        %dma_start3A_353 = arith.constant 3 : i32
        %dma_start3A_354 = arith.constant 0 : i32
        %dma_start3A_355 = arith.constant 0 : i32
        %dma_start3A_356 = tpu.memref_slice %arg9[%dma_start3A_352, %dma_start3A_354, %dma_start3A_355] : memref<10x125x16xf32, #tpu.memory_space<vmem>> -> memref<1x125x16xf32, #tpu.memory_space<vmem>>
        %dma_start3A_357 = tpu.memref_squeeze %dma_start3A_356 : memref<1x125x16xf32, #tpu.memory_space<vmem>> -> memref<125x16xf32, #tpu.memory_space<vmem>>
        %dma_start3A_358 = arith.constant 0 : i32
        %dma_start3A_359 = tpu.memref_slice %arg7[%add3A_298, %dma_start3A_358] : memref<80x125xi32, #tpu.memory_space<vmem>> -> memref<1x125xi32, #tpu.memory_space<vmem>>
        %dma_start3A_360 = tpu.memref_squeeze %dma_start3A_359 : memref<1x125xi32, #tpu.memory_space<vmem>> -> memref<125xi32, #tpu.memory_space<vmem>>
        %dma_start3A_361 = arith.constant 0 : i32
        %dma_start3A_362 = arith.constant 0 : i32
        %dma_start3A_363 = tpu.memref_slice %arg10[%dma_start3A_361, %dma_start3A_362] : memref<10000x16xf32, #tpu.memory_space<vmem_shared>> -> memref<10000x16xf32, #tpu.memory_space<vmem_shared>>
        %dma_start3A_364 = tpu.memref_slice %arg12[%dma_start3A_353] : memref<10x!tpu.dma_semaphore, #tpu.memory_space<semaphore_mem>> -> memref<1x!tpu.dma_semaphore, #tpu.memory_space<semaphore_mem>>
        %dma_start3A_365 = tpu.memref_squeeze %dma_start3A_364 : memref<1x!tpu.dma_semaphore, #tpu.memory_space<semaphore_mem>> -> memref<!tpu.dma_semaphore, #tpu.memory_space<semaphore_mem>>
        tpu.enqueue_indirect_dma source(%dma_start3A_363 : memref<10000x16xf32, #tpu.memory_space<vmem_shared>>) target(%dma_start3A_357 : memref<125x16xf32, #tpu.memory_space<vmem>>) offsets(%dma_start3A_360 : memref<125xi32, #tpu.memory_space<vmem>>) semaphore(%dma_start3A_365 : memref<!tpu.dma_semaphore, #tpu.memory_space<semaphore_mem>>)
      } else {
      }
      %add3A_304 = arith.constant 8 : i32
      %add3A_305 = arith.addi %mul3A_113, %add3A_304 : i32
      %dma_wait3A_306 = arith.constant 8 : i32
      %dma_wait3A_307 = arith.constant 8 : i32
      %dma_wait3A_308 = arith.constant 0 : i32
      %dma_wait3A_309 = arith.constant 0 : i32
      %dma_wait3A_310 = tpu.memref_slice %arg9[%dma_wait3A_306, %dma_wait3A_308, %dma_wait3A_309] : memref<10x125x16xf32, #tpu.memory_space<vmem>> -> memref<1x125x16xf32, #tpu.memory_space<vmem>>
      %dma_wait3A_311 = tpu.memref_squeeze %dma_wait3A_310 : memref<1x125x16xf32, #tpu.memory_space<vmem>> -> memref<125x16xf32, #tpu.memory_space<vmem>>
      %dma_wait3A_312 = arith.constant 0 : i32
      %dma_wait3A_313 = tpu.memref_slice %arg7[%add3A_305, %dma_wait3A_312] : memref<80x125xi32, #tpu.memory_space<vmem>> -> memref<1x125xi32, #tpu.memory_space<vmem>>
      %dma_wait3A_314 = tpu.memref_squeeze %dma_wait3A_313 : memref<1x125xi32, #tpu.memory_space<vmem>> -> memref<125xi32, #tpu.memory_space<vmem>>
      %dma_wait3A_315 = arith.constant 0 : i32
      %dma_wait3A_316 = arith.constant 0 : i32
      %dma_wait3A_317 = tpu.memref_slice %arg10[%dma_wait3A_315, %dma_wait3A_316] : memref<10000x16xf32, #tpu.memory_space<vmem_shared>> -> memref<10000x16xf32, #tpu.memory_space<vmem_shared>>
      %dma_wait3A_318 = tpu.memref_slice %arg12[%dma_wait3A_307] : memref<10x!tpu.dma_semaphore, #tpu.memory_space<semaphore_mem>> -> memref<1x!tpu.dma_semaphore, #tpu.memory_space<semaphore_mem>>
      %dma_wait3A_319 = tpu.memref_squeeze %dma_wait3A_318 : memref<1x!tpu.dma_semaphore, #tpu.memory_space<semaphore_mem>> -> memref<!tpu.dma_semaphore, #tpu.memory_space<semaphore_mem>>
      tpu.wait_indirect_dma semaphore(%dma_wait3A_319 : memref<!tpu.dma_semaphore, #tpu.memory_space<semaphore_mem>>) src(%dma_wait3A_317 : memref<10000x16xf32, #tpu.memory_space<vmem_shared>>) dst(%dma_wait3A_311 : memref<125x16xf32, #tpu.memory_space<vmem>>)
      %run_scoped3A_320 = arith.constant 8 : i32
      "tpu.region"() ({
        %run_scoped3A_352 = tpu.sem_alloc : memref<!tpu.dma_semaphore, #tpu.memory_space<semaphore_mem>>
        %dma_start3A_353 = arith.constant 0 : i32
        %dma_start3A_354 = arith.constant 0 : i32
        %dma_start3A_355 = tpu.memref_slice %arg9[%run_scoped3A_320, %dma_start3A_353, %dma_start3A_354] : memref<10x125x16xf32, #tpu.memory_space<vmem>> -> memref<1x125x16xf32, #tpu.memory_space<vmem>>
        %dma_start3A_356 = tpu.memref_squeeze %dma_start3A_355 : memref<1x125x16xf32, #tpu.memory_space<vmem>> -> memref<125x16xf32, #tpu.memory_space<vmem>>
        %dma_start3A_357 = arith.constant 0 : i32
        %dma_start3A_358 = tpu.memref_slice %arg8[%add3A_305, %dma_start3A_357] : memref<80x125xi32, #tpu.memory_space<vmem>> -> memref<1x125xi32, #tpu.memory_space<vmem>>
        %dma_start3A_359 = tpu.memref_squeeze %dma_start3A_358 : memref<1x125xi32, #tpu.memory_space<vmem>> -> memref<125xi32, #tpu.memory_space<vmem>>
        %dma_start3A_360 = arith.constant 0 : i32
        %dma_start3A_361 = arith.constant 0 : i32
        %dma_start3A_362 = tpu.memref_slice %arg11[%dma_start3A_360, %dma_start3A_361] : memref<10240x16xf32, #tpu.memory_space<vmem_shared>> -> memref<10240x16xf32, #tpu.memory_space<vmem_shared>>
        tpu.enqueue_indirect_dma source(%dma_start3A_356 : memref<125x16xf32, #tpu.memory_space<vmem>>) target(%dma_start3A_362 : memref<10240x16xf32, #tpu.memory_space<vmem_shared>>) offsets(%dma_start3A_359 : memref<125xi32, #tpu.memory_space<vmem>>) semaphore(%run_scoped3A_352 : memref<!tpu.dma_semaphore, #tpu.memory_space<semaphore_mem>>) {add = true}
        %dma_wait3A_363 = arith.constant 0 : i32
        %dma_wait3A_364 = arith.constant 0 : i32
        %dma_wait3A_365 = tpu.memref_slice %arg9[%run_scoped3A_320, %dma_wait3A_363, %dma_wait3A_364] : memref<10x125x16xf32, #tpu.memory_space<vmem>> -> memref<1x125x16xf32, #tpu.memory_space<vmem>>
        %dma_wait3A_366 = tpu.memref_squeeze %dma_wait3A_365 : memref<1x125x16xf32, #tpu.memory_space<vmem>> -> memref<125x16xf32, #tpu.memory_space<vmem>>
        %dma_wait3A_367 = arith.constant 0 : i32
        %dma_wait3A_368 = tpu.memref_slice %arg8[%add3A_305, %dma_wait3A_367] : memref<80x125xi32, #tpu.memory_space<vmem>> -> memref<1x125xi32, #tpu.memory_space<vmem>>
        %dma_wait3A_369 = tpu.memref_squeeze %dma_wait3A_368 : memref<1x125xi32, #tpu.memory_space<vmem>> -> memref<125xi32, #tpu.memory_space<vmem>>
        %dma_wait3A_370 = arith.constant 0 : i32
        %dma_wait3A_371 = arith.constant 0 : i32
        %dma_wait3A_372 = tpu.memref_slice %arg11[%dma_wait3A_370, %dma_wait3A_371] : memref<10240x16xf32, #tpu.memory_space<vmem_shared>> -> memref<10240x16xf32, #tpu.memory_space<vmem_shared>>
        tpu.wait_indirect_dma semaphore(%run_scoped3A_352 : memref<!tpu.dma_semaphore, #tpu.memory_space<semaphore_mem>>) src(%dma_wait3A_366 : memref<125x16xf32, #tpu.memory_space<vmem>>) dst(%dma_wait3A_372 : memref<10240x16xf32, #tpu.memory_space<vmem_shared>>)
        tpu.yield
      }) : () -> ()
      %add3A_321 = arith.constant 6 : i32
      %add3A_322 = arith.addi %add3A_305, %add3A_321 : i32
      %lt3A_323 = arith.constant 80 : i32
      %lt3A_324 = arith.cmpi slt, %add3A_322, %lt3A_323 : i32
      %convert_element_type3A_325 = arith.extui %lt3A_324 : i1 to i32
      %cond3A_326 = arith.constant 0 : i32
      %cond3A_327 = arith.cmpi ne, %convert_element_type3A_325, %cond3A_326 : i32
      scf.if %cond3A_327 {
        %dma_start3A_352 = arith.constant 4 : i32
        %dma_start3A_353 = arith.constant 4 : i32
        %dma_start3A_354 = arith.constant 0 : i32
        %dma_start3A_355 = arith.constant 0 : i32
        %dma_start3A_356 = tpu.memref_slice %arg9[%dma_start3A_352, %dma_start3A_354, %dma_start3A_355] : memref<10x125x16xf32, #tpu.memory_space<vmem>> -> memref<1x125x16xf32, #tpu.memory_space<vmem>>
        %dma_start3A_357 = tpu.memref_squeeze %dma_start3A_356 : memref<1x125x16xf32, #tpu.memory_space<vmem>> -> memref<125x16xf32, #tpu.memory_space<vmem>>
        %dma_start3A_358 = arith.constant 0 : i32
        %dma_start3A_359 = tpu.memref_slice %arg7[%add3A_322, %dma_start3A_358] : memref<80x125xi32, #tpu.memory_space<vmem>> -> memref<1x125xi32, #tpu.memory_space<vmem>>
        %dma_start3A_360 = tpu.memref_squeeze %dma_start3A_359 : memref<1x125xi32, #tpu.memory_space<vmem>> -> memref<125xi32, #tpu.memory_space<vmem>>
        %dma_start3A_361 = arith.constant 0 : i32
        %dma_start3A_362 = arith.constant 0 : i32
        %dma_start3A_363 = tpu.memref_slice %arg10[%dma_start3A_361, %dma_start3A_362] : memref<10000x16xf32, #tpu.memory_space<vmem_shared>> -> memref<10000x16xf32, #tpu.memory_space<vmem_shared>>
        %dma_start3A_364 = tpu.memref_slice %arg12[%dma_start3A_353] : memref<10x!tpu.dma_semaphore, #tpu.memory_space<semaphore_mem>> -> memref<1x!tpu.dma_semaphore, #tpu.memory_space<semaphore_mem>>
        %dma_start3A_365 = tpu.memref_squeeze %dma_start3A_364 : memref<1x!tpu.dma_semaphore, #tpu.memory_space<semaphore_mem>> -> memref<!tpu.dma_semaphore, #tpu.memory_space<semaphore_mem>>
        tpu.enqueue_indirect_dma source(%dma_start3A_363 : memref<10000x16xf32, #tpu.memory_space<vmem_shared>>) target(%dma_start3A_357 : memref<125x16xf32, #tpu.memory_space<vmem>>) offsets(%dma_start3A_360 : memref<125xi32, #tpu.memory_space<vmem>>) semaphore(%dma_start3A_365 : memref<!tpu.dma_semaphore, #tpu.memory_space<semaphore_mem>>)
      } else {
      }
      %add3A_328 = arith.constant 9 : i32
      %add3A_329 = arith.addi %mul3A_113, %add3A_328 : i32
      %dma_wait3A_330 = arith.constant 9 : i32
      %dma_wait3A_331 = arith.constant 9 : i32
      %dma_wait3A_332 = arith.constant 0 : i32
      %dma_wait3A_333 = arith.constant 0 : i32
      %dma_wait3A_334 = tpu.memref_slice %arg9[%dma_wait3A_330, %dma_wait3A_332, %dma_wait3A_333] : memref<10x125x16xf32, #tpu.memory_space<vmem>> -> memref<1x125x16xf32, #tpu.memory_space<vmem>>
      %dma_wait3A_335 = tpu.memref_squeeze %dma_wait3A_334 : memref<1x125x16xf32, #tpu.memory_space<vmem>> -> memref<125x16xf32, #tpu.memory_space<vmem>>
      %dma_wait3A_336 = arith.constant 0 : i32
      %dma_wait3A_337 = tpu.memref_slice %arg7[%add3A_329, %dma_wait3A_336] : memref<80x125xi32, #tpu.memory_space<vmem>> -> memref<1x125xi32, #tpu.memory_space<vmem>>
      %dma_wait3A_338 = tpu.memref_squeeze %dma_wait3A_337 : memref<1x125xi32, #tpu.memory_space<vmem>> -> memref<125xi32, #tpu.memory_space<vmem>>
      %dma_wait3A_339 = arith.constant 0 : i32
      %dma_wait3A_340 = arith.constant 0 : i32
      %dma_wait3A_341 = tpu.memref_slice %arg10[%dma_wait3A_339, %dma_wait3A_340] : memref<10000x16xf32, #tpu.memory_space<vmem_shared>> -> memref<10000x16xf32, #tpu.memory_space<vmem_shared>>
      %dma_wait3A_342 = tpu.memref_slice %arg12[%dma_wait3A_331] : memref<10x!tpu.dma_semaphore, #tpu.memory_space<semaphore_mem>> -> memref<1x!tpu.dma_semaphore, #tpu.memory_space<semaphore_mem>>
      %dma_wait3A_343 = tpu.memref_squeeze %dma_wait3A_342 : memref<1x!tpu.dma_semaphore, #tpu.memory_space<semaphore_mem>> -> memref<!tpu.dma_semaphore, #tpu.memory_space<semaphore_mem>>
      tpu.wait_indirect_dma semaphore(%dma_wait3A_343 : memref<!tpu.dma_semaphore, #tpu.memory_space<semaphore_mem>>) src(%dma_wait3A_341 : memref<10000x16xf32, #tpu.memory_space<vmem_shared>>) dst(%dma_wait3A_335 : memref<125x16xf32, #tpu.memory_space<vmem>>)
      %run_scoped3A_344 = arith.constant 9 : i32
      "tpu.region"() ({
        %run_scoped3A_352 = tpu.sem_alloc : memref<!tpu.dma_semaphore, #tpu.memory_space<semaphore_mem>>
        %dma_start3A_353 = arith.constant 0 : i32
        %dma_start3A_354 = arith.constant 0 : i32
        %dma_start3A_355 = tpu.memref_slice %arg9[%run_scoped3A_344, %dma_start3A_353, %dma_start3A_354] : memref<10x125x16xf32, #tpu.memory_space<vmem>> -> memref<1x125x16xf32, #tpu.memory_space<vmem>>
        %dma_start3A_356 = tpu.memref_squeeze %dma_start3A_355 : memref<1x125x16xf32, #tpu.memory_space<vmem>> -> memref<125x16xf32, #tpu.memory_space<vmem>>
        %dma_start3A_357 = arith.constant 0 : i32
        %dma_start3A_358 = tpu.memref_slice %arg8[%add3A_329, %dma_start3A_357] : memref<80x125xi32, #tpu.memory_space<vmem>> -> memref<1x125xi32, #tpu.memory_space<vmem>>
        %dma_start3A_359 = tpu.memref_squeeze %dma_start3A_358 : memref<1x125xi32, #tpu.memory_space<vmem>> -> memref<125xi32, #tpu.memory_space<vmem>>
        %dma_start3A_360 = arith.constant 0 : i32
        %dma_start3A_361 = arith.constant 0 : i32
        %dma_start3A_362 = tpu.memref_slice %arg11[%dma_start3A_360, %dma_start3A_361] : memref<10240x16xf32, #tpu.memory_space<vmem_shared>> -> memref<10240x16xf32, #tpu.memory_space<vmem_shared>>
        tpu.enqueue_indirect_dma source(%dma_start3A_356 : memref<125x16xf32, #tpu.memory_space<vmem>>) target(%dma_start3A_362 : memref<10240x16xf32, #tpu.memory_space<vmem_shared>>) offsets(%dma_start3A_359 : memref<125xi32, #tpu.memory_space<vmem>>) semaphore(%run_scoped3A_352 : memref<!tpu.dma_semaphore, #tpu.memory_space<semaphore_mem>>) {add = true}
        %dma_wait3A_363 = arith.constant 0 : i32
        %dma_wait3A_364 = arith.constant 0 : i32
        %dma_wait3A_365 = tpu.memref_slice %arg9[%run_scoped3A_344, %dma_wait3A_363, %dma_wait3A_364] : memref<10x125x16xf32, #tpu.memory_space<vmem>> -> memref<1x125x16xf32, #tpu.memory_space<vmem>>
        %dma_wait3A_366 = tpu.memref_squeeze %dma_wait3A_365 : memref<1x125x16xf32, #tpu.memory_space<vmem>> -> memref<125x16xf32, #tpu.memory_space<vmem>>
        %dma_wait3A_367 = arith.constant 0 : i32
        %dma_wait3A_368 = tpu.memref_slice %arg8[%add3A_329, %dma_wait3A_367] : memref<80x125xi32, #tpu.memory_space<vmem>> -> memref<1x125xi32, #tpu.memory_space<vmem>>
        %dma_wait3A_369 = tpu.memref_squeeze %dma_wait3A_368 : memref<1x125xi32, #tpu.memory_space<vmem>> -> memref<125xi32, #tpu.memory_space<vmem>>
        %dma_wait3A_370 = arith.constant 0 : i32
        %dma_wait3A_371 = arith.constant 0 : i32
        %dma_wait3A_372 = tpu.memref_slice %arg11[%dma_wait3A_370, %dma_wait3A_371] : memref<10240x16xf32, #tpu.memory_space<vmem_shared>> -> memref<10240x16xf32, #tpu.memory_space<vmem_shared>>
        tpu.wait_indirect_dma semaphore(%run_scoped3A_352 : memref<!tpu.dma_semaphore, #tpu.memory_space<semaphore_mem>>) src(%dma_wait3A_366 : memref<125x16xf32, #tpu.memory_space<vmem>>) dst(%dma_wait3A_372 : memref<10240x16xf32, #tpu.memory_space<vmem_shared>>)
        tpu.yield
      }) : () -> ()
      %add3A_345 = arith.constant 6 : i32
      %add3A_346 = arith.addi %add3A_329, %add3A_345 : i32
      %lt3A_347 = arith.constant 80 : i32
      %lt3A_348 = arith.cmpi slt, %add3A_346, %lt3A_347 : i32
      %convert_element_type3A_349 = arith.extui %lt3A_348 : i1 to i32
      %cond3A_350 = arith.constant 0 : i32
      %cond3A_351 = arith.cmpi ne, %convert_element_type3A_349, %cond3A_350 : i32
      scf.if %cond3A_351 {
        %dma_start3A_352 = arith.constant 5 : i32
        %dma_start3A_353 = arith.constant 5 : i32
        %dma_start3A_354 = arith.constant 0 : i32
        %dma_start3A_355 = arith.constant 0 : i32
        %dma_start3A_356 = tpu.memref_slice %arg9[%dma_start3A_352, %dma_start3A_354, %dma_start3A_355] : memref<10x125x16xf32, #tpu.memory_space<vmem>> -> memref<1x125x16xf32, #tpu.memory_space<vmem>>
        %dma_start3A_357 = tpu.memref_squeeze %dma_start3A_356 : memref<1x125x16xf32, #tpu.memory_space<vmem>> -> memref<125x16xf32, #tpu.memory_space<vmem>>
        %dma_start3A_358 = arith.constant 0 : i32
        %dma_start3A_359 = tpu.memref_slice %arg7[%add3A_346, %dma_start3A_358] : memref<80x125xi32, #tpu.memory_space<vmem>> -> memref<1x125xi32, #tpu.memory_space<vmem>>
        %dma_start3A_360 = tpu.memref_squeeze %dma_start3A_359 : memref<1x125xi32, #tpu.memory_space<vmem>> -> memref<125xi32, #tpu.memory_space<vmem>>
        %dma_start3A_361 = arith.constant 0 : i32
        %dma_start3A_362 = arith.constant 0 : i32
        %dma_start3A_363 = tpu.memref_slice %arg10[%dma_start3A_361, %dma_start3A_362] : memref<10000x16xf32, #tpu.memory_space<vmem_shared>> -> memref<10000x16xf32, #tpu.memory_space<vmem_shared>>
        %dma_start3A_364 = tpu.memref_slice %arg12[%dma_start3A_353] : memref<10x!tpu.dma_semaphore, #tpu.memory_space<semaphore_mem>> -> memref<1x!tpu.dma_semaphore, #tpu.memory_space<semaphore_mem>>
        %dma_start3A_365 = tpu.memref_squeeze %dma_start3A_364 : memref<1x!tpu.dma_semaphore, #tpu.memory_space<semaphore_mem>> -> memref<!tpu.dma_semaphore, #tpu.memory_space<semaphore_mem>>
        tpu.enqueue_indirect_dma source(%dma_start3A_363 : memref<10000x16xf32, #tpu.memory_space<vmem_shared>>) target(%dma_start3A_357 : memref<125x16xf32, #tpu.memory_space<vmem>>) offsets(%dma_start3A_360 : memref<125xi32, #tpu.memory_space<vmem>>) semaphore(%dma_start3A_365 : memref<!tpu.dma_semaphore, #tpu.memory_space<semaphore_mem>>)
      } else {
      }
    }
    %scan3A_102 = arith.constant 8 : i32
    %barrier3A_103 = arith.constant 0 : index
    tpu.barrier barrier_id(%barrier3A_103)
    %mul3A_104 = arith.constant 640 : i32
    %mul3A_105 = arith.muli %arg1, %mul3A_104 : i32
    %mul3A_106 = arith.constant 10240 : i32
    %mul3A_107 = arith.muli %arg0, %mul3A_106 : i32
    %mul3A_108 = arith.constant 640 : i32
    %mul3A_109 = arith.muli %arg1, %mul3A_108 : i32
    %add3A_110 = arith.addi %mul3A_107, %mul3A_109 : i32
    "tpu.region"() ({
      %run_scoped3A = tpu.sem_alloc : memref<!tpu.dma_semaphore, #tpu.memory_space<semaphore_mem>>
      %dma_start3A_111 = arith.constant 0 : i32
      %dma_start3A_112 = tpu.memref_slice %arg6[%add3A_110, %dma_start3A_111] : memref<20480x128xf32, #tpu.memory_space<hbm>> -> memref<640x16xf32, #tpu.memory_space<hbm>>
      %dma_start3A_113 = arith.constant 0 : i32
      %dma_start3A_114 = tpu.memref_slice %arg11[%mul3A_105, %dma_start3A_113] : memref<10240x16xf32, #tpu.memory_space<vmem_shared>> -> memref<640x16xf32, #tpu.memory_space<vmem_shared>>
      tpu.enqueue_dma source(%dma_start3A_114 : memref<640x16xf32, #tpu.memory_space<vmem_shared>>) target(%dma_start3A_112 : memref<640x16xf32, #tpu.memory_space<hbm>>) target_semaphore(%run_scoped3A : memref<!tpu.dma_semaphore, #tpu.memory_space<semaphore_mem>>)
      %dma_wait3A = arith.constant 0 : i32
      %dma_wait3A_115 = tpu.memref_slice %arg6[%add3A_110, %dma_wait3A] : memref<20480x128xf32, #tpu.memory_space<hbm>> -> memref<640x16xf32, #tpu.memory_space<hbm>>
      %dma_wait3A_116 = arith.constant 0 : i32
      %dma_wait3A_117 = tpu.memref_slice %arg11[%mul3A_105, %dma_wait3A_116] : memref<10240x16xf32, #tpu.memory_space<vmem_shared>> -> memref<640x16xf32, #tpu.memory_space<vmem_shared>>
      tpu.wait_dma2 semaphore(%run_scoped3A : memref<!tpu.dma_semaphore, #tpu.memory_space<semaphore_mem>>) src(%dma_wait3A_117 : memref<640x16xf32, #tpu.memory_space<vmem_shared>>) dst(%dma_wait3A_115 : memref<640x16xf32, #tpu.memory_space<hbm>>)
      tpu.yield
    }) : () -> ()
    return
  }
}

#map = affine_map<(d0, d1) -> (0, 0, 0)>
#map1 = affine_map<(d0, d1) -> (0, 0)>
module attributes {stable_mosaic.version = 14 : i64} {
  func.func @_deg(%arg0: i32, %arg1: i32, %arg2: memref<32x80x125xi32, #tpu.memory_space<hbm>>, %arg3: memref<125x8xf32, #tpu.memory_space<hbm>>, %arg4: memref<640x8xf32, #tpu.memory_space<hbm>>, %arg5: memref<20480x128xf32, #tpu.memory_space<hbm>>, %arg6: memref<80x125xi32, #tpu.memory_space<vmem>>, %arg7: memref<125x8xf32, #tpu.memory_space<vmem>>, %arg8: memref<10240x8xf32, #tpu.memory_space<vmem_shared>>) attributes {dimension_semantics = [#tpu.dimension_semantics<core_parallel>, #tpu.dimension_semantics<subcore_parallel>], iteration_bounds = array<i64: 2, 16>, scalar_prefetch = 0 : i64, scratch_operands = 3 : i64, tpu.core_type = #tpu.core_type<sc_vector_subcore>, window_params = [{transform_indices = #map}, {transform_indices = #map1}, {transform_indices = #map1}, {transform_indices = #map1}]} {
    %mul3A = arith.constant 16 : i32
    %mul3A_0 = arith.muli %arg0, %mul3A : i32
    %add3A = arith.addi %mul3A_0, %arg1 : i32
    "tpu.region"() ({
      %run_scoped3A = tpu.sem_alloc : memref<!tpu.dma_semaphore, #tpu.memory_space<semaphore_mem>>
      %dma_start3A = arith.constant 0 : i32
      %dma_start3A_16 = arith.constant 0 : i32
      %dma_start3A_17 = tpu.memref_slice %arg2[%add3A, %dma_start3A, %dma_start3A_16] : memref<32x80x125xi32, #tpu.memory_space<hbm>> -> memref<1x80x125xi32, #tpu.memory_space<hbm>>
      %dma_start3A_18 = tpu.memref_squeeze %dma_start3A_17 : memref<1x80x125xi32, #tpu.memory_space<hbm>> -> memref<80x125xi32, #tpu.memory_space<hbm>>
      %dma_start3A_19 = arith.constant 0 : i32
      %dma_start3A_20 = arith.constant 0 : i32
      %dma_start3A_21 = tpu.memref_slice %arg2[%add3A, %dma_start3A_19, %dma_start3A_20] : memref<32x80x125xi32, #tpu.memory_space<hbm>> -> memref<1x80x125xi32, #tpu.memory_space<hbm>>
      %dma_start3A_22 = tpu.memref_squeeze %dma_start3A_21 : memref<1x80x125xi32, #tpu.memory_space<hbm>> -> memref<80x125xi32, #tpu.memory_space<hbm>>
      tpu.enqueue_dma source(%dma_start3A_22 : memref<80x125xi32, #tpu.memory_space<hbm>>) target(%arg6 : memref<80x125xi32, #tpu.memory_space<vmem>>) target_semaphore(%run_scoped3A : memref<!tpu.dma_semaphore, #tpu.memory_space<semaphore_mem>>)
      %dma_wait3A = arith.constant 0 : i32
      %dma_wait3A_23 = arith.constant 0 : i32
      %dma_wait3A_24 = tpu.memref_slice %arg2[%add3A, %dma_wait3A, %dma_wait3A_23] : memref<32x80x125xi32, #tpu.memory_space<hbm>> -> memref<1x80x125xi32, #tpu.memory_space<hbm>>
      %dma_wait3A_25 = tpu.memref_squeeze %dma_wait3A_24 : memref<1x80x125xi32, #tpu.memory_space<hbm>> -> memref<80x125xi32, #tpu.memory_space<hbm>>
      %dma_wait3A_26 = arith.constant 0 : i32
      %dma_wait3A_27 = arith.constant 0 : i32
      %dma_wait3A_28 = tpu.memref_slice %arg2[%add3A, %dma_wait3A_26, %dma_wait3A_27] : memref<32x80x125xi32, #tpu.memory_space<hbm>> -> memref<1x80x125xi32, #tpu.memory_space<hbm>>
      %dma_wait3A_29 = tpu.memref_squeeze %dma_wait3A_28 : memref<1x80x125xi32, #tpu.memory_space<hbm>> -> memref<80x125xi32, #tpu.memory_space<hbm>>
      tpu.wait_dma2 semaphore(%run_scoped3A : memref<!tpu.dma_semaphore, #tpu.memory_space<semaphore_mem>>) src(%dma_wait3A_29 : memref<80x125xi32, #tpu.memory_space<hbm>>) dst(%arg6 : memref<80x125xi32, #tpu.memory_space<vmem>>)
      tpu.yield
    }) : () -> ()
    "tpu.region"() ({
      %run_scoped3A = tpu.sem_alloc : memref<!tpu.dma_semaphore, #tpu.memory_space<semaphore_mem>>
      tpu.enqueue_dma source(%arg3 : memref<125x8xf32, #tpu.memory_space<hbm>>) target(%arg7 : memref<125x8xf32, #tpu.memory_space<vmem>>) target_semaphore(%run_scoped3A : memref<!tpu.dma_semaphore, #tpu.memory_space<semaphore_mem>>)
      tpu.wait_dma2 semaphore(%run_scoped3A : memref<!tpu.dma_semaphore, #tpu.memory_space<semaphore_mem>>) src(%arg3 : memref<125x8xf32, #tpu.memory_space<hbm>>) dst(%arg7 : memref<125x8xf32, #tpu.memory_space<vmem>>)
      tpu.yield
    }) : () -> ()
    %mul3A_1 = arith.constant 640 : i32
    %mul3A_2 = arith.muli %arg1, %mul3A_1 : i32
    "tpu.region"() ({
      %run_scoped3A = tpu.sem_alloc : memref<!tpu.dma_semaphore, #tpu.memory_space<semaphore_mem>>
      %dma_start3A = arith.constant 0 : i32
      %dma_start3A_16 = tpu.memref_slice %arg8[%mul3A_2, %dma_start3A] : memref<10240x8xf32, #tpu.memory_space<vmem_shared>> -> memref<640x8xf32, #tpu.memory_space<vmem_shared>>
      tpu.enqueue_dma source(%arg4 : memref<640x8xf32, #tpu.memory_space<hbm>>) target(%dma_start3A_16 : memref<640x8xf32, #tpu.memory_space<vmem_shared>>) target_semaphore(%run_scoped3A : memref<!tpu.dma_semaphore, #tpu.memory_space<semaphore_mem>>)
      %dma_wait3A = arith.constant 0 : i32
      %dma_wait3A_17 = tpu.memref_slice %arg8[%mul3A_2, %dma_wait3A] : memref<10240x8xf32, #tpu.memory_space<vmem_shared>> -> memref<640x8xf32, #tpu.memory_space<vmem_shared>>
      tpu.wait_dma2 semaphore(%run_scoped3A : memref<!tpu.dma_semaphore, #tpu.memory_space<semaphore_mem>>) src(%arg4 : memref<640x8xf32, #tpu.memory_space<hbm>>) dst(%dma_wait3A_17 : memref<640x8xf32, #tpu.memory_space<vmem_shared>>)
      tpu.yield
    }) : () -> ()
    %barrier3A = arith.constant 0 : index
    tpu.barrier barrier_id(%barrier3A)
    %scan3A = arith.constant 0 : i32
    %scan3A_3 = arith.constant 0 : i32
    %scan3A_4 = arith.constant 80 : i32
    %scan3A_5 = arith.addi %scan3A_3, %scan3A_4 : i32
    %scan3A_6 = arith.constant 1 : i32
    scf.for %scan3A_16 = %scan3A_3 to %scan3A_5 step %scan3A_6  : i32 {
      "tpu.region"() ({
        %run_scoped3A = tpu.sem_alloc : memref<!tpu.dma_semaphore, #tpu.memory_space<semaphore_mem>>
        %dma_start3A = arith.constant 0 : i32
        %dma_start3A_17 = tpu.memref_slice %arg6[%scan3A_16, %dma_start3A] : memref<80x125xi32, #tpu.memory_space<vmem>> -> memref<1x125xi32, #tpu.memory_space<vmem>>
        %dma_start3A_18 = tpu.memref_squeeze %dma_start3A_17 : memref<1x125xi32, #tpu.memory_space<vmem>> -> memref<125xi32, #tpu.memory_space<vmem>>
        %dma_start3A_19 = arith.constant 0 : i32
        %dma_start3A_20 = arith.constant 0 : i32
        %dma_start3A_21 = tpu.memref_slice %arg8[%dma_start3A_19, %dma_start3A_20] : memref<10240x8xf32, #tpu.memory_space<vmem_shared>> -> memref<10240x8xf32, #tpu.memory_space<vmem_shared>>
        tpu.enqueue_indirect_dma source(%arg7 : memref<125x8xf32, #tpu.memory_space<vmem>>) target(%dma_start3A_21 : memref<10240x8xf32, #tpu.memory_space<vmem_shared>>) offsets(%dma_start3A_18 : memref<125xi32, #tpu.memory_space<vmem>>) semaphore(%run_scoped3A : memref<!tpu.dma_semaphore, #tpu.memory_space<semaphore_mem>>) {add = true}
        %dma_wait3A = arith.constant 0 : i32
        %dma_wait3A_22 = tpu.memref_slice %arg6[%scan3A_16, %dma_wait3A] : memref<80x125xi32, #tpu.memory_space<vmem>> -> memref<1x125xi32, #tpu.memory_space<vmem>>
        %dma_wait3A_23 = tpu.memref_squeeze %dma_wait3A_22 : memref<1x125xi32, #tpu.memory_space<vmem>> -> memref<125xi32, #tpu.memory_space<vmem>>
        %dma_wait3A_24 = arith.constant 0 : i32
        %dma_wait3A_25 = arith.constant 0 : i32
        %dma_wait3A_26 = tpu.memref_slice %arg8[%dma_wait3A_24, %dma_wait3A_25] : memref<10240x8xf32, #tpu.memory_space<vmem_shared>> -> memref<10240x8xf32, #tpu.memory_space<vmem_shared>>
        tpu.wait_indirect_dma semaphore(%run_scoped3A : memref<!tpu.dma_semaphore, #tpu.memory_space<semaphore_mem>>) src(%arg7 : memref<125x8xf32, #tpu.memory_space<vmem>>) dst(%dma_wait3A_26 : memref<10240x8xf32, #tpu.memory_space<vmem_shared>>)
        tpu.yield
      }) : () -> ()
    }
    %scan3A_7 = arith.constant 80 : i32
    %barrier3A_8 = arith.constant 0 : index
    tpu.barrier barrier_id(%barrier3A_8)
    %mul3A_9 = arith.constant 640 : i32
    %mul3A_10 = arith.muli %arg1, %mul3A_9 : i32
    %mul3A_11 = arith.constant 10240 : i32
    %mul3A_12 = arith.muli %arg0, %mul3A_11 : i32
    %mul3A_13 = arith.constant 640 : i32
    %mul3A_14 = arith.muli %arg1, %mul3A_13 : i32
    %add3A_15 = arith.addi %mul3A_12, %mul3A_14 : i32
    "tpu.region"() ({
      %run_scoped3A = tpu.sem_alloc : memref<!tpu.dma_semaphore, #tpu.memory_space<semaphore_mem>>
      %dma_start3A = arith.constant 0 : i32
      %dma_start3A_16 = tpu.memref_slice %arg5[%add3A_15, %dma_start3A] : memref<20480x128xf32, #tpu.memory_space<hbm>> -> memref<640x8xf32, #tpu.memory_space<hbm>>
      %dma_start3A_17 = arith.constant 0 : i32
      %dma_start3A_18 = tpu.memref_slice %arg8[%mul3A_10, %dma_start3A_17] : memref<10240x8xf32, #tpu.memory_space<vmem_shared>> -> memref<640x8xf32, #tpu.memory_space<vmem_shared>>
      tpu.enqueue_dma source(%dma_start3A_18 : memref<640x8xf32, #tpu.memory_space<vmem_shared>>) target(%dma_start3A_16 : memref<640x8xf32, #tpu.memory_space<hbm>>) target_semaphore(%run_scoped3A : memref<!tpu.dma_semaphore, #tpu.memory_space<semaphore_mem>>)
      %dma_wait3A = arith.constant 0 : i32
      %dma_wait3A_19 = tpu.memref_slice %arg5[%add3A_15, %dma_wait3A] : memref<20480x128xf32, #tpu.memory_space<hbm>> -> memref<640x8xf32, #tpu.memory_space<hbm>>
      %dma_wait3A_20 = arith.constant 0 : i32
      %dma_wait3A_21 = tpu.memref_slice %arg8[%mul3A_10, %dma_wait3A_20] : memref<10240x8xf32, #tpu.memory_space<vmem_shared>> -> memref<640x8xf32, #tpu.memory_space<vmem_shared>>
      tpu.wait_dma2 semaphore(%run_scoped3A : memref<!tpu.dma_semaphore, #tpu.memory_space<semaphore_mem>>) src(%dma_wait3A_21 : memref<640x8xf32, #tpu.memory_space<vmem_shared>>) dst(%dma_wait3A_19 : memref<640x8xf32, #tpu.memory_space<hbm>>)
      tpu.yield
    }) : () -> ()
    return
  }
}

#map = affine_map<(d0, d1) -> (0, 0)>
#map1 = affine_map<(d0, d1) -> (0, 0, 0)>
module attributes {stable_mosaic.version = 14 : i64} {
  func.func @agg(%arg0: i32, %arg1: i32, %arg2: memref<10000x40xf32, #tpu.memory_space<hbm>>, %arg3: memref<32x80x125xi32, #tpu.memory_space<hbm>>, %arg4: memref<32x80x125xi32, #tpu.memory_space<hbm>>, %arg5: memref<640x40xf32, #tpu.memory_space<hbm>>, %arg6: memref<20480x128xf32, #tpu.memory_space<hbm>>, %arg7: memref<80x125xi32, #tpu.memory_space<vmem>>, %arg8: memref<80x125xi32, #tpu.memory_space<vmem>>, %arg9: memref<10x125x40xf32, #tpu.memory_space<vmem>>, %arg10: memref<8x40xf32, #tpu.memory_space<vmem_shared>>, %arg11: memref<10240x40xf32, #tpu.memory_space<vmem_shared>>, %arg12: memref<10x!tpu.dma_semaphore, #tpu.memory_space<semaphore_mem>>) attributes {dimension_semantics = [#tpu.dimension_semantics<core_parallel>, #tpu.dimension_semantics<subcore_parallel>], iteration_bounds = array<i64: 2, 16>, scalar_prefetch = 0 : i64, scratch_operands = 6 : i64, tpu.core_type = #tpu.core_type<sc_vector_subcore>, window_params = [{transform_indices = #map}, {transform_indices = #map1}, {transform_indices = #map1}, {transform_indices = #map}, {transform_indices = #map}]} {
    %mul3A = arith.constant 16 : i32
    %mul3A_0 = arith.muli %arg0, %mul3A : i32
    %add3A = arith.addi %mul3A_0, %arg1 : i32
    "tpu.region"() ({
      %run_scoped3A = tpu.sem_alloc : memref<!tpu.dma_semaphore, #tpu.memory_space<semaphore_mem>>
      %dma_start3A_105 = arith.constant 0 : i32
      %dma_start3A_106 = arith.constant 0 : i32
      %dma_start3A_107 = tpu.memref_slice %arg3[%add3A, %dma_start3A_105, %dma_start3A_106] : memref<32x80x125xi32, #tpu.memory_space<hbm>> -> memref<1x80x125xi32, #tpu.memory_space<hbm>>
      %dma_start3A_108 = tpu.memref_squeeze %dma_start3A_107 : memref<1x80x125xi32, #tpu.memory_space<hbm>> -> memref<80x125xi32, #tpu.memory_space<hbm>>
      %dma_start3A_109 = arith.constant 0 : i32
      %dma_start3A_110 = arith.constant 0 : i32
      %dma_start3A_111 = tpu.memref_slice %arg3[%add3A, %dma_start3A_109, %dma_start3A_110] : memref<32x80x125xi32, #tpu.memory_space<hbm>> -> memref<1x80x125xi32, #tpu.memory_space<hbm>>
      %dma_start3A_112 = tpu.memref_squeeze %dma_start3A_111 : memref<1x80x125xi32, #tpu.memory_space<hbm>> -> memref<80x125xi32, #tpu.memory_space<hbm>>
      tpu.enqueue_dma source(%dma_start3A_112 : memref<80x125xi32, #tpu.memory_space<hbm>>) target(%arg7 : memref<80x125xi32, #tpu.memory_space<vmem>>) target_semaphore(%run_scoped3A : memref<!tpu.dma_semaphore, #tpu.memory_space<semaphore_mem>>)
      %dma_wait3A = arith.constant 0 : i32
      %dma_wait3A_113 = arith.constant 0 : i32
      %dma_wait3A_114 = tpu.memref_slice %arg3[%add3A, %dma_wait3A, %dma_wait3A_113] : memref<32x80x125xi32, #tpu.memory_space<hbm>> -> memref<1x80x125xi32, #tpu.memory_space<hbm>>
      %dma_wait3A_115 = tpu.memref_squeeze %dma_wait3A_114 : memref<1x80x125xi32, #tpu.memory_space<hbm>> -> memref<80x125xi32, #tpu.memory_space<hbm>>
      %dma_wait3A_116 = arith.constant 0 : i32
      %dma_wait3A_117 = arith.constant 0 : i32
      %dma_wait3A_118 = tpu.memref_slice %arg3[%add3A, %dma_wait3A_116, %dma_wait3A_117] : memref<32x80x125xi32, #tpu.memory_space<hbm>> -> memref<1x80x125xi32, #tpu.memory_space<hbm>>
      %dma_wait3A_119 = tpu.memref_squeeze %dma_wait3A_118 : memref<1x80x125xi32, #tpu.memory_space<hbm>> -> memref<80x125xi32, #tpu.memory_space<hbm>>
      tpu.wait_dma2 semaphore(%run_scoped3A : memref<!tpu.dma_semaphore, #tpu.memory_space<semaphore_mem>>) src(%dma_wait3A_119 : memref<80x125xi32, #tpu.memory_space<hbm>>) dst(%arg7 : memref<80x125xi32, #tpu.memory_space<vmem>>)
      tpu.yield
    }) : () -> ()
    "tpu.region"() ({
      %run_scoped3A = tpu.sem_alloc : memref<!tpu.dma_semaphore, #tpu.memory_space<semaphore_mem>>
      %dma_start3A_105 = arith.constant 0 : i32
      %dma_start3A_106 = arith.constant 0 : i32
      %dma_start3A_107 = tpu.memref_slice %arg4[%add3A, %dma_start3A_105, %dma_start3A_106] : memref<32x80x125xi32, #tpu.memory_space<hbm>> -> memref<1x80x125xi32, #tpu.memory_space<hbm>>
      %dma_start3A_108 = tpu.memref_squeeze %dma_start3A_107 : memref<1x80x125xi32, #tpu.memory_space<hbm>> -> memref<80x125xi32, #tpu.memory_space<hbm>>
      %dma_start3A_109 = arith.constant 0 : i32
      %dma_start3A_110 = arith.constant 0 : i32
      %dma_start3A_111 = tpu.memref_slice %arg4[%add3A, %dma_start3A_109, %dma_start3A_110] : memref<32x80x125xi32, #tpu.memory_space<hbm>> -> memref<1x80x125xi32, #tpu.memory_space<hbm>>
      %dma_start3A_112 = tpu.memref_squeeze %dma_start3A_111 : memref<1x80x125xi32, #tpu.memory_space<hbm>> -> memref<80x125xi32, #tpu.memory_space<hbm>>
      tpu.enqueue_dma source(%dma_start3A_112 : memref<80x125xi32, #tpu.memory_space<hbm>>) target(%arg8 : memref<80x125xi32, #tpu.memory_space<vmem>>) target_semaphore(%run_scoped3A : memref<!tpu.dma_semaphore, #tpu.memory_space<semaphore_mem>>)
      %dma_wait3A = arith.constant 0 : i32
      %dma_wait3A_113 = arith.constant 0 : i32
      %dma_wait3A_114 = tpu.memref_slice %arg4[%add3A, %dma_wait3A, %dma_wait3A_113] : memref<32x80x125xi32, #tpu.memory_space<hbm>> -> memref<1x80x125xi32, #tpu.memory_space<hbm>>
      %dma_wait3A_115 = tpu.memref_squeeze %dma_wait3A_114 : memref<1x80x125xi32, #tpu.memory_space<hbm>> -> memref<80x125xi32, #tpu.memory_space<hbm>>
      %dma_wait3A_116 = arith.constant 0 : i32
      %dma_wait3A_117 = arith.constant 0 : i32
      %dma_wait3A_118 = tpu.memref_slice %arg4[%add3A, %dma_wait3A_116, %dma_wait3A_117] : memref<32x80x125xi32, #tpu.memory_space<hbm>> -> memref<1x80x125xi32, #tpu.memory_space<hbm>>
      %dma_wait3A_119 = tpu.memref_squeeze %dma_wait3A_118 : memref<1x80x125xi32, #tpu.memory_space<hbm>> -> memref<80x125xi32, #tpu.memory_space<hbm>>
      tpu.wait_dma2 semaphore(%run_scoped3A : memref<!tpu.dma_semaphore, #tpu.memory_space<semaphore_mem>>) src(%dma_wait3A_119 : memref<80x125xi32, #tpu.memory_space<hbm>>) dst(%arg8 : memref<80x125xi32, #tpu.memory_space<vmem>>)
      tpu.yield
    }) : () -> ()
    %mul3A_1 = arith.constant 640 : i32
    %mul3A_2 = arith.muli %arg1, %mul3A_1 : i32
    "tpu.region"() ({
      %run_scoped3A = tpu.sem_alloc : memref<!tpu.dma_semaphore, #tpu.memory_space<semaphore_mem>>
      %dma_start3A_105 = arith.constant 0 : i32
      %dma_start3A_106 = tpu.memref_slice %arg11[%mul3A_2, %dma_start3A_105] : memref<10240x40xf32, #tpu.memory_space<vmem_shared>> -> memref<640x40xf32, #tpu.memory_space<vmem_shared>>
      tpu.enqueue_dma source(%arg5 : memref<640x40xf32, #tpu.memory_space<hbm>>) target(%dma_start3A_106 : memref<640x40xf32, #tpu.memory_space<vmem_shared>>) target_semaphore(%run_scoped3A : memref<!tpu.dma_semaphore, #tpu.memory_space<semaphore_mem>>)
      %dma_wait3A = arith.constant 0 : i32
      %dma_wait3A_107 = tpu.memref_slice %arg11[%mul3A_2, %dma_wait3A] : memref<10240x40xf32, #tpu.memory_space<vmem_shared>> -> memref<640x40xf32, #tpu.memory_space<vmem_shared>>
      tpu.wait_dma2 semaphore(%run_scoped3A : memref<!tpu.dma_semaphore, #tpu.memory_space<semaphore_mem>>) src(%arg5 : memref<640x40xf32, #tpu.memory_space<hbm>>) dst(%dma_wait3A_107 : memref<640x40xf32, #tpu.memory_space<vmem_shared>>)
      tpu.yield
    }) : () -> ()
    %barrier3A = arith.constant 0 : index
    tpu.barrier barrier_id(%barrier3A)
    %dma_start3A = arith.constant 0 : i32
    %dma_start3A_3 = arith.constant 0 : i32
    %dma_start3A_4 = arith.constant 0 : i32
    %dma_start3A_5 = arith.constant 0 : i32
    %dma_start3A_6 = arith.constant 0 : i32
    %dma_start3A_7 = tpu.memref_slice %arg9[%dma_start3A_3, %dma_start3A_5, %dma_start3A_6] : memref<10x125x40xf32, #tpu.memory_space<vmem>> -> memref<1x125x40xf32, #tpu.memory_space<vmem>>
    %dma_start3A_8 = tpu.memref_squeeze %dma_start3A_7 : memref<1x125x40xf32, #tpu.memory_space<vmem>> -> memref<125x40xf32, #tpu.memory_space<vmem>>
    %dma_start3A_9 = arith.constant 0 : i32
    %dma_start3A_10 = tpu.memref_slice %arg7[%dma_start3A, %dma_start3A_9] : memref<80x125xi32, #tpu.memory_space<vmem>> -> memref<1x125xi32, #tpu.memory_space<vmem>>
    %dma_start3A_11 = tpu.memref_squeeze %dma_start3A_10 : memref<1x125xi32, #tpu.memory_space<vmem>> -> memref<125xi32, #tpu.memory_space<vmem>>
    %dma_start3A_12 = arith.constant 0 : i32
    %dma_start3A_13 = arith.constant 0 : i32
    %dma_start3A_14 = tpu.memref_slice %arg2[%dma_start3A_12, %dma_start3A_13] : memref<10000x40xf32, #tpu.memory_space<hbm>> -> memref<10000x40xf32, #tpu.memory_space<hbm>>
    %dma_start3A_15 = tpu.memref_slice %arg12[%dma_start3A_4] : memref<10x!tpu.dma_semaphore, #tpu.memory_space<semaphore_mem>> -> memref<1x!tpu.dma_semaphore, #tpu.memory_space<semaphore_mem>>
    %dma_start3A_16 = tpu.memref_squeeze %dma_start3A_15 : memref<1x!tpu.dma_semaphore, #tpu.memory_space<semaphore_mem>> -> memref<!tpu.dma_semaphore, #tpu.memory_space<semaphore_mem>>
    tpu.enqueue_indirect_dma source(%dma_start3A_14 : memref<10000x40xf32, #tpu.memory_space<hbm>>) target(%dma_start3A_8 : memref<125x40xf32, #tpu.memory_space<vmem>>) offsets(%dma_start3A_11 : memref<125xi32, #tpu.memory_space<vmem>>) semaphore(%dma_start3A_16 : memref<!tpu.dma_semaphore, #tpu.memory_space<semaphore_mem>>)
    %dma_start3A_17 = arith.constant 1 : i32
    %dma_start3A_18 = arith.constant 1 : i32
    %dma_start3A_19 = arith.constant 1 : i32
    %dma_start3A_20 = arith.constant 0 : i32
    %dma_start3A_21 = arith.constant 0 : i32
    %dma_start3A_22 = tpu.memref_slice %arg9[%dma_start3A_18, %dma_start3A_20, %dma_start3A_21] : memref<10x125x40xf32, #tpu.memory_space<vmem>> -> memref<1x125x40xf32, #tpu.memory_space<vmem>>
    %dma_start3A_23 = tpu.memref_squeeze %dma_start3A_22 : memref<1x125x40xf32, #tpu.memory_space<vmem>> -> memref<125x40xf32, #tpu.memory_space<vmem>>
    %dma_start3A_24 = arith.constant 0 : i32
    %dma_start3A_25 = tpu.memref_slice %arg7[%dma_start3A_17, %dma_start3A_24] : memref<80x125xi32, #tpu.memory_space<vmem>> -> memref<1x125xi32, #tpu.memory_space<vmem>>
    %dma_start3A_26 = tpu.memref_squeeze %dma_start3A_25 : memref<1x125xi32, #tpu.memory_space<vmem>> -> memref<125xi32, #tpu.memory_space<vmem>>
    %dma_start3A_27 = arith.constant 0 : i32
    %dma_start3A_28 = arith.constant 0 : i32
    %dma_start3A_29 = tpu.memref_slice %arg2[%dma_start3A_27, %dma_start3A_28] : memref<10000x40xf32, #tpu.memory_space<hbm>> -> memref<10000x40xf32, #tpu.memory_space<hbm>>
    %dma_start3A_30 = tpu.memref_slice %arg12[%dma_start3A_19] : memref<10x!tpu.dma_semaphore, #tpu.memory_space<semaphore_mem>> -> memref<1x!tpu.dma_semaphore, #tpu.memory_space<semaphore_mem>>
    %dma_start3A_31 = tpu.memref_squeeze %dma_start3A_30 : memref<1x!tpu.dma_semaphore, #tpu.memory_space<semaphore_mem>> -> memref<!tpu.dma_semaphore, #tpu.memory_space<semaphore_mem>>
    tpu.enqueue_indirect_dma source(%dma_start3A_29 : memref<10000x40xf32, #tpu.memory_space<hbm>>) target(%dma_start3A_23 : memref<125x40xf32, #tpu.memory_space<vmem>>) offsets(%dma_start3A_26 : memref<125xi32, #tpu.memory_space<vmem>>) semaphore(%dma_start3A_31 : memref<!tpu.dma_semaphore, #tpu.memory_space<semaphore_mem>>)
    %dma_start3A_32 = arith.constant 2 : i32
    %dma_start3A_33 = arith.constant 2 : i32
    %dma_start3A_34 = arith.constant 2 : i32
    %dma_start3A_35 = arith.constant 0 : i32
    %dma_start3A_36 = arith.constant 0 : i32
    %dma_start3A_37 = tpu.memref_slice %arg9[%dma_start3A_33, %dma_start3A_35, %dma_start3A_36] : memref<10x125x40xf32, #tpu.memory_space<vmem>> -> memref<1x125x40xf32, #tpu.memory_space<vmem>>
    %dma_start3A_38 = tpu.memref_squeeze %dma_start3A_37 : memref<1x125x40xf32, #tpu.memory_space<vmem>> -> memref<125x40xf32, #tpu.memory_space<vmem>>
    %dma_start3A_39 = arith.constant 0 : i32
    %dma_start3A_40 = tpu.memref_slice %arg7[%dma_start3A_32, %dma_start3A_39] : memref<80x125xi32, #tpu.memory_space<vmem>> -> memref<1x125xi32, #tpu.memory_space<vmem>>
    %dma_start3A_41 = tpu.memref_squeeze %dma_start3A_40 : memref<1x125xi32, #tpu.memory_space<vmem>> -> memref<125xi32, #tpu.memory_space<vmem>>
    %dma_start3A_42 = arith.constant 0 : i32
    %dma_start3A_43 = arith.constant 0 : i32
    %dma_start3A_44 = tpu.memref_slice %arg2[%dma_start3A_42, %dma_start3A_43] : memref<10000x40xf32, #tpu.memory_space<hbm>> -> memref<10000x40xf32, #tpu.memory_space<hbm>>
    %dma_start3A_45 = tpu.memref_slice %arg12[%dma_start3A_34] : memref<10x!tpu.dma_semaphore, #tpu.memory_space<semaphore_mem>> -> memref<1x!tpu.dma_semaphore, #tpu.memory_space<semaphore_mem>>
    %dma_start3A_46 = tpu.memref_squeeze %dma_start3A_45 : memref<1x!tpu.dma_semaphore, #tpu.memory_space<semaphore_mem>> -> memref<!tpu.dma_semaphore, #tpu.memory_space<semaphore_mem>>
    tpu.enqueue_indirect_dma source(%dma_start3A_44 : memref<10000x40xf32, #tpu.memory_space<hbm>>) target(%dma_start3A_38 : memref<125x40xf32, #tpu.memory_space<vmem>>) offsets(%dma_start3A_41 : memref<125xi32, #tpu.memory_space<vmem>>) semaphore(%dma_start3A_46 : memref<!tpu.dma_semaphore, #tpu.memory_space<semaphore_mem>>)
    %dma_start3A_47 = arith.constant 3 : i32
    %dma_start3A_48 = arith.constant 3 : i32
    %dma_start3A_49 = arith.constant 3 : i32
    %dma_start3A_50 = arith.constant 0 : i32
    %dma_start3A_51 = arith.constant 0 : i32
    %dma_start3A_52 = tpu.memref_slice %arg9[%dma_start3A_48, %dma_start3A_50, %dma_start3A_51] : memref<10x125x40xf32, #tpu.memory_space<vmem>> -> memref<1x125x40xf32, #tpu.memory_space<vmem>>
    %dma_start3A_53 = tpu.memref_squeeze %dma_start3A_52 : memref<1x125x40xf32, #tpu.memory_space<vmem>> -> memref<125x40xf32, #tpu.memory_space<vmem>>
    %dma_start3A_54 = arith.constant 0 : i32
    %dma_start3A_55 = tpu.memref_slice %arg7[%dma_start3A_47, %dma_start3A_54] : memref<80x125xi32, #tpu.memory_space<vmem>> -> memref<1x125xi32, #tpu.memory_space<vmem>>
    %dma_start3A_56 = tpu.memref_squeeze %dma_start3A_55 : memref<1x125xi32, #tpu.memory_space<vmem>> -> memref<125xi32, #tpu.memory_space<vmem>>
    %dma_start3A_57 = arith.constant 0 : i32
    %dma_start3A_58 = arith.constant 0 : i32
    %dma_start3A_59 = tpu.memref_slice %arg2[%dma_start3A_57, %dma_start3A_58] : memref<10000x40xf32, #tpu.memory_space<hbm>> -> memref<10000x40xf32, #tpu.memory_space<hbm>>
    %dma_start3A_60 = tpu.memref_slice %arg12[%dma_start3A_49] : memref<10x!tpu.dma_semaphore, #tpu.memory_space<semaphore_mem>> -> memref<1x!tpu.dma_semaphore, #tpu.memory_space<semaphore_mem>>
    %dma_start3A_61 = tpu.memref_squeeze %dma_start3A_60 : memref<1x!tpu.dma_semaphore, #tpu.memory_space<semaphore_mem>> -> memref<!tpu.dma_semaphore, #tpu.memory_space<semaphore_mem>>
    tpu.enqueue_indirect_dma source(%dma_start3A_59 : memref<10000x40xf32, #tpu.memory_space<hbm>>) target(%dma_start3A_53 : memref<125x40xf32, #tpu.memory_space<vmem>>) offsets(%dma_start3A_56 : memref<125xi32, #tpu.memory_space<vmem>>) semaphore(%dma_start3A_61 : memref<!tpu.dma_semaphore, #tpu.memory_space<semaphore_mem>>)
    %dma_start3A_62 = arith.constant 4 : i32
    %dma_start3A_63 = arith.constant 4 : i32
    %dma_start3A_64 = arith.constant 4 : i32
    %dma_start3A_65 = arith.constant 0 : i32
    %dma_start3A_66 = arith.constant 0 : i32
    %dma_start3A_67 = tpu.memref_slice %arg9[%dma_start3A_63, %dma_start3A_65, %dma_start3A_66] : memref<10x125x40xf32, #tpu.memory_space<vmem>> -> memref<1x125x40xf32, #tpu.memory_space<vmem>>
    %dma_start3A_68 = tpu.memref_squeeze %dma_start3A_67 : memref<1x125x40xf32, #tpu.memory_space<vmem>> -> memref<125x40xf32, #tpu.memory_space<vmem>>
    %dma_start3A_69 = arith.constant 0 : i32
    %dma_start3A_70 = tpu.memref_slice %arg7[%dma_start3A_62, %dma_start3A_69] : memref<80x125xi32, #tpu.memory_space<vmem>> -> memref<1x125xi32, #tpu.memory_space<vmem>>
    %dma_start3A_71 = tpu.memref_squeeze %dma_start3A_70 : memref<1x125xi32, #tpu.memory_space<vmem>> -> memref<125xi32, #tpu.memory_space<vmem>>
    %dma_start3A_72 = arith.constant 0 : i32
    %dma_start3A_73 = arith.constant 0 : i32
    %dma_start3A_74 = tpu.memref_slice %arg2[%dma_start3A_72, %dma_start3A_73] : memref<10000x40xf32, #tpu.memory_space<hbm>> -> memref<10000x40xf32, #tpu.memory_space<hbm>>
    %dma_start3A_75 = tpu.memref_slice %arg12[%dma_start3A_64] : memref<10x!tpu.dma_semaphore, #tpu.memory_space<semaphore_mem>> -> memref<1x!tpu.dma_semaphore, #tpu.memory_space<semaphore_mem>>
    %dma_start3A_76 = tpu.memref_squeeze %dma_start3A_75 : memref<1x!tpu.dma_semaphore, #tpu.memory_space<semaphore_mem>> -> memref<!tpu.dma_semaphore, #tpu.memory_space<semaphore_mem>>
    tpu.enqueue_indirect_dma source(%dma_start3A_74 : memref<10000x40xf32, #tpu.memory_space<hbm>>) target(%dma_start3A_68 : memref<125x40xf32, #tpu.memory_space<vmem>>) offsets(%dma_start3A_71 : memref<125xi32, #tpu.memory_space<vmem>>) semaphore(%dma_start3A_76 : memref<!tpu.dma_semaphore, #tpu.memory_space<semaphore_mem>>)
    %dma_start3A_77 = arith.constant 5 : i32
    %dma_start3A_78 = arith.constant 5 : i32
    %dma_start3A_79 = arith.constant 5 : i32
    %dma_start3A_80 = arith.constant 0 : i32
    %dma_start3A_81 = arith.constant 0 : i32
    %dma_start3A_82 = tpu.memref_slice %arg9[%dma_start3A_78, %dma_start3A_80, %dma_start3A_81] : memref<10x125x40xf32, #tpu.memory_space<vmem>> -> memref<1x125x40xf32, #tpu.memory_space<vmem>>
    %dma_start3A_83 = tpu.memref_squeeze %dma_start3A_82 : memref<1x125x40xf32, #tpu.memory_space<vmem>> -> memref<125x40xf32, #tpu.memory_space<vmem>>
    %dma_start3A_84 = arith.constant 0 : i32
    %dma_start3A_85 = tpu.memref_slice %arg7[%dma_start3A_77, %dma_start3A_84] : memref<80x125xi32, #tpu.memory_space<vmem>> -> memref<1x125xi32, #tpu.memory_space<vmem>>
    %dma_start3A_86 = tpu.memref_squeeze %dma_start3A_85 : memref<1x125xi32, #tpu.memory_space<vmem>> -> memref<125xi32, #tpu.memory_space<vmem>>
    %dma_start3A_87 = arith.constant 0 : i32
    %dma_start3A_88 = arith.constant 0 : i32
    %dma_start3A_89 = tpu.memref_slice %arg2[%dma_start3A_87, %dma_start3A_88] : memref<10000x40xf32, #tpu.memory_space<hbm>> -> memref<10000x40xf32, #tpu.memory_space<hbm>>
    %dma_start3A_90 = tpu.memref_slice %arg12[%dma_start3A_79] : memref<10x!tpu.dma_semaphore, #tpu.memory_space<semaphore_mem>> -> memref<1x!tpu.dma_semaphore, #tpu.memory_space<semaphore_mem>>
    %dma_start3A_91 = tpu.memref_squeeze %dma_start3A_90 : memref<1x!tpu.dma_semaphore, #tpu.memory_space<semaphore_mem>> -> memref<!tpu.dma_semaphore, #tpu.memory_space<semaphore_mem>>
    tpu.enqueue_indirect_dma source(%dma_start3A_89 : memref<10000x40xf32, #tpu.memory_space<hbm>>) target(%dma_start3A_83 : memref<125x40xf32, #tpu.memory_space<vmem>>) offsets(%dma_start3A_86 : memref<125xi32, #tpu.memory_space<vmem>>) semaphore(%dma_start3A_91 : memref<!tpu.dma_semaphore, #tpu.memory_space<semaphore_mem>>)
    %scan3A = arith.constant 0 : i32
    %scan3A_92 = arith.constant 0 : i32
    %scan3A_93 = arith.constant 8 : i32
    %scan3A_94 = arith.addi %scan3A_92, %scan3A_93 : i32
    %scan3A_95 = arith.constant 1 : i32
    scf.for %scan3A_105 = %scan3A_92 to %scan3A_94 step %scan3A_95  : i32 {
      %mul3A_106 = arith.constant 10 : i32
      %mul3A_107 = arith.muli %scan3A_105, %mul3A_106 : i32
      %add3A_108 = arith.constant 0 : i32
      %add3A_109 = arith.addi %mul3A_107, %add3A_108 : i32
      %dma_wait3A = arith.constant 0 : i32
      %dma_wait3A_110 = arith.constant 0 : i32
      %dma_wait3A_111 = arith.constant 0 : i32
      %dma_wait3A_112 = arith.constant 0 : i32
      %dma_wait3A_113 = tpu.memref_slice %arg9[%dma_wait3A, %dma_wait3A_111, %dma_wait3A_112] : memref<10x125x40xf32, #tpu.memory_space<vmem>> -> memref<1x125x40xf32, #tpu.memory_space<vmem>>
      %dma_wait3A_114 = tpu.memref_squeeze %dma_wait3A_113 : memref<1x125x40xf32, #tpu.memory_space<vmem>> -> memref<125x40xf32, #tpu.memory_space<vmem>>
      %dma_wait3A_115 = arith.constant 0 : i32
      %dma_wait3A_116 = tpu.memref_slice %arg7[%add3A_109, %dma_wait3A_115] : memref<80x125xi32, #tpu.memory_space<vmem>> -> memref<1x125xi32, #tpu.memory_space<vmem>>
      %dma_wait3A_117 = tpu.memref_squeeze %dma_wait3A_116 : memref<1x125xi32, #tpu.memory_space<vmem>> -> memref<125xi32, #tpu.memory_space<vmem>>
      %dma_wait3A_118 = arith.constant 0 : i32
      %dma_wait3A_119 = arith.constant 0 : i32
      %dma_wait3A_120 = tpu.memref_slice %arg2[%dma_wait3A_118, %dma_wait3A_119] : memref<10000x40xf32, #tpu.memory_space<hbm>> -> memref<10000x40xf32, #tpu.memory_space<hbm>>
      %dma_wait3A_121 = tpu.memref_slice %arg12[%dma_wait3A_110] : memref<10x!tpu.dma_semaphore, #tpu.memory_space<semaphore_mem>> -> memref<1x!tpu.dma_semaphore, #tpu.memory_space<semaphore_mem>>
      %dma_wait3A_122 = tpu.memref_squeeze %dma_wait3A_121 : memref<1x!tpu.dma_semaphore, #tpu.memory_space<semaphore_mem>> -> memref<!tpu.dma_semaphore, #tpu.memory_space<semaphore_mem>>
      tpu.wait_indirect_dma semaphore(%dma_wait3A_122 : memref<!tpu.dma_semaphore, #tpu.memory_space<semaphore_mem>>) src(%dma_wait3A_120 : memref<10000x40xf32, #tpu.memory_space<hbm>>) dst(%dma_wait3A_114 : memref<125x40xf32, #tpu.memory_space<vmem>>)
      %run_scoped3A = arith.constant 0 : i32
      "tpu.region"() ({
        %run_scoped3A_343 = tpu.sem_alloc : memref<!tpu.dma_semaphore, #tpu.memory_space<semaphore_mem>>
        %dma_start3A_344 = arith.constant 0 : i32
        %dma_start3A_345 = arith.constant 0 : i32
        %dma_start3A_346 = tpu.memref_slice %arg9[%run_scoped3A, %dma_start3A_344, %dma_start3A_345] : memref<10x125x40xf32, #tpu.memory_space<vmem>> -> memref<1x125x40xf32, #tpu.memory_space<vmem>>
        %dma_start3A_347 = tpu.memref_squeeze %dma_start3A_346 : memref<1x125x40xf32, #tpu.memory_space<vmem>> -> memref<125x40xf32, #tpu.memory_space<vmem>>
        %dma_start3A_348 = arith.constant 0 : i32
        %dma_start3A_349 = tpu.memref_slice %arg8[%add3A_109, %dma_start3A_348] : memref<80x125xi32, #tpu.memory_space<vmem>> -> memref<1x125xi32, #tpu.memory_space<vmem>>
        %dma_start3A_350 = tpu.memref_squeeze %dma_start3A_349 : memref<1x125xi32, #tpu.memory_space<vmem>> -> memref<125xi32, #tpu.memory_space<vmem>>
        %dma_start3A_351 = arith.constant 0 : i32
        %dma_start3A_352 = arith.constant 0 : i32
        %dma_start3A_353 = tpu.memref_slice %arg11[%dma_start3A_351, %dma_start3A_352] : memref<10240x40xf32, #tpu.memory_space<vmem_shared>> -> memref<10240x40xf32, #tpu.memory_space<vmem_shared>>
        tpu.enqueue_indirect_dma source(%dma_start3A_347 : memref<125x40xf32, #tpu.memory_space<vmem>>) target(%dma_start3A_353 : memref<10240x40xf32, #tpu.memory_space<vmem_shared>>) offsets(%dma_start3A_350 : memref<125xi32, #tpu.memory_space<vmem>>) semaphore(%run_scoped3A_343 : memref<!tpu.dma_semaphore, #tpu.memory_space<semaphore_mem>>) {add = true}
        %dma_wait3A_354 = arith.constant 0 : i32
        %dma_wait3A_355 = arith.constant 0 : i32
        %dma_wait3A_356 = tpu.memref_slice %arg9[%run_scoped3A, %dma_wait3A_354, %dma_wait3A_355] : memref<10x125x40xf32, #tpu.memory_space<vmem>> -> memref<1x125x40xf32, #tpu.memory_space<vmem>>
        %dma_wait3A_357 = tpu.memref_squeeze %dma_wait3A_356 : memref<1x125x40xf32, #tpu.memory_space<vmem>> -> memref<125x40xf32, #tpu.memory_space<vmem>>
        %dma_wait3A_358 = arith.constant 0 : i32
        %dma_wait3A_359 = tpu.memref_slice %arg8[%add3A_109, %dma_wait3A_358] : memref<80x125xi32, #tpu.memory_space<vmem>> -> memref<1x125xi32, #tpu.memory_space<vmem>>
        %dma_wait3A_360 = tpu.memref_squeeze %dma_wait3A_359 : memref<1x125xi32, #tpu.memory_space<vmem>> -> memref<125xi32, #tpu.memory_space<vmem>>
        %dma_wait3A_361 = arith.constant 0 : i32
        %dma_wait3A_362 = arith.constant 0 : i32
        %dma_wait3A_363 = tpu.memref_slice %arg11[%dma_wait3A_361, %dma_wait3A_362] : memref<10240x40xf32, #tpu.memory_space<vmem_shared>> -> memref<10240x40xf32, #tpu.memory_space<vmem_shared>>
        tpu.wait_indirect_dma semaphore(%run_scoped3A_343 : memref<!tpu.dma_semaphore, #tpu.memory_space<semaphore_mem>>) src(%dma_wait3A_357 : memref<125x40xf32, #tpu.memory_space<vmem>>) dst(%dma_wait3A_363 : memref<10240x40xf32, #tpu.memory_space<vmem_shared>>)
        tpu.yield
      }) : () -> ()
      %add3A_123 = arith.constant 6 : i32
      %add3A_124 = arith.addi %add3A_109, %add3A_123 : i32
      %lt3A = arith.constant 80 : i32
      %lt3A_125 = arith.cmpi slt, %add3A_124, %lt3A : i32
      %convert_element_type3A = arith.extui %lt3A_125 : i1 to i32
      %cond3A = arith.constant 0 : i32
      %cond3A_126 = arith.cmpi ne, %convert_element_type3A, %cond3A : i32
      scf.if %cond3A_126 {
        %dma_start3A_343 = arith.constant 6 : i32
        %dma_start3A_344 = arith.constant 6 : i32
        %dma_start3A_345 = arith.constant 0 : i32
        %dma_start3A_346 = arith.constant 0 : i32
        %dma_start3A_347 = tpu.memref_slice %arg9[%dma_start3A_343, %dma_start3A_345, %dma_start3A_346] : memref<10x125x40xf32, #tpu.memory_space<vmem>> -> memref<1x125x40xf32, #tpu.memory_space<vmem>>
        %dma_start3A_348 = tpu.memref_squeeze %dma_start3A_347 : memref<1x125x40xf32, #tpu.memory_space<vmem>> -> memref<125x40xf32, #tpu.memory_space<vmem>>
        %dma_start3A_349 = arith.constant 0 : i32
        %dma_start3A_350 = tpu.memref_slice %arg7[%add3A_124, %dma_start3A_349] : memref<80x125xi32, #tpu.memory_space<vmem>> -> memref<1x125xi32, #tpu.memory_space<vmem>>
        %dma_start3A_351 = tpu.memref_squeeze %dma_start3A_350 : memref<1x125xi32, #tpu.memory_space<vmem>> -> memref<125xi32, #tpu.memory_space<vmem>>
        %dma_start3A_352 = arith.constant 0 : i32
        %dma_start3A_353 = arith.constant 0 : i32
        %dma_start3A_354 = tpu.memref_slice %arg2[%dma_start3A_352, %dma_start3A_353] : memref<10000x40xf32, #tpu.memory_space<hbm>> -> memref<10000x40xf32, #tpu.memory_space<hbm>>
        %dma_start3A_355 = tpu.memref_slice %arg12[%dma_start3A_344] : memref<10x!tpu.dma_semaphore, #tpu.memory_space<semaphore_mem>> -> memref<1x!tpu.dma_semaphore, #tpu.memory_space<semaphore_mem>>
        %dma_start3A_356 = tpu.memref_squeeze %dma_start3A_355 : memref<1x!tpu.dma_semaphore, #tpu.memory_space<semaphore_mem>> -> memref<!tpu.dma_semaphore, #tpu.memory_space<semaphore_mem>>
        tpu.enqueue_indirect_dma source(%dma_start3A_354 : memref<10000x40xf32, #tpu.memory_space<hbm>>) target(%dma_start3A_348 : memref<125x40xf32, #tpu.memory_space<vmem>>) offsets(%dma_start3A_351 : memref<125xi32, #tpu.memory_space<vmem>>) semaphore(%dma_start3A_356 : memref<!tpu.dma_semaphore, #tpu.memory_space<semaphore_mem>>)
      } else {
      }
      %add3A_127 = arith.constant 1 : i32
      %add3A_128 = arith.addi %mul3A_107, %add3A_127 : i32
      %dma_wait3A_129 = arith.constant 1 : i32
      %dma_wait3A_130 = arith.constant 1 : i32
      %dma_wait3A_131 = arith.constant 0 : i32
      %dma_wait3A_132 = arith.constant 0 : i32
      %dma_wait3A_133 = tpu.memref_slice %arg9[%dma_wait3A_129, %dma_wait3A_131, %dma_wait3A_132] : memref<10x125x40xf32, #tpu.memory_space<vmem>> -> memref<1x125x40xf32, #tpu.memory_space<vmem>>
      %dma_wait3A_134 = tpu.memref_squeeze %dma_wait3A_133 : memref<1x125x40xf32, #tpu.memory_space<vmem>> -> memref<125x40xf32, #tpu.memory_space<vmem>>
      %dma_wait3A_135 = arith.constant 0 : i32
      %dma_wait3A_136 = tpu.memref_slice %arg7[%add3A_128, %dma_wait3A_135] : memref<80x125xi32, #tpu.memory_space<vmem>> -> memref<1x125xi32, #tpu.memory_space<vmem>>
      %dma_wait3A_137 = tpu.memref_squeeze %dma_wait3A_136 : memref<1x125xi32, #tpu.memory_space<vmem>> -> memref<125xi32, #tpu.memory_space<vmem>>
      %dma_wait3A_138 = arith.constant 0 : i32
      %dma_wait3A_139 = arith.constant 0 : i32
      %dma_wait3A_140 = tpu.memref_slice %arg2[%dma_wait3A_138, %dma_wait3A_139] : memref<10000x40xf32, #tpu.memory_space<hbm>> -> memref<10000x40xf32, #tpu.memory_space<hbm>>
      %dma_wait3A_141 = tpu.memref_slice %arg12[%dma_wait3A_130] : memref<10x!tpu.dma_semaphore, #tpu.memory_space<semaphore_mem>> -> memref<1x!tpu.dma_semaphore, #tpu.memory_space<semaphore_mem>>
      %dma_wait3A_142 = tpu.memref_squeeze %dma_wait3A_141 : memref<1x!tpu.dma_semaphore, #tpu.memory_space<semaphore_mem>> -> memref<!tpu.dma_semaphore, #tpu.memory_space<semaphore_mem>>
      tpu.wait_indirect_dma semaphore(%dma_wait3A_142 : memref<!tpu.dma_semaphore, #tpu.memory_space<semaphore_mem>>) src(%dma_wait3A_140 : memref<10000x40xf32, #tpu.memory_space<hbm>>) dst(%dma_wait3A_134 : memref<125x40xf32, #tpu.memory_space<vmem>>)
      %run_scoped3A_143 = arith.constant 1 : i32
      "tpu.region"() ({
        %run_scoped3A_343 = tpu.sem_alloc : memref<!tpu.dma_semaphore, #tpu.memory_space<semaphore_mem>>
        %dma_start3A_344 = arith.constant 0 : i32
        %dma_start3A_345 = arith.constant 0 : i32
        %dma_start3A_346 = tpu.memref_slice %arg9[%run_scoped3A_143, %dma_start3A_344, %dma_start3A_345] : memref<10x125x40xf32, #tpu.memory_space<vmem>> -> memref<1x125x40xf32, #tpu.memory_space<vmem>>
        %dma_start3A_347 = tpu.memref_squeeze %dma_start3A_346 : memref<1x125x40xf32, #tpu.memory_space<vmem>> -> memref<125x40xf32, #tpu.memory_space<vmem>>
        %dma_start3A_348 = arith.constant 0 : i32
        %dma_start3A_349 = tpu.memref_slice %arg8[%add3A_128, %dma_start3A_348] : memref<80x125xi32, #tpu.memory_space<vmem>> -> memref<1x125xi32, #tpu.memory_space<vmem>>
        %dma_start3A_350 = tpu.memref_squeeze %dma_start3A_349 : memref<1x125xi32, #tpu.memory_space<vmem>> -> memref<125xi32, #tpu.memory_space<vmem>>
        %dma_start3A_351 = arith.constant 0 : i32
        %dma_start3A_352 = arith.constant 0 : i32
        %dma_start3A_353 = tpu.memref_slice %arg11[%dma_start3A_351, %dma_start3A_352] : memref<10240x40xf32, #tpu.memory_space<vmem_shared>> -> memref<10240x40xf32, #tpu.memory_space<vmem_shared>>
        tpu.enqueue_indirect_dma source(%dma_start3A_347 : memref<125x40xf32, #tpu.memory_space<vmem>>) target(%dma_start3A_353 : memref<10240x40xf32, #tpu.memory_space<vmem_shared>>) offsets(%dma_start3A_350 : memref<125xi32, #tpu.memory_space<vmem>>) semaphore(%run_scoped3A_343 : memref<!tpu.dma_semaphore, #tpu.memory_space<semaphore_mem>>) {add = true}
        %dma_wait3A_354 = arith.constant 0 : i32
        %dma_wait3A_355 = arith.constant 0 : i32
        %dma_wait3A_356 = tpu.memref_slice %arg9[%run_scoped3A_143, %dma_wait3A_354, %dma_wait3A_355] : memref<10x125x40xf32, #tpu.memory_space<vmem>> -> memref<1x125x40xf32, #tpu.memory_space<vmem>>
        %dma_wait3A_357 = tpu.memref_squeeze %dma_wait3A_356 : memref<1x125x40xf32, #tpu.memory_space<vmem>> -> memref<125x40xf32, #tpu.memory_space<vmem>>
        %dma_wait3A_358 = arith.constant 0 : i32
        %dma_wait3A_359 = tpu.memref_slice %arg8[%add3A_128, %dma_wait3A_358] : memref<80x125xi32, #tpu.memory_space<vmem>> -> memref<1x125xi32, #tpu.memory_space<vmem>>
        %dma_wait3A_360 = tpu.memref_squeeze %dma_wait3A_359 : memref<1x125xi32, #tpu.memory_space<vmem>> -> memref<125xi32, #tpu.memory_space<vmem>>
        %dma_wait3A_361 = arith.constant 0 : i32
        %dma_wait3A_362 = arith.constant 0 : i32
        %dma_wait3A_363 = tpu.memref_slice %arg11[%dma_wait3A_361, %dma_wait3A_362] : memref<10240x40xf32, #tpu.memory_space<vmem_shared>> -> memref<10240x40xf32, #tpu.memory_space<vmem_shared>>
        tpu.wait_indirect_dma semaphore(%run_scoped3A_343 : memref<!tpu.dma_semaphore, #tpu.memory_space<semaphore_mem>>) src(%dma_wait3A_357 : memref<125x40xf32, #tpu.memory_space<vmem>>) dst(%dma_wait3A_363 : memref<10240x40xf32, #tpu.memory_space<vmem_shared>>)
        tpu.yield
      }) : () -> ()
      %add3A_144 = arith.constant 6 : i32
      %add3A_145 = arith.addi %add3A_128, %add3A_144 : i32
      %lt3A_146 = arith.constant 80 : i32
      %lt3A_147 = arith.cmpi slt, %add3A_145, %lt3A_146 : i32
      %convert_element_type3A_148 = arith.extui %lt3A_147 : i1 to i32
      %cond3A_149 = arith.constant 0 : i32
      %cond3A_150 = arith.cmpi ne, %convert_element_type3A_148, %cond3A_149 : i32
      scf.if %cond3A_150 {
        %dma_start3A_343 = arith.constant 7 : i32
        %dma_start3A_344 = arith.constant 7 : i32
        %dma_start3A_345 = arith.constant 0 : i32
        %dma_start3A_346 = arith.constant 0 : i32
        %dma_start3A_347 = tpu.memref_slice %arg9[%dma_start3A_343, %dma_start3A_345, %dma_start3A_346] : memref<10x125x40xf32, #tpu.memory_space<vmem>> -> memref<1x125x40xf32, #tpu.memory_space<vmem>>
        %dma_start3A_348 = tpu.memref_squeeze %dma_start3A_347 : memref<1x125x40xf32, #tpu.memory_space<vmem>> -> memref<125x40xf32, #tpu.memory_space<vmem>>
        %dma_start3A_349 = arith.constant 0 : i32
        %dma_start3A_350 = tpu.memref_slice %arg7[%add3A_145, %dma_start3A_349] : memref<80x125xi32, #tpu.memory_space<vmem>> -> memref<1x125xi32, #tpu.memory_space<vmem>>
        %dma_start3A_351 = tpu.memref_squeeze %dma_start3A_350 : memref<1x125xi32, #tpu.memory_space<vmem>> -> memref<125xi32, #tpu.memory_space<vmem>>
        %dma_start3A_352 = arith.constant 0 : i32
        %dma_start3A_353 = arith.constant 0 : i32
        %dma_start3A_354 = tpu.memref_slice %arg2[%dma_start3A_352, %dma_start3A_353] : memref<10000x40xf32, #tpu.memory_space<hbm>> -> memref<10000x40xf32, #tpu.memory_space<hbm>>
        %dma_start3A_355 = tpu.memref_slice %arg12[%dma_start3A_344] : memref<10x!tpu.dma_semaphore, #tpu.memory_space<semaphore_mem>> -> memref<1x!tpu.dma_semaphore, #tpu.memory_space<semaphore_mem>>
        %dma_start3A_356 = tpu.memref_squeeze %dma_start3A_355 : memref<1x!tpu.dma_semaphore, #tpu.memory_space<semaphore_mem>> -> memref<!tpu.dma_semaphore, #tpu.memory_space<semaphore_mem>>
        tpu.enqueue_indirect_dma source(%dma_start3A_354 : memref<10000x40xf32, #tpu.memory_space<hbm>>) target(%dma_start3A_348 : memref<125x40xf32, #tpu.memory_space<vmem>>) offsets(%dma_start3A_351 : memref<125xi32, #tpu.memory_space<vmem>>) semaphore(%dma_start3A_356 : memref<!tpu.dma_semaphore, #tpu.memory_space<semaphore_mem>>)
      } else {
      }
      %add3A_151 = arith.constant 2 : i32
      %add3A_152 = arith.addi %mul3A_107, %add3A_151 : i32
      %dma_wait3A_153 = arith.constant 2 : i32
      %dma_wait3A_154 = arith.constant 2 : i32
      %dma_wait3A_155 = arith.constant 0 : i32
      %dma_wait3A_156 = arith.constant 0 : i32
      %dma_wait3A_157 = tpu.memref_slice %arg9[%dma_wait3A_153, %dma_wait3A_155, %dma_wait3A_156] : memref<10x125x40xf32, #tpu.memory_space<vmem>> -> memref<1x125x40xf32, #tpu.memory_space<vmem>>
      %dma_wait3A_158 = tpu.memref_squeeze %dma_wait3A_157 : memref<1x125x40xf32, #tpu.memory_space<vmem>> -> memref<125x40xf32, #tpu.memory_space<vmem>>
      %dma_wait3A_159 = arith.constant 0 : i32
      %dma_wait3A_160 = tpu.memref_slice %arg7[%add3A_152, %dma_wait3A_159] : memref<80x125xi32, #tpu.memory_space<vmem>> -> memref<1x125xi32, #tpu.memory_space<vmem>>
      %dma_wait3A_161 = tpu.memref_squeeze %dma_wait3A_160 : memref<1x125xi32, #tpu.memory_space<vmem>> -> memref<125xi32, #tpu.memory_space<vmem>>
      %dma_wait3A_162 = arith.constant 0 : i32
      %dma_wait3A_163 = arith.constant 0 : i32
      %dma_wait3A_164 = tpu.memref_slice %arg2[%dma_wait3A_162, %dma_wait3A_163] : memref<10000x40xf32, #tpu.memory_space<hbm>> -> memref<10000x40xf32, #tpu.memory_space<hbm>>
      %dma_wait3A_165 = tpu.memref_slice %arg12[%dma_wait3A_154] : memref<10x!tpu.dma_semaphore, #tpu.memory_space<semaphore_mem>> -> memref<1x!tpu.dma_semaphore, #tpu.memory_space<semaphore_mem>>
      %dma_wait3A_166 = tpu.memref_squeeze %dma_wait3A_165 : memref<1x!tpu.dma_semaphore, #tpu.memory_space<semaphore_mem>> -> memref<!tpu.dma_semaphore, #tpu.memory_space<semaphore_mem>>
      tpu.wait_indirect_dma semaphore(%dma_wait3A_166 : memref<!tpu.dma_semaphore, #tpu.memory_space<semaphore_mem>>) src(%dma_wait3A_164 : memref<10000x40xf32, #tpu.memory_space<hbm>>) dst(%dma_wait3A_158 : memref<125x40xf32, #tpu.memory_space<vmem>>)
      %run_scoped3A_167 = arith.constant 2 : i32
      "tpu.region"() ({
        %run_scoped3A_343 = tpu.sem_alloc : memref<!tpu.dma_semaphore, #tpu.memory_space<semaphore_mem>>
        %dma_start3A_344 = arith.constant 0 : i32
        %dma_start3A_345 = arith.constant 0 : i32
        %dma_start3A_346 = tpu.memref_slice %arg9[%run_scoped3A_167, %dma_start3A_344, %dma_start3A_345] : memref<10x125x40xf32, #tpu.memory_space<vmem>> -> memref<1x125x40xf32, #tpu.memory_space<vmem>>
        %dma_start3A_347 = tpu.memref_squeeze %dma_start3A_346 : memref<1x125x40xf32, #tpu.memory_space<vmem>> -> memref<125x40xf32, #tpu.memory_space<vmem>>
        %dma_start3A_348 = arith.constant 0 : i32
        %dma_start3A_349 = tpu.memref_slice %arg8[%add3A_152, %dma_start3A_348] : memref<80x125xi32, #tpu.memory_space<vmem>> -> memref<1x125xi32, #tpu.memory_space<vmem>>
        %dma_start3A_350 = tpu.memref_squeeze %dma_start3A_349 : memref<1x125xi32, #tpu.memory_space<vmem>> -> memref<125xi32, #tpu.memory_space<vmem>>
        %dma_start3A_351 = arith.constant 0 : i32
        %dma_start3A_352 = arith.constant 0 : i32
        %dma_start3A_353 = tpu.memref_slice %arg11[%dma_start3A_351, %dma_start3A_352] : memref<10240x40xf32, #tpu.memory_space<vmem_shared>> -> memref<10240x40xf32, #tpu.memory_space<vmem_shared>>
        tpu.enqueue_indirect_dma source(%dma_start3A_347 : memref<125x40xf32, #tpu.memory_space<vmem>>) target(%dma_start3A_353 : memref<10240x40xf32, #tpu.memory_space<vmem_shared>>) offsets(%dma_start3A_350 : memref<125xi32, #tpu.memory_space<vmem>>) semaphore(%run_scoped3A_343 : memref<!tpu.dma_semaphore, #tpu.memory_space<semaphore_mem>>) {add = true}
        %dma_wait3A_354 = arith.constant 0 : i32
        %dma_wait3A_355 = arith.constant 0 : i32
        %dma_wait3A_356 = tpu.memref_slice %arg9[%run_scoped3A_167, %dma_wait3A_354, %dma_wait3A_355] : memref<10x125x40xf32, #tpu.memory_space<vmem>> -> memref<1x125x40xf32, #tpu.memory_space<vmem>>
        %dma_wait3A_357 = tpu.memref_squeeze %dma_wait3A_356 : memref<1x125x40xf32, #tpu.memory_space<vmem>> -> memref<125x40xf32, #tpu.memory_space<vmem>>
        %dma_wait3A_358 = arith.constant 0 : i32
        %dma_wait3A_359 = tpu.memref_slice %arg8[%add3A_152, %dma_wait3A_358] : memref<80x125xi32, #tpu.memory_space<vmem>> -> memref<1x125xi32, #tpu.memory_space<vmem>>
        %dma_wait3A_360 = tpu.memref_squeeze %dma_wait3A_359 : memref<1x125xi32, #tpu.memory_space<vmem>> -> memref<125xi32, #tpu.memory_space<vmem>>
        %dma_wait3A_361 = arith.constant 0 : i32
        %dma_wait3A_362 = arith.constant 0 : i32
        %dma_wait3A_363 = tpu.memref_slice %arg11[%dma_wait3A_361, %dma_wait3A_362] : memref<10240x40xf32, #tpu.memory_space<vmem_shared>> -> memref<10240x40xf32, #tpu.memory_space<vmem_shared>>
        tpu.wait_indirect_dma semaphore(%run_scoped3A_343 : memref<!tpu.dma_semaphore, #tpu.memory_space<semaphore_mem>>) src(%dma_wait3A_357 : memref<125x40xf32, #tpu.memory_space<vmem>>) dst(%dma_wait3A_363 : memref<10240x40xf32, #tpu.memory_space<vmem_shared>>)
        tpu.yield
      }) : () -> ()
      %add3A_168 = arith.constant 6 : i32
      %add3A_169 = arith.addi %add3A_152, %add3A_168 : i32
      %lt3A_170 = arith.constant 80 : i32
      %lt3A_171 = arith.cmpi slt, %add3A_169, %lt3A_170 : i32
      %convert_element_type3A_172 = arith.extui %lt3A_171 : i1 to i32
      %cond3A_173 = arith.constant 0 : i32
      %cond3A_174 = arith.cmpi ne, %convert_element_type3A_172, %cond3A_173 : i32
      scf.if %cond3A_174 {
        %dma_start3A_343 = arith.constant 8 : i32
        %dma_start3A_344 = arith.constant 8 : i32
        %dma_start3A_345 = arith.constant 0 : i32
        %dma_start3A_346 = arith.constant 0 : i32
        %dma_start3A_347 = tpu.memref_slice %arg9[%dma_start3A_343, %dma_start3A_345, %dma_start3A_346] : memref<10x125x40xf32, #tpu.memory_space<vmem>> -> memref<1x125x40xf32, #tpu.memory_space<vmem>>
        %dma_start3A_348 = tpu.memref_squeeze %dma_start3A_347 : memref<1x125x40xf32, #tpu.memory_space<vmem>> -> memref<125x40xf32, #tpu.memory_space<vmem>>
        %dma_start3A_349 = arith.constant 0 : i32
        %dma_start3A_350 = tpu.memref_slice %arg7[%add3A_169, %dma_start3A_349] : memref<80x125xi32, #tpu.memory_space<vmem>> -> memref<1x125xi32, #tpu.memory_space<vmem>>
        %dma_start3A_351 = tpu.memref_squeeze %dma_start3A_350 : memref<1x125xi32, #tpu.memory_space<vmem>> -> memref<125xi32, #tpu.memory_space<vmem>>
        %dma_start3A_352 = arith.constant 0 : i32
        %dma_start3A_353 = arith.constant 0 : i32
        %dma_start3A_354 = tpu.memref_slice %arg2[%dma_start3A_352, %dma_start3A_353] : memref<10000x40xf32, #tpu.memory_space<hbm>> -> memref<10000x40xf32, #tpu.memory_space<hbm>>
        %dma_start3A_355 = tpu.memref_slice %arg12[%dma_start3A_344] : memref<10x!tpu.dma_semaphore, #tpu.memory_space<semaphore_mem>> -> memref<1x!tpu.dma_semaphore, #tpu.memory_space<semaphore_mem>>
        %dma_start3A_356 = tpu.memref_squeeze %dma_start3A_355 : memref<1x!tpu.dma_semaphore, #tpu.memory_space<semaphore_mem>> -> memref<!tpu.dma_semaphore, #tpu.memory_space<semaphore_mem>>
        tpu.enqueue_indirect_dma source(%dma_start3A_354 : memref<10000x40xf32, #tpu.memory_space<hbm>>) target(%dma_start3A_348 : memref<125x40xf32, #tpu.memory_space<vmem>>) offsets(%dma_start3A_351 : memref<125xi32, #tpu.memory_space<vmem>>) semaphore(%dma_start3A_356 : memref<!tpu.dma_semaphore, #tpu.memory_space<semaphore_mem>>)
      } else {
      }
      %add3A_175 = arith.constant 3 : i32
      %add3A_176 = arith.addi %mul3A_107, %add3A_175 : i32
      %dma_wait3A_177 = arith.constant 3 : i32
      %dma_wait3A_178 = arith.constant 3 : i32
      %dma_wait3A_179 = arith.constant 0 : i32
      %dma_wait3A_180 = arith.constant 0 : i32
      %dma_wait3A_181 = tpu.memref_slice %arg9[%dma_wait3A_177, %dma_wait3A_179, %dma_wait3A_180] : memref<10x125x40xf32, #tpu.memory_space<vmem>> -> memref<1x125x40xf32, #tpu.memory_space<vmem>>
      %dma_wait3A_182 = tpu.memref_squeeze %dma_wait3A_181 : memref<1x125x40xf32, #tpu.memory_space<vmem>> -> memref<125x40xf32, #tpu.memory_space<vmem>>
      %dma_wait3A_183 = arith.constant 0 : i32
      %dma_wait3A_184 = tpu.memref_slice %arg7[%add3A_176, %dma_wait3A_183] : memref<80x125xi32, #tpu.memory_space<vmem>> -> memref<1x125xi32, #tpu.memory_space<vmem>>
      %dma_wait3A_185 = tpu.memref_squeeze %dma_wait3A_184 : memref<1x125xi32, #tpu.memory_space<vmem>> -> memref<125xi32, #tpu.memory_space<vmem>>
      %dma_wait3A_186 = arith.constant 0 : i32
      %dma_wait3A_187 = arith.constant 0 : i32
      %dma_wait3A_188 = tpu.memref_slice %arg2[%dma_wait3A_186, %dma_wait3A_187] : memref<10000x40xf32, #tpu.memory_space<hbm>> -> memref<10000x40xf32, #tpu.memory_space<hbm>>
      %dma_wait3A_189 = tpu.memref_slice %arg12[%dma_wait3A_178] : memref<10x!tpu.dma_semaphore, #tpu.memory_space<semaphore_mem>> -> memref<1x!tpu.dma_semaphore, #tpu.memory_space<semaphore_mem>>
      %dma_wait3A_190 = tpu.memref_squeeze %dma_wait3A_189 : memref<1x!tpu.dma_semaphore, #tpu.memory_space<semaphore_mem>> -> memref<!tpu.dma_semaphore, #tpu.memory_space<semaphore_mem>>
      tpu.wait_indirect_dma semaphore(%dma_wait3A_190 : memref<!tpu.dma_semaphore, #tpu.memory_space<semaphore_mem>>) src(%dma_wait3A_188 : memref<10000x40xf32, #tpu.memory_space<hbm>>) dst(%dma_wait3A_182 : memref<125x40xf32, #tpu.memory_space<vmem>>)
      %run_scoped3A_191 = arith.constant 3 : i32
      "tpu.region"() ({
        %run_scoped3A_343 = tpu.sem_alloc : memref<!tpu.dma_semaphore, #tpu.memory_space<semaphore_mem>>
        %dma_start3A_344 = arith.constant 0 : i32
        %dma_start3A_345 = arith.constant 0 : i32
        %dma_start3A_346 = tpu.memref_slice %arg9[%run_scoped3A_191, %dma_start3A_344, %dma_start3A_345] : memref<10x125x40xf32, #tpu.memory_space<vmem>> -> memref<1x125x40xf32, #tpu.memory_space<vmem>>
        %dma_start3A_347 = tpu.memref_squeeze %dma_start3A_346 : memref<1x125x40xf32, #tpu.memory_space<vmem>> -> memref<125x40xf32, #tpu.memory_space<vmem>>
        %dma_start3A_348 = arith.constant 0 : i32
        %dma_start3A_349 = tpu.memref_slice %arg8[%add3A_176, %dma_start3A_348] : memref<80x125xi32, #tpu.memory_space<vmem>> -> memref<1x125xi32, #tpu.memory_space<vmem>>
        %dma_start3A_350 = tpu.memref_squeeze %dma_start3A_349 : memref<1x125xi32, #tpu.memory_space<vmem>> -> memref<125xi32, #tpu.memory_space<vmem>>
        %dma_start3A_351 = arith.constant 0 : i32
        %dma_start3A_352 = arith.constant 0 : i32
        %dma_start3A_353 = tpu.memref_slice %arg11[%dma_start3A_351, %dma_start3A_352] : memref<10240x40xf32, #tpu.memory_space<vmem_shared>> -> memref<10240x40xf32, #tpu.memory_space<vmem_shared>>
        tpu.enqueue_indirect_dma source(%dma_start3A_347 : memref<125x40xf32, #tpu.memory_space<vmem>>) target(%dma_start3A_353 : memref<10240x40xf32, #tpu.memory_space<vmem_shared>>) offsets(%dma_start3A_350 : memref<125xi32, #tpu.memory_space<vmem>>) semaphore(%run_scoped3A_343 : memref<!tpu.dma_semaphore, #tpu.memory_space<semaphore_mem>>) {add = true}
        %dma_wait3A_354 = arith.constant 0 : i32
        %dma_wait3A_355 = arith.constant 0 : i32
        %dma_wait3A_356 = tpu.memref_slice %arg9[%run_scoped3A_191, %dma_wait3A_354, %dma_wait3A_355] : memref<10x125x40xf32, #tpu.memory_space<vmem>> -> memref<1x125x40xf32, #tpu.memory_space<vmem>>
        %dma_wait3A_357 = tpu.memref_squeeze %dma_wait3A_356 : memref<1x125x40xf32, #tpu.memory_space<vmem>> -> memref<125x40xf32, #tpu.memory_space<vmem>>
        %dma_wait3A_358 = arith.constant 0 : i32
        %dma_wait3A_359 = tpu.memref_slice %arg8[%add3A_176, %dma_wait3A_358] : memref<80x125xi32, #tpu.memory_space<vmem>> -> memref<1x125xi32, #tpu.memory_space<vmem>>
        %dma_wait3A_360 = tpu.memref_squeeze %dma_wait3A_359 : memref<1x125xi32, #tpu.memory_space<vmem>> -> memref<125xi32, #tpu.memory_space<vmem>>
        %dma_wait3A_361 = arith.constant 0 : i32
        %dma_wait3A_362 = arith.constant 0 : i32
        %dma_wait3A_363 = tpu.memref_slice %arg11[%dma_wait3A_361, %dma_wait3A_362] : memref<10240x40xf32, #tpu.memory_space<vmem_shared>> -> memref<10240x40xf32, #tpu.memory_space<vmem_shared>>
        tpu.wait_indirect_dma semaphore(%run_scoped3A_343 : memref<!tpu.dma_semaphore, #tpu.memory_space<semaphore_mem>>) src(%dma_wait3A_357 : memref<125x40xf32, #tpu.memory_space<vmem>>) dst(%dma_wait3A_363 : memref<10240x40xf32, #tpu.memory_space<vmem_shared>>)
        tpu.yield
      }) : () -> ()
      %add3A_192 = arith.constant 6 : i32
      %add3A_193 = arith.addi %add3A_176, %add3A_192 : i32
      %lt3A_194 = arith.constant 80 : i32
      %lt3A_195 = arith.cmpi slt, %add3A_193, %lt3A_194 : i32
      %convert_element_type3A_196 = arith.extui %lt3A_195 : i1 to i32
      %cond3A_197 = arith.constant 0 : i32
      %cond3A_198 = arith.cmpi ne, %convert_element_type3A_196, %cond3A_197 : i32
      scf.if %cond3A_198 {
        %dma_start3A_343 = arith.constant 9 : i32
        %dma_start3A_344 = arith.constant 9 : i32
        %dma_start3A_345 = arith.constant 0 : i32
        %dma_start3A_346 = arith.constant 0 : i32
        %dma_start3A_347 = tpu.memref_slice %arg9[%dma_start3A_343, %dma_start3A_345, %dma_start3A_346] : memref<10x125x40xf32, #tpu.memory_space<vmem>> -> memref<1x125x40xf32, #tpu.memory_space<vmem>>
        %dma_start3A_348 = tpu.memref_squeeze %dma_start3A_347 : memref<1x125x40xf32, #tpu.memory_space<vmem>> -> memref<125x40xf32, #tpu.memory_space<vmem>>
        %dma_start3A_349 = arith.constant 0 : i32
        %dma_start3A_350 = tpu.memref_slice %arg7[%add3A_193, %dma_start3A_349] : memref<80x125xi32, #tpu.memory_space<vmem>> -> memref<1x125xi32, #tpu.memory_space<vmem>>
        %dma_start3A_351 = tpu.memref_squeeze %dma_start3A_350 : memref<1x125xi32, #tpu.memory_space<vmem>> -> memref<125xi32, #tpu.memory_space<vmem>>
        %dma_start3A_352 = arith.constant 0 : i32
        %dma_start3A_353 = arith.constant 0 : i32
        %dma_start3A_354 = tpu.memref_slice %arg2[%dma_start3A_352, %dma_start3A_353] : memref<10000x40xf32, #tpu.memory_space<hbm>> -> memref<10000x40xf32, #tpu.memory_space<hbm>>
        %dma_start3A_355 = tpu.memref_slice %arg12[%dma_start3A_344] : memref<10x!tpu.dma_semaphore, #tpu.memory_space<semaphore_mem>> -> memref<1x!tpu.dma_semaphore, #tpu.memory_space<semaphore_mem>>
        %dma_start3A_356 = tpu.memref_squeeze %dma_start3A_355 : memref<1x!tpu.dma_semaphore, #tpu.memory_space<semaphore_mem>> -> memref<!tpu.dma_semaphore, #tpu.memory_space<semaphore_mem>>
        tpu.enqueue_indirect_dma source(%dma_start3A_354 : memref<10000x40xf32, #tpu.memory_space<hbm>>) target(%dma_start3A_348 : memref<125x40xf32, #tpu.memory_space<vmem>>) offsets(%dma_start3A_351 : memref<125xi32, #tpu.memory_space<vmem>>) semaphore(%dma_start3A_356 : memref<!tpu.dma_semaphore, #tpu.memory_space<semaphore_mem>>)
      } else {
      }
      %add3A_199 = arith.constant 4 : i32
      %add3A_200 = arith.addi %mul3A_107, %add3A_199 : i32
      %dma_wait3A_201 = arith.constant 4 : i32
      %dma_wait3A_202 = arith.constant 4 : i32
      %dma_wait3A_203 = arith.constant 0 : i32
      %dma_wait3A_204 = arith.constant 0 : i32
      %dma_wait3A_205 = tpu.memref_slice %arg9[%dma_wait3A_201, %dma_wait3A_203, %dma_wait3A_204] : memref<10x125x40xf32, #tpu.memory_space<vmem>> -> memref<1x125x40xf32, #tpu.memory_space<vmem>>
      %dma_wait3A_206 = tpu.memref_squeeze %dma_wait3A_205 : memref<1x125x40xf32, #tpu.memory_space<vmem>> -> memref<125x40xf32, #tpu.memory_space<vmem>>
      %dma_wait3A_207 = arith.constant 0 : i32
      %dma_wait3A_208 = tpu.memref_slice %arg7[%add3A_200, %dma_wait3A_207] : memref<80x125xi32, #tpu.memory_space<vmem>> -> memref<1x125xi32, #tpu.memory_space<vmem>>
      %dma_wait3A_209 = tpu.memref_squeeze %dma_wait3A_208 : memref<1x125xi32, #tpu.memory_space<vmem>> -> memref<125xi32, #tpu.memory_space<vmem>>
      %dma_wait3A_210 = arith.constant 0 : i32
      %dma_wait3A_211 = arith.constant 0 : i32
      %dma_wait3A_212 = tpu.memref_slice %arg2[%dma_wait3A_210, %dma_wait3A_211] : memref<10000x40xf32, #tpu.memory_space<hbm>> -> memref<10000x40xf32, #tpu.memory_space<hbm>>
      %dma_wait3A_213 = tpu.memref_slice %arg12[%dma_wait3A_202] : memref<10x!tpu.dma_semaphore, #tpu.memory_space<semaphore_mem>> -> memref<1x!tpu.dma_semaphore, #tpu.memory_space<semaphore_mem>>
      %dma_wait3A_214 = tpu.memref_squeeze %dma_wait3A_213 : memref<1x!tpu.dma_semaphore, #tpu.memory_space<semaphore_mem>> -> memref<!tpu.dma_semaphore, #tpu.memory_space<semaphore_mem>>
      tpu.wait_indirect_dma semaphore(%dma_wait3A_214 : memref<!tpu.dma_semaphore, #tpu.memory_space<semaphore_mem>>) src(%dma_wait3A_212 : memref<10000x40xf32, #tpu.memory_space<hbm>>) dst(%dma_wait3A_206 : memref<125x40xf32, #tpu.memory_space<vmem>>)
      %run_scoped3A_215 = arith.constant 4 : i32
      "tpu.region"() ({
        %run_scoped3A_343 = tpu.sem_alloc : memref<!tpu.dma_semaphore, #tpu.memory_space<semaphore_mem>>
        %dma_start3A_344 = arith.constant 0 : i32
        %dma_start3A_345 = arith.constant 0 : i32
        %dma_start3A_346 = tpu.memref_slice %arg9[%run_scoped3A_215, %dma_start3A_344, %dma_start3A_345] : memref<10x125x40xf32, #tpu.memory_space<vmem>> -> memref<1x125x40xf32, #tpu.memory_space<vmem>>
        %dma_start3A_347 = tpu.memref_squeeze %dma_start3A_346 : memref<1x125x40xf32, #tpu.memory_space<vmem>> -> memref<125x40xf32, #tpu.memory_space<vmem>>
        %dma_start3A_348 = arith.constant 0 : i32
        %dma_start3A_349 = tpu.memref_slice %arg8[%add3A_200, %dma_start3A_348] : memref<80x125xi32, #tpu.memory_space<vmem>> -> memref<1x125xi32, #tpu.memory_space<vmem>>
        %dma_start3A_350 = tpu.memref_squeeze %dma_start3A_349 : memref<1x125xi32, #tpu.memory_space<vmem>> -> memref<125xi32, #tpu.memory_space<vmem>>
        %dma_start3A_351 = arith.constant 0 : i32
        %dma_start3A_352 = arith.constant 0 : i32
        %dma_start3A_353 = tpu.memref_slice %arg11[%dma_start3A_351, %dma_start3A_352] : memref<10240x40xf32, #tpu.memory_space<vmem_shared>> -> memref<10240x40xf32, #tpu.memory_space<vmem_shared>>
        tpu.enqueue_indirect_dma source(%dma_start3A_347 : memref<125x40xf32, #tpu.memory_space<vmem>>) target(%dma_start3A_353 : memref<10240x40xf32, #tpu.memory_space<vmem_shared>>) offsets(%dma_start3A_350 : memref<125xi32, #tpu.memory_space<vmem>>) semaphore(%run_scoped3A_343 : memref<!tpu.dma_semaphore, #tpu.memory_space<semaphore_mem>>) {add = true}
        %dma_wait3A_354 = arith.constant 0 : i32
        %dma_wait3A_355 = arith.constant 0 : i32
        %dma_wait3A_356 = tpu.memref_slice %arg9[%run_scoped3A_215, %dma_wait3A_354, %dma_wait3A_355] : memref<10x125x40xf32, #tpu.memory_space<vmem>> -> memref<1x125x40xf32, #tpu.memory_space<vmem>>
        %dma_wait3A_357 = tpu.memref_squeeze %dma_wait3A_356 : memref<1x125x40xf32, #tpu.memory_space<vmem>> -> memref<125x40xf32, #tpu.memory_space<vmem>>
        %dma_wait3A_358 = arith.constant 0 : i32
        %dma_wait3A_359 = tpu.memref_slice %arg8[%add3A_200, %dma_wait3A_358] : memref<80x125xi32, #tpu.memory_space<vmem>> -> memref<1x125xi32, #tpu.memory_space<vmem>>
        %dma_wait3A_360 = tpu.memref_squeeze %dma_wait3A_359 : memref<1x125xi32, #tpu.memory_space<vmem>> -> memref<125xi32, #tpu.memory_space<vmem>>
        %dma_wait3A_361 = arith.constant 0 : i32
        %dma_wait3A_362 = arith.constant 0 : i32
        %dma_wait3A_363 = tpu.memref_slice %arg11[%dma_wait3A_361, %dma_wait3A_362] : memref<10240x40xf32, #tpu.memory_space<vmem_shared>> -> memref<10240x40xf32, #tpu.memory_space<vmem_shared>>
        tpu.wait_indirect_dma semaphore(%run_scoped3A_343 : memref<!tpu.dma_semaphore, #tpu.memory_space<semaphore_mem>>) src(%dma_wait3A_357 : memref<125x40xf32, #tpu.memory_space<vmem>>) dst(%dma_wait3A_363 : memref<10240x40xf32, #tpu.memory_space<vmem_shared>>)
        tpu.yield
      }) : () -> ()
      %add3A_216 = arith.constant 6 : i32
      %add3A_217 = arith.addi %add3A_200, %add3A_216 : i32
      %lt3A_218 = arith.constant 80 : i32
      %lt3A_219 = arith.cmpi slt, %add3A_217, %lt3A_218 : i32
      %convert_element_type3A_220 = arith.extui %lt3A_219 : i1 to i32
      %cond3A_221 = arith.constant 0 : i32
      %cond3A_222 = arith.cmpi ne, %convert_element_type3A_220, %cond3A_221 : i32
      scf.if %cond3A_222 {
        %dma_start3A_343 = arith.constant 0 : i32
        %dma_start3A_344 = arith.constant 0 : i32
        %dma_start3A_345 = arith.constant 0 : i32
        %dma_start3A_346 = arith.constant 0 : i32
        %dma_start3A_347 = tpu.memref_slice %arg9[%dma_start3A_343, %dma_start3A_345, %dma_start3A_346] : memref<10x125x40xf32, #tpu.memory_space<vmem>> -> memref<1x125x40xf32, #tpu.memory_space<vmem>>
        %dma_start3A_348 = tpu.memref_squeeze %dma_start3A_347 : memref<1x125x40xf32, #tpu.memory_space<vmem>> -> memref<125x40xf32, #tpu.memory_space<vmem>>
        %dma_start3A_349 = arith.constant 0 : i32
        %dma_start3A_350 = tpu.memref_slice %arg7[%add3A_217, %dma_start3A_349] : memref<80x125xi32, #tpu.memory_space<vmem>> -> memref<1x125xi32, #tpu.memory_space<vmem>>
        %dma_start3A_351 = tpu.memref_squeeze %dma_start3A_350 : memref<1x125xi32, #tpu.memory_space<vmem>> -> memref<125xi32, #tpu.memory_space<vmem>>
        %dma_start3A_352 = arith.constant 0 : i32
        %dma_start3A_353 = arith.constant 0 : i32
        %dma_start3A_354 = tpu.memref_slice %arg2[%dma_start3A_352, %dma_start3A_353] : memref<10000x40xf32, #tpu.memory_space<hbm>> -> memref<10000x40xf32, #tpu.memory_space<hbm>>
        %dma_start3A_355 = tpu.memref_slice %arg12[%dma_start3A_344] : memref<10x!tpu.dma_semaphore, #tpu.memory_space<semaphore_mem>> -> memref<1x!tpu.dma_semaphore, #tpu.memory_space<semaphore_mem>>
        %dma_start3A_356 = tpu.memref_squeeze %dma_start3A_355 : memref<1x!tpu.dma_semaphore, #tpu.memory_space<semaphore_mem>> -> memref<!tpu.dma_semaphore, #tpu.memory_space<semaphore_mem>>
        tpu.enqueue_indirect_dma source(%dma_start3A_354 : memref<10000x40xf32, #tpu.memory_space<hbm>>) target(%dma_start3A_348 : memref<125x40xf32, #tpu.memory_space<vmem>>) offsets(%dma_start3A_351 : memref<125xi32, #tpu.memory_space<vmem>>) semaphore(%dma_start3A_356 : memref<!tpu.dma_semaphore, #tpu.memory_space<semaphore_mem>>)
      } else {
      }
      %add3A_223 = arith.constant 5 : i32
      %add3A_224 = arith.addi %mul3A_107, %add3A_223 : i32
      %dma_wait3A_225 = arith.constant 5 : i32
      %dma_wait3A_226 = arith.constant 5 : i32
      %dma_wait3A_227 = arith.constant 0 : i32
      %dma_wait3A_228 = arith.constant 0 : i32
      %dma_wait3A_229 = tpu.memref_slice %arg9[%dma_wait3A_225, %dma_wait3A_227, %dma_wait3A_228] : memref<10x125x40xf32, #tpu.memory_space<vmem>> -> memref<1x125x40xf32, #tpu.memory_space<vmem>>
      %dma_wait3A_230 = tpu.memref_squeeze %dma_wait3A_229 : memref<1x125x40xf32, #tpu.memory_space<vmem>> -> memref<125x40xf32, #tpu.memory_space<vmem>>
      %dma_wait3A_231 = arith.constant 0 : i32
      %dma_wait3A_232 = tpu.memref_slice %arg7[%add3A_224, %dma_wait3A_231] : memref<80x125xi32, #tpu.memory_space<vmem>> -> memref<1x125xi32, #tpu.memory_space<vmem>>
      %dma_wait3A_233 = tpu.memref_squeeze %dma_wait3A_232 : memref<1x125xi32, #tpu.memory_space<vmem>> -> memref<125xi32, #tpu.memory_space<vmem>>
      %dma_wait3A_234 = arith.constant 0 : i32
      %dma_wait3A_235 = arith.constant 0 : i32
      %dma_wait3A_236 = tpu.memref_slice %arg2[%dma_wait3A_234, %dma_wait3A_235] : memref<10000x40xf32, #tpu.memory_space<hbm>> -> memref<10000x40xf32, #tpu.memory_space<hbm>>
      %dma_wait3A_237 = tpu.memref_slice %arg12[%dma_wait3A_226] : memref<10x!tpu.dma_semaphore, #tpu.memory_space<semaphore_mem>> -> memref<1x!tpu.dma_semaphore, #tpu.memory_space<semaphore_mem>>
      %dma_wait3A_238 = tpu.memref_squeeze %dma_wait3A_237 : memref<1x!tpu.dma_semaphore, #tpu.memory_space<semaphore_mem>> -> memref<!tpu.dma_semaphore, #tpu.memory_space<semaphore_mem>>
      tpu.wait_indirect_dma semaphore(%dma_wait3A_238 : memref<!tpu.dma_semaphore, #tpu.memory_space<semaphore_mem>>) src(%dma_wait3A_236 : memref<10000x40xf32, #tpu.memory_space<hbm>>) dst(%dma_wait3A_230 : memref<125x40xf32, #tpu.memory_space<vmem>>)
      %run_scoped3A_239 = arith.constant 5 : i32
      "tpu.region"() ({
        %run_scoped3A_343 = tpu.sem_alloc : memref<!tpu.dma_semaphore, #tpu.memory_space<semaphore_mem>>
        %dma_start3A_344 = arith.constant 0 : i32
        %dma_start3A_345 = arith.constant 0 : i32
        %dma_start3A_346 = tpu.memref_slice %arg9[%run_scoped3A_239, %dma_start3A_344, %dma_start3A_345] : memref<10x125x40xf32, #tpu.memory_space<vmem>> -> memref<1x125x40xf32, #tpu.memory_space<vmem>>
        %dma_start3A_347 = tpu.memref_squeeze %dma_start3A_346 : memref<1x125x40xf32, #tpu.memory_space<vmem>> -> memref<125x40xf32, #tpu.memory_space<vmem>>
        %dma_start3A_348 = arith.constant 0 : i32
        %dma_start3A_349 = tpu.memref_slice %arg8[%add3A_224, %dma_start3A_348] : memref<80x125xi32, #tpu.memory_space<vmem>> -> memref<1x125xi32, #tpu.memory_space<vmem>>
        %dma_start3A_350 = tpu.memref_squeeze %dma_start3A_349 : memref<1x125xi32, #tpu.memory_space<vmem>> -> memref<125xi32, #tpu.memory_space<vmem>>
        %dma_start3A_351 = arith.constant 0 : i32
        %dma_start3A_352 = arith.constant 0 : i32
        %dma_start3A_353 = tpu.memref_slice %arg11[%dma_start3A_351, %dma_start3A_352] : memref<10240x40xf32, #tpu.memory_space<vmem_shared>> -> memref<10240x40xf32, #tpu.memory_space<vmem_shared>>
        tpu.enqueue_indirect_dma source(%dma_start3A_347 : memref<125x40xf32, #tpu.memory_space<vmem>>) target(%dma_start3A_353 : memref<10240x40xf32, #tpu.memory_space<vmem_shared>>) offsets(%dma_start3A_350 : memref<125xi32, #tpu.memory_space<vmem>>) semaphore(%run_scoped3A_343 : memref<!tpu.dma_semaphore, #tpu.memory_space<semaphore_mem>>) {add = true}
        %dma_wait3A_354 = arith.constant 0 : i32
        %dma_wait3A_355 = arith.constant 0 : i32
        %dma_wait3A_356 = tpu.memref_slice %arg9[%run_scoped3A_239, %dma_wait3A_354, %dma_wait3A_355] : memref<10x125x40xf32, #tpu.memory_space<vmem>> -> memref<1x125x40xf32, #tpu.memory_space<vmem>>
        %dma_wait3A_357 = tpu.memref_squeeze %dma_wait3A_356 : memref<1x125x40xf32, #tpu.memory_space<vmem>> -> memref<125x40xf32, #tpu.memory_space<vmem>>
        %dma_wait3A_358 = arith.constant 0 : i32
        %dma_wait3A_359 = tpu.memref_slice %arg8[%add3A_224, %dma_wait3A_358] : memref<80x125xi32, #tpu.memory_space<vmem>> -> memref<1x125xi32, #tpu.memory_space<vmem>>
        %dma_wait3A_360 = tpu.memref_squeeze %dma_wait3A_359 : memref<1x125xi32, #tpu.memory_space<vmem>> -> memref<125xi32, #tpu.memory_space<vmem>>
        %dma_wait3A_361 = arith.constant 0 : i32
        %dma_wait3A_362 = arith.constant 0 : i32
        %dma_wait3A_363 = tpu.memref_slice %arg11[%dma_wait3A_361, %dma_wait3A_362] : memref<10240x40xf32, #tpu.memory_space<vmem_shared>> -> memref<10240x40xf32, #tpu.memory_space<vmem_shared>>
        tpu.wait_indirect_dma semaphore(%run_scoped3A_343 : memref<!tpu.dma_semaphore, #tpu.memory_space<semaphore_mem>>) src(%dma_wait3A_357 : memref<125x40xf32, #tpu.memory_space<vmem>>) dst(%dma_wait3A_363 : memref<10240x40xf32, #tpu.memory_space<vmem_shared>>)
        tpu.yield
      }) : () -> ()
      %add3A_240 = arith.constant 6 : i32
      %add3A_241 = arith.addi %add3A_224, %add3A_240 : i32
      %lt3A_242 = arith.constant 80 : i32
      %lt3A_243 = arith.cmpi slt, %add3A_241, %lt3A_242 : i32
      %convert_element_type3A_244 = arith.extui %lt3A_243 : i1 to i32
      %cond3A_245 = arith.constant 0 : i32
      %cond3A_246 = arith.cmpi ne, %convert_element_type3A_244, %cond3A_245 : i32
      scf.if %cond3A_246 {
        %dma_start3A_343 = arith.constant 1 : i32
        %dma_start3A_344 = arith.constant 1 : i32
        %dma_start3A_345 = arith.constant 0 : i32
        %dma_start3A_346 = arith.constant 0 : i32
        %dma_start3A_347 = tpu.memref_slice %arg9[%dma_start3A_343, %dma_start3A_345, %dma_start3A_346] : memref<10x125x40xf32, #tpu.memory_space<vmem>> -> memref<1x125x40xf32, #tpu.memory_space<vmem>>
        %dma_start3A_348 = tpu.memref_squeeze %dma_start3A_347 : memref<1x125x40xf32, #tpu.memory_space<vmem>> -> memref<125x40xf32, #tpu.memory_space<vmem>>
        %dma_start3A_349 = arith.constant 0 : i32
        %dma_start3A_350 = tpu.memref_slice %arg7[%add3A_241, %dma_start3A_349] : memref<80x125xi32, #tpu.memory_space<vmem>> -> memref<1x125xi32, #tpu.memory_space<vmem>>
        %dma_start3A_351 = tpu.memref_squeeze %dma_start3A_350 : memref<1x125xi32, #tpu.memory_space<vmem>> -> memref<125xi32, #tpu.memory_space<vmem>>
        %dma_start3A_352 = arith.constant 0 : i32
        %dma_start3A_353 = arith.constant 0 : i32
        %dma_start3A_354 = tpu.memref_slice %arg2[%dma_start3A_352, %dma_start3A_353] : memref<10000x40xf32, #tpu.memory_space<hbm>> -> memref<10000x40xf32, #tpu.memory_space<hbm>>
        %dma_start3A_355 = tpu.memref_slice %arg12[%dma_start3A_344] : memref<10x!tpu.dma_semaphore, #tpu.memory_space<semaphore_mem>> -> memref<1x!tpu.dma_semaphore, #tpu.memory_space<semaphore_mem>>
        %dma_start3A_356 = tpu.memref_squeeze %dma_start3A_355 : memref<1x!tpu.dma_semaphore, #tpu.memory_space<semaphore_mem>> -> memref<!tpu.dma_semaphore, #tpu.memory_space<semaphore_mem>>
        tpu.enqueue_indirect_dma source(%dma_start3A_354 : memref<10000x40xf32, #tpu.memory_space<hbm>>) target(%dma_start3A_348 : memref<125x40xf32, #tpu.memory_space<vmem>>) offsets(%dma_start3A_351 : memref<125xi32, #tpu.memory_space<vmem>>) semaphore(%dma_start3A_356 : memref<!tpu.dma_semaphore, #tpu.memory_space<semaphore_mem>>)
      } else {
      }
      %add3A_247 = arith.constant 6 : i32
      %add3A_248 = arith.addi %mul3A_107, %add3A_247 : i32
      %dma_wait3A_249 = arith.constant 6 : i32
      %dma_wait3A_250 = arith.constant 6 : i32
      %dma_wait3A_251 = arith.constant 0 : i32
      %dma_wait3A_252 = arith.constant 0 : i32
      %dma_wait3A_253 = tpu.memref_slice %arg9[%dma_wait3A_249, %dma_wait3A_251, %dma_wait3A_252] : memref<10x125x40xf32, #tpu.memory_space<vmem>> -> memref<1x125x40xf32, #tpu.memory_space<vmem>>
      %dma_wait3A_254 = tpu.memref_squeeze %dma_wait3A_253 : memref<1x125x40xf32, #tpu.memory_space<vmem>> -> memref<125x40xf32, #tpu.memory_space<vmem>>
      %dma_wait3A_255 = arith.constant 0 : i32
      %dma_wait3A_256 = tpu.memref_slice %arg7[%add3A_248, %dma_wait3A_255] : memref<80x125xi32, #tpu.memory_space<vmem>> -> memref<1x125xi32, #tpu.memory_space<vmem>>
      %dma_wait3A_257 = tpu.memref_squeeze %dma_wait3A_256 : memref<1x125xi32, #tpu.memory_space<vmem>> -> memref<125xi32, #tpu.memory_space<vmem>>
      %dma_wait3A_258 = arith.constant 0 : i32
      %dma_wait3A_259 = arith.constant 0 : i32
      %dma_wait3A_260 = tpu.memref_slice %arg2[%dma_wait3A_258, %dma_wait3A_259] : memref<10000x40xf32, #tpu.memory_space<hbm>> -> memref<10000x40xf32, #tpu.memory_space<hbm>>
      %dma_wait3A_261 = tpu.memref_slice %arg12[%dma_wait3A_250] : memref<10x!tpu.dma_semaphore, #tpu.memory_space<semaphore_mem>> -> memref<1x!tpu.dma_semaphore, #tpu.memory_space<semaphore_mem>>
      %dma_wait3A_262 = tpu.memref_squeeze %dma_wait3A_261 : memref<1x!tpu.dma_semaphore, #tpu.memory_space<semaphore_mem>> -> memref<!tpu.dma_semaphore, #tpu.memory_space<semaphore_mem>>
      tpu.wait_indirect_dma semaphore(%dma_wait3A_262 : memref<!tpu.dma_semaphore, #tpu.memory_space<semaphore_mem>>) src(%dma_wait3A_260 : memref<10000x40xf32, #tpu.memory_space<hbm>>) dst(%dma_wait3A_254 : memref<125x40xf32, #tpu.memory_space<vmem>>)
      %run_scoped3A_263 = arith.constant 6 : i32
      "tpu.region"() ({
        %run_scoped3A_343 = tpu.sem_alloc : memref<!tpu.dma_semaphore, #tpu.memory_space<semaphore_mem>>
        %dma_start3A_344 = arith.constant 0 : i32
        %dma_start3A_345 = arith.constant 0 : i32
        %dma_start3A_346 = tpu.memref_slice %arg9[%run_scoped3A_263, %dma_start3A_344, %dma_start3A_345] : memref<10x125x40xf32, #tpu.memory_space<vmem>> -> memref<1x125x40xf32, #tpu.memory_space<vmem>>
        %dma_start3A_347 = tpu.memref_squeeze %dma_start3A_346 : memref<1x125x40xf32, #tpu.memory_space<vmem>> -> memref<125x40xf32, #tpu.memory_space<vmem>>
        %dma_start3A_348 = arith.constant 0 : i32
        %dma_start3A_349 = tpu.memref_slice %arg8[%add3A_248, %dma_start3A_348] : memref<80x125xi32, #tpu.memory_space<vmem>> -> memref<1x125xi32, #tpu.memory_space<vmem>>
        %dma_start3A_350 = tpu.memref_squeeze %dma_start3A_349 : memref<1x125xi32, #tpu.memory_space<vmem>> -> memref<125xi32, #tpu.memory_space<vmem>>
        %dma_start3A_351 = arith.constant 0 : i32
        %dma_start3A_352 = arith.constant 0 : i32
        %dma_start3A_353 = tpu.memref_slice %arg11[%dma_start3A_351, %dma_start3A_352] : memref<10240x40xf32, #tpu.memory_space<vmem_shared>> -> memref<10240x40xf32, #tpu.memory_space<vmem_shared>>
        tpu.enqueue_indirect_dma source(%dma_start3A_347 : memref<125x40xf32, #tpu.memory_space<vmem>>) target(%dma_start3A_353 : memref<10240x40xf32, #tpu.memory_space<vmem_shared>>) offsets(%dma_start3A_350 : memref<125xi32, #tpu.memory_space<vmem>>) semaphore(%run_scoped3A_343 : memref<!tpu.dma_semaphore, #tpu.memory_space<semaphore_mem>>) {add = true}
        %dma_wait3A_354 = arith.constant 0 : i32
        %dma_wait3A_355 = arith.constant 0 : i32
        %dma_wait3A_356 = tpu.memref_slice %arg9[%run_scoped3A_263, %dma_wait3A_354, %dma_wait3A_355] : memref<10x125x40xf32, #tpu.memory_space<vmem>> -> memref<1x125x40xf32, #tpu.memory_space<vmem>>
        %dma_wait3A_357 = tpu.memref_squeeze %dma_wait3A_356 : memref<1x125x40xf32, #tpu.memory_space<vmem>> -> memref<125x40xf32, #tpu.memory_space<vmem>>
        %dma_wait3A_358 = arith.constant 0 : i32
        %dma_wait3A_359 = tpu.memref_slice %arg8[%add3A_248, %dma_wait3A_358] : memref<80x125xi32, #tpu.memory_space<vmem>> -> memref<1x125xi32, #tpu.memory_space<vmem>>
        %dma_wait3A_360 = tpu.memref_squeeze %dma_wait3A_359 : memref<1x125xi32, #tpu.memory_space<vmem>> -> memref<125xi32, #tpu.memory_space<vmem>>
        %dma_wait3A_361 = arith.constant 0 : i32
        %dma_wait3A_362 = arith.constant 0 : i32
        %dma_wait3A_363 = tpu.memref_slice %arg11[%dma_wait3A_361, %dma_wait3A_362] : memref<10240x40xf32, #tpu.memory_space<vmem_shared>> -> memref<10240x40xf32, #tpu.memory_space<vmem_shared>>
        tpu.wait_indirect_dma semaphore(%run_scoped3A_343 : memref<!tpu.dma_semaphore, #tpu.memory_space<semaphore_mem>>) src(%dma_wait3A_357 : memref<125x40xf32, #tpu.memory_space<vmem>>) dst(%dma_wait3A_363 : memref<10240x40xf32, #tpu.memory_space<vmem_shared>>)
        tpu.yield
      }) : () -> ()
      %add3A_264 = arith.constant 6 : i32
      %add3A_265 = arith.addi %add3A_248, %add3A_264 : i32
      %lt3A_266 = arith.constant 80 : i32
      %lt3A_267 = arith.cmpi slt, %add3A_265, %lt3A_266 : i32
      %convert_element_type3A_268 = arith.extui %lt3A_267 : i1 to i32
      %cond3A_269 = arith.constant 0 : i32
      %cond3A_270 = arith.cmpi ne, %convert_element_type3A_268, %cond3A_269 : i32
      scf.if %cond3A_270 {
        %dma_start3A_343 = arith.constant 2 : i32
        %dma_start3A_344 = arith.constant 2 : i32
        %dma_start3A_345 = arith.constant 0 : i32
        %dma_start3A_346 = arith.constant 0 : i32
        %dma_start3A_347 = tpu.memref_slice %arg9[%dma_start3A_343, %dma_start3A_345, %dma_start3A_346] : memref<10x125x40xf32, #tpu.memory_space<vmem>> -> memref<1x125x40xf32, #tpu.memory_space<vmem>>
        %dma_start3A_348 = tpu.memref_squeeze %dma_start3A_347 : memref<1x125x40xf32, #tpu.memory_space<vmem>> -> memref<125x40xf32, #tpu.memory_space<vmem>>
        %dma_start3A_349 = arith.constant 0 : i32
        %dma_start3A_350 = tpu.memref_slice %arg7[%add3A_265, %dma_start3A_349] : memref<80x125xi32, #tpu.memory_space<vmem>> -> memref<1x125xi32, #tpu.memory_space<vmem>>
        %dma_start3A_351 = tpu.memref_squeeze %dma_start3A_350 : memref<1x125xi32, #tpu.memory_space<vmem>> -> memref<125xi32, #tpu.memory_space<vmem>>
        %dma_start3A_352 = arith.constant 0 : i32
        %dma_start3A_353 = arith.constant 0 : i32
        %dma_start3A_354 = tpu.memref_slice %arg2[%dma_start3A_352, %dma_start3A_353] : memref<10000x40xf32, #tpu.memory_space<hbm>> -> memref<10000x40xf32, #tpu.memory_space<hbm>>
        %dma_start3A_355 = tpu.memref_slice %arg12[%dma_start3A_344] : memref<10x!tpu.dma_semaphore, #tpu.memory_space<semaphore_mem>> -> memref<1x!tpu.dma_semaphore, #tpu.memory_space<semaphore_mem>>
        %dma_start3A_356 = tpu.memref_squeeze %dma_start3A_355 : memref<1x!tpu.dma_semaphore, #tpu.memory_space<semaphore_mem>> -> memref<!tpu.dma_semaphore, #tpu.memory_space<semaphore_mem>>
        tpu.enqueue_indirect_dma source(%dma_start3A_354 : memref<10000x40xf32, #tpu.memory_space<hbm>>) target(%dma_start3A_348 : memref<125x40xf32, #tpu.memory_space<vmem>>) offsets(%dma_start3A_351 : memref<125xi32, #tpu.memory_space<vmem>>) semaphore(%dma_start3A_356 : memref<!tpu.dma_semaphore, #tpu.memory_space<semaphore_mem>>)
      } else {
      }
      %add3A_271 = arith.constant 7 : i32
      %add3A_272 = arith.addi %mul3A_107, %add3A_271 : i32
      %dma_wait3A_273 = arith.constant 7 : i32
      %dma_wait3A_274 = arith.constant 7 : i32
      %dma_wait3A_275 = arith.constant 0 : i32
      %dma_wait3A_276 = arith.constant 0 : i32
      %dma_wait3A_277 = tpu.memref_slice %arg9[%dma_wait3A_273, %dma_wait3A_275, %dma_wait3A_276] : memref<10x125x40xf32, #tpu.memory_space<vmem>> -> memref<1x125x40xf32, #tpu.memory_space<vmem>>
      %dma_wait3A_278 = tpu.memref_squeeze %dma_wait3A_277 : memref<1x125x40xf32, #tpu.memory_space<vmem>> -> memref<125x40xf32, #tpu.memory_space<vmem>>
      %dma_wait3A_279 = arith.constant 0 : i32
      %dma_wait3A_280 = tpu.memref_slice %arg7[%add3A_272, %dma_wait3A_279] : memref<80x125xi32, #tpu.memory_space<vmem>> -> memref<1x125xi32, #tpu.memory_space<vmem>>
      %dma_wait3A_281 = tpu.memref_squeeze %dma_wait3A_280 : memref<1x125xi32, #tpu.memory_space<vmem>> -> memref<125xi32, #tpu.memory_space<vmem>>
      %dma_wait3A_282 = arith.constant 0 : i32
      %dma_wait3A_283 = arith.constant 0 : i32
      %dma_wait3A_284 = tpu.memref_slice %arg2[%dma_wait3A_282, %dma_wait3A_283] : memref<10000x40xf32, #tpu.memory_space<hbm>> -> memref<10000x40xf32, #tpu.memory_space<hbm>>
      %dma_wait3A_285 = tpu.memref_slice %arg12[%dma_wait3A_274] : memref<10x!tpu.dma_semaphore, #tpu.memory_space<semaphore_mem>> -> memref<1x!tpu.dma_semaphore, #tpu.memory_space<semaphore_mem>>
      %dma_wait3A_286 = tpu.memref_squeeze %dma_wait3A_285 : memref<1x!tpu.dma_semaphore, #tpu.memory_space<semaphore_mem>> -> memref<!tpu.dma_semaphore, #tpu.memory_space<semaphore_mem>>
      tpu.wait_indirect_dma semaphore(%dma_wait3A_286 : memref<!tpu.dma_semaphore, #tpu.memory_space<semaphore_mem>>) src(%dma_wait3A_284 : memref<10000x40xf32, #tpu.memory_space<hbm>>) dst(%dma_wait3A_278 : memref<125x40xf32, #tpu.memory_space<vmem>>)
      %run_scoped3A_287 = arith.constant 7 : i32
      "tpu.region"() ({
        %run_scoped3A_343 = tpu.sem_alloc : memref<!tpu.dma_semaphore, #tpu.memory_space<semaphore_mem>>
        %dma_start3A_344 = arith.constant 0 : i32
        %dma_start3A_345 = arith.constant 0 : i32
        %dma_start3A_346 = tpu.memref_slice %arg9[%run_scoped3A_287, %dma_start3A_344, %dma_start3A_345] : memref<10x125x40xf32, #tpu.memory_space<vmem>> -> memref<1x125x40xf32, #tpu.memory_space<vmem>>
        %dma_start3A_347 = tpu.memref_squeeze %dma_start3A_346 : memref<1x125x40xf32, #tpu.memory_space<vmem>> -> memref<125x40xf32, #tpu.memory_space<vmem>>
        %dma_start3A_348 = arith.constant 0 : i32
        %dma_start3A_349 = tpu.memref_slice %arg8[%add3A_272, %dma_start3A_348] : memref<80x125xi32, #tpu.memory_space<vmem>> -> memref<1x125xi32, #tpu.memory_space<vmem>>
        %dma_start3A_350 = tpu.memref_squeeze %dma_start3A_349 : memref<1x125xi32, #tpu.memory_space<vmem>> -> memref<125xi32, #tpu.memory_space<vmem>>
        %dma_start3A_351 = arith.constant 0 : i32
        %dma_start3A_352 = arith.constant 0 : i32
        %dma_start3A_353 = tpu.memref_slice %arg11[%dma_start3A_351, %dma_start3A_352] : memref<10240x40xf32, #tpu.memory_space<vmem_shared>> -> memref<10240x40xf32, #tpu.memory_space<vmem_shared>>
        tpu.enqueue_indirect_dma source(%dma_start3A_347 : memref<125x40xf32, #tpu.memory_space<vmem>>) target(%dma_start3A_353 : memref<10240x40xf32, #tpu.memory_space<vmem_shared>>) offsets(%dma_start3A_350 : memref<125xi32, #tpu.memory_space<vmem>>) semaphore(%run_scoped3A_343 : memref<!tpu.dma_semaphore, #tpu.memory_space<semaphore_mem>>) {add = true}
        %dma_wait3A_354 = arith.constant 0 : i32
        %dma_wait3A_355 = arith.constant 0 : i32
        %dma_wait3A_356 = tpu.memref_slice %arg9[%run_scoped3A_287, %dma_wait3A_354, %dma_wait3A_355] : memref<10x125x40xf32, #tpu.memory_space<vmem>> -> memref<1x125x40xf32, #tpu.memory_space<vmem>>
        %dma_wait3A_357 = tpu.memref_squeeze %dma_wait3A_356 : memref<1x125x40xf32, #tpu.memory_space<vmem>> -> memref<125x40xf32, #tpu.memory_space<vmem>>
        %dma_wait3A_358 = arith.constant 0 : i32
        %dma_wait3A_359 = tpu.memref_slice %arg8[%add3A_272, %dma_wait3A_358] : memref<80x125xi32, #tpu.memory_space<vmem>> -> memref<1x125xi32, #tpu.memory_space<vmem>>
        %dma_wait3A_360 = tpu.memref_squeeze %dma_wait3A_359 : memref<1x125xi32, #tpu.memory_space<vmem>> -> memref<125xi32, #tpu.memory_space<vmem>>
        %dma_wait3A_361 = arith.constant 0 : i32
        %dma_wait3A_362 = arith.constant 0 : i32
        %dma_wait3A_363 = tpu.memref_slice %arg11[%dma_wait3A_361, %dma_wait3A_362] : memref<10240x40xf32, #tpu.memory_space<vmem_shared>> -> memref<10240x40xf32, #tpu.memory_space<vmem_shared>>
        tpu.wait_indirect_dma semaphore(%run_scoped3A_343 : memref<!tpu.dma_semaphore, #tpu.memory_space<semaphore_mem>>) src(%dma_wait3A_357 : memref<125x40xf32, #tpu.memory_space<vmem>>) dst(%dma_wait3A_363 : memref<10240x40xf32, #tpu.memory_space<vmem_shared>>)
        tpu.yield
      }) : () -> ()
      %add3A_288 = arith.constant 6 : i32
      %add3A_289 = arith.addi %add3A_272, %add3A_288 : i32
      %lt3A_290 = arith.constant 80 : i32
      %lt3A_291 = arith.cmpi slt, %add3A_289, %lt3A_290 : i32
      %convert_element_type3A_292 = arith.extui %lt3A_291 : i1 to i32
      %cond3A_293 = arith.constant 0 : i32
      %cond3A_294 = arith.cmpi ne, %convert_element_type3A_292, %cond3A_293 : i32
      scf.if %cond3A_294 {
        %dma_start3A_343 = arith.constant 3 : i32
        %dma_start3A_344 = arith.constant 3 : i32
        %dma_start3A_345 = arith.constant 0 : i32
        %dma_start3A_346 = arith.constant 0 : i32
        %dma_start3A_347 = tpu.memref_slice %arg9[%dma_start3A_343, %dma_start3A_345, %dma_start3A_346] : memref<10x125x40xf32, #tpu.memory_space<vmem>> -> memref<1x125x40xf32, #tpu.memory_space<vmem>>
        %dma_start3A_348 = tpu.memref_squeeze %dma_start3A_347 : memref<1x125x40xf32, #tpu.memory_space<vmem>> -> memref<125x40xf32, #tpu.memory_space<vmem>>
        %dma_start3A_349 = arith.constant 0 : i32
        %dma_start3A_350 = tpu.memref_slice %arg7[%add3A_289, %dma_start3A_349] : memref<80x125xi32, #tpu.memory_space<vmem>> -> memref<1x125xi32, #tpu.memory_space<vmem>>
        %dma_start3A_351 = tpu.memref_squeeze %dma_start3A_350 : memref<1x125xi32, #tpu.memory_space<vmem>> -> memref<125xi32, #tpu.memory_space<vmem>>
        %dma_start3A_352 = arith.constant 0 : i32
        %dma_start3A_353 = arith.constant 0 : i32
        %dma_start3A_354 = tpu.memref_slice %arg2[%dma_start3A_352, %dma_start3A_353] : memref<10000x40xf32, #tpu.memory_space<hbm>> -> memref<10000x40xf32, #tpu.memory_space<hbm>>
        %dma_start3A_355 = tpu.memref_slice %arg12[%dma_start3A_344] : memref<10x!tpu.dma_semaphore, #tpu.memory_space<semaphore_mem>> -> memref<1x!tpu.dma_semaphore, #tpu.memory_space<semaphore_mem>>
        %dma_start3A_356 = tpu.memref_squeeze %dma_start3A_355 : memref<1x!tpu.dma_semaphore, #tpu.memory_space<semaphore_mem>> -> memref<!tpu.dma_semaphore, #tpu.memory_space<semaphore_mem>>
        tpu.enqueue_indirect_dma source(%dma_start3A_354 : memref<10000x40xf32, #tpu.memory_space<hbm>>) target(%dma_start3A_348 : memref<125x40xf32, #tpu.memory_space<vmem>>) offsets(%dma_start3A_351 : memref<125xi32, #tpu.memory_space<vmem>>) semaphore(%dma_start3A_356 : memref<!tpu.dma_semaphore, #tpu.memory_space<semaphore_mem>>)
      } else {
      }
      %add3A_295 = arith.constant 8 : i32
      %add3A_296 = arith.addi %mul3A_107, %add3A_295 : i32
      %dma_wait3A_297 = arith.constant 8 : i32
      %dma_wait3A_298 = arith.constant 8 : i32
      %dma_wait3A_299 = arith.constant 0 : i32
      %dma_wait3A_300 = arith.constant 0 : i32
      %dma_wait3A_301 = tpu.memref_slice %arg9[%dma_wait3A_297, %dma_wait3A_299, %dma_wait3A_300] : memref<10x125x40xf32, #tpu.memory_space<vmem>> -> memref<1x125x40xf32, #tpu.memory_space<vmem>>
      %dma_wait3A_302 = tpu.memref_squeeze %dma_wait3A_301 : memref<1x125x40xf32, #tpu.memory_space<vmem>> -> memref<125x40xf32, #tpu.memory_space<vmem>>
      %dma_wait3A_303 = arith.constant 0 : i32
      %dma_wait3A_304 = tpu.memref_slice %arg7[%add3A_296, %dma_wait3A_303] : memref<80x125xi32, #tpu.memory_space<vmem>> -> memref<1x125xi32, #tpu.memory_space<vmem>>
      %dma_wait3A_305 = tpu.memref_squeeze %dma_wait3A_304 : memref<1x125xi32, #tpu.memory_space<vmem>> -> memref<125xi32, #tpu.memory_space<vmem>>
      %dma_wait3A_306 = arith.constant 0 : i32
      %dma_wait3A_307 = arith.constant 0 : i32
      %dma_wait3A_308 = tpu.memref_slice %arg2[%dma_wait3A_306, %dma_wait3A_307] : memref<10000x40xf32, #tpu.memory_space<hbm>> -> memref<10000x40xf32, #tpu.memory_space<hbm>>
      %dma_wait3A_309 = tpu.memref_slice %arg12[%dma_wait3A_298] : memref<10x!tpu.dma_semaphore, #tpu.memory_space<semaphore_mem>> -> memref<1x!tpu.dma_semaphore, #tpu.memory_space<semaphore_mem>>
      %dma_wait3A_310 = tpu.memref_squeeze %dma_wait3A_309 : memref<1x!tpu.dma_semaphore, #tpu.memory_space<semaphore_mem>> -> memref<!tpu.dma_semaphore, #tpu.memory_space<semaphore_mem>>
      tpu.wait_indirect_dma semaphore(%dma_wait3A_310 : memref<!tpu.dma_semaphore, #tpu.memory_space<semaphore_mem>>) src(%dma_wait3A_308 : memref<10000x40xf32, #tpu.memory_space<hbm>>) dst(%dma_wait3A_302 : memref<125x40xf32, #tpu.memory_space<vmem>>)
      %run_scoped3A_311 = arith.constant 8 : i32
      "tpu.region"() ({
        %run_scoped3A_343 = tpu.sem_alloc : memref<!tpu.dma_semaphore, #tpu.memory_space<semaphore_mem>>
        %dma_start3A_344 = arith.constant 0 : i32
        %dma_start3A_345 = arith.constant 0 : i32
        %dma_start3A_346 = tpu.memref_slice %arg9[%run_scoped3A_311, %dma_start3A_344, %dma_start3A_345] : memref<10x125x40xf32, #tpu.memory_space<vmem>> -> memref<1x125x40xf32, #tpu.memory_space<vmem>>
        %dma_start3A_347 = tpu.memref_squeeze %dma_start3A_346 : memref<1x125x40xf32, #tpu.memory_space<vmem>> -> memref<125x40xf32, #tpu.memory_space<vmem>>
        %dma_start3A_348 = arith.constant 0 : i32
        %dma_start3A_349 = tpu.memref_slice %arg8[%add3A_296, %dma_start3A_348] : memref<80x125xi32, #tpu.memory_space<vmem>> -> memref<1x125xi32, #tpu.memory_space<vmem>>
        %dma_start3A_350 = tpu.memref_squeeze %dma_start3A_349 : memref<1x125xi32, #tpu.memory_space<vmem>> -> memref<125xi32, #tpu.memory_space<vmem>>
        %dma_start3A_351 = arith.constant 0 : i32
        %dma_start3A_352 = arith.constant 0 : i32
        %dma_start3A_353 = tpu.memref_slice %arg11[%dma_start3A_351, %dma_start3A_352] : memref<10240x40xf32, #tpu.memory_space<vmem_shared>> -> memref<10240x40xf32, #tpu.memory_space<vmem_shared>>
        tpu.enqueue_indirect_dma source(%dma_start3A_347 : memref<125x40xf32, #tpu.memory_space<vmem>>) target(%dma_start3A_353 : memref<10240x40xf32, #tpu.memory_space<vmem_shared>>) offsets(%dma_start3A_350 : memref<125xi32, #tpu.memory_space<vmem>>) semaphore(%run_scoped3A_343 : memref<!tpu.dma_semaphore, #tpu.memory_space<semaphore_mem>>) {add = true}
        %dma_wait3A_354 = arith.constant 0 : i32
        %dma_wait3A_355 = arith.constant 0 : i32
        %dma_wait3A_356 = tpu.memref_slice %arg9[%run_scoped3A_311, %dma_wait3A_354, %dma_wait3A_355] : memref<10x125x40xf32, #tpu.memory_space<vmem>> -> memref<1x125x40xf32, #tpu.memory_space<vmem>>
        %dma_wait3A_357 = tpu.memref_squeeze %dma_wait3A_356 : memref<1x125x40xf32, #tpu.memory_space<vmem>> -> memref<125x40xf32, #tpu.memory_space<vmem>>
        %dma_wait3A_358 = arith.constant 0 : i32
        %dma_wait3A_359 = tpu.memref_slice %arg8[%add3A_296, %dma_wait3A_358] : memref<80x125xi32, #tpu.memory_space<vmem>> -> memref<1x125xi32, #tpu.memory_space<vmem>>
        %dma_wait3A_360 = tpu.memref_squeeze %dma_wait3A_359 : memref<1x125xi32, #tpu.memory_space<vmem>> -> memref<125xi32, #tpu.memory_space<vmem>>
        %dma_wait3A_361 = arith.constant 0 : i32
        %dma_wait3A_362 = arith.constant 0 : i32
        %dma_wait3A_363 = tpu.memref_slice %arg11[%dma_wait3A_361, %dma_wait3A_362] : memref<10240x40xf32, #tpu.memory_space<vmem_shared>> -> memref<10240x40xf32, #tpu.memory_space<vmem_shared>>
        tpu.wait_indirect_dma semaphore(%run_scoped3A_343 : memref<!tpu.dma_semaphore, #tpu.memory_space<semaphore_mem>>) src(%dma_wait3A_357 : memref<125x40xf32, #tpu.memory_space<vmem>>) dst(%dma_wait3A_363 : memref<10240x40xf32, #tpu.memory_space<vmem_shared>>)
        tpu.yield
      }) : () -> ()
      %add3A_312 = arith.constant 6 : i32
      %add3A_313 = arith.addi %add3A_296, %add3A_312 : i32
      %lt3A_314 = arith.constant 80 : i32
      %lt3A_315 = arith.cmpi slt, %add3A_313, %lt3A_314 : i32
      %convert_element_type3A_316 = arith.extui %lt3A_315 : i1 to i32
      %cond3A_317 = arith.constant 0 : i32
      %cond3A_318 = arith.cmpi ne, %convert_element_type3A_316, %cond3A_317 : i32
      scf.if %cond3A_318 {
        %dma_start3A_343 = arith.constant 4 : i32
        %dma_start3A_344 = arith.constant 4 : i32
        %dma_start3A_345 = arith.constant 0 : i32
        %dma_start3A_346 = arith.constant 0 : i32
        %dma_start3A_347 = tpu.memref_slice %arg9[%dma_start3A_343, %dma_start3A_345, %dma_start3A_346] : memref<10x125x40xf32, #tpu.memory_space<vmem>> -> memref<1x125x40xf32, #tpu.memory_space<vmem>>
        %dma_start3A_348 = tpu.memref_squeeze %dma_start3A_347 : memref<1x125x40xf32, #tpu.memory_space<vmem>> -> memref<125x40xf32, #tpu.memory_space<vmem>>
        %dma_start3A_349 = arith.constant 0 : i32
        %dma_start3A_350 = tpu.memref_slice %arg7[%add3A_313, %dma_start3A_349] : memref<80x125xi32, #tpu.memory_space<vmem>> -> memref<1x125xi32, #tpu.memory_space<vmem>>
        %dma_start3A_351 = tpu.memref_squeeze %dma_start3A_350 : memref<1x125xi32, #tpu.memory_space<vmem>> -> memref<125xi32, #tpu.memory_space<vmem>>
        %dma_start3A_352 = arith.constant 0 : i32
        %dma_start3A_353 = arith.constant 0 : i32
        %dma_start3A_354 = tpu.memref_slice %arg2[%dma_start3A_352, %dma_start3A_353] : memref<10000x40xf32, #tpu.memory_space<hbm>> -> memref<10000x40xf32, #tpu.memory_space<hbm>>
        %dma_start3A_355 = tpu.memref_slice %arg12[%dma_start3A_344] : memref<10x!tpu.dma_semaphore, #tpu.memory_space<semaphore_mem>> -> memref<1x!tpu.dma_semaphore, #tpu.memory_space<semaphore_mem>>
        %dma_start3A_356 = tpu.memref_squeeze %dma_start3A_355 : memref<1x!tpu.dma_semaphore, #tpu.memory_space<semaphore_mem>> -> memref<!tpu.dma_semaphore, #tpu.memory_space<semaphore_mem>>
        tpu.enqueue_indirect_dma source(%dma_start3A_354 : memref<10000x40xf32, #tpu.memory_space<hbm>>) target(%dma_start3A_348 : memref<125x40xf32, #tpu.memory_space<vmem>>) offsets(%dma_start3A_351 : memref<125xi32, #tpu.memory_space<vmem>>) semaphore(%dma_start3A_356 : memref<!tpu.dma_semaphore, #tpu.memory_space<semaphore_mem>>)
      } else {
      }
      %add3A_319 = arith.constant 9 : i32
      %add3A_320 = arith.addi %mul3A_107, %add3A_319 : i32
      %dma_wait3A_321 = arith.constant 9 : i32
      %dma_wait3A_322 = arith.constant 9 : i32
      %dma_wait3A_323 = arith.constant 0 : i32
      %dma_wait3A_324 = arith.constant 0 : i32
      %dma_wait3A_325 = tpu.memref_slice %arg9[%dma_wait3A_321, %dma_wait3A_323, %dma_wait3A_324] : memref<10x125x40xf32, #tpu.memory_space<vmem>> -> memref<1x125x40xf32, #tpu.memory_space<vmem>>
      %dma_wait3A_326 = tpu.memref_squeeze %dma_wait3A_325 : memref<1x125x40xf32, #tpu.memory_space<vmem>> -> memref<125x40xf32, #tpu.memory_space<vmem>>
      %dma_wait3A_327 = arith.constant 0 : i32
      %dma_wait3A_328 = tpu.memref_slice %arg7[%add3A_320, %dma_wait3A_327] : memref<80x125xi32, #tpu.memory_space<vmem>> -> memref<1x125xi32, #tpu.memory_space<vmem>>
      %dma_wait3A_329 = tpu.memref_squeeze %dma_wait3A_328 : memref<1x125xi32, #tpu.memory_space<vmem>> -> memref<125xi32, #tpu.memory_space<vmem>>
      %dma_wait3A_330 = arith.constant 0 : i32
      %dma_wait3A_331 = arith.constant 0 : i32
      %dma_wait3A_332 = tpu.memref_slice %arg2[%dma_wait3A_330, %dma_wait3A_331] : memref<10000x40xf32, #tpu.memory_space<hbm>> -> memref<10000x40xf32, #tpu.memory_space<hbm>>
      %dma_wait3A_333 = tpu.memref_slice %arg12[%dma_wait3A_322] : memref<10x!tpu.dma_semaphore, #tpu.memory_space<semaphore_mem>> -> memref<1x!tpu.dma_semaphore, #tpu.memory_space<semaphore_mem>>
      %dma_wait3A_334 = tpu.memref_squeeze %dma_wait3A_333 : memref<1x!tpu.dma_semaphore, #tpu.memory_space<semaphore_mem>> -> memref<!tpu.dma_semaphore, #tpu.memory_space<semaphore_mem>>
      tpu.wait_indirect_dma semaphore(%dma_wait3A_334 : memref<!tpu.dma_semaphore, #tpu.memory_space<semaphore_mem>>) src(%dma_wait3A_332 : memref<10000x40xf32, #tpu.memory_space<hbm>>) dst(%dma_wait3A_326 : memref<125x40xf32, #tpu.memory_space<vmem>>)
      %run_scoped3A_335 = arith.constant 9 : i32
      "tpu.region"() ({
        %run_scoped3A_343 = tpu.sem_alloc : memref<!tpu.dma_semaphore, #tpu.memory_space<semaphore_mem>>
        %dma_start3A_344 = arith.constant 0 : i32
        %dma_start3A_345 = arith.constant 0 : i32
        %dma_start3A_346 = tpu.memref_slice %arg9[%run_scoped3A_335, %dma_start3A_344, %dma_start3A_345] : memref<10x125x40xf32, #tpu.memory_space<vmem>> -> memref<1x125x40xf32, #tpu.memory_space<vmem>>
        %dma_start3A_347 = tpu.memref_squeeze %dma_start3A_346 : memref<1x125x40xf32, #tpu.memory_space<vmem>> -> memref<125x40xf32, #tpu.memory_space<vmem>>
        %dma_start3A_348 = arith.constant 0 : i32
        %dma_start3A_349 = tpu.memref_slice %arg8[%add3A_320, %dma_start3A_348] : memref<80x125xi32, #tpu.memory_space<vmem>> -> memref<1x125xi32, #tpu.memory_space<vmem>>
        %dma_start3A_350 = tpu.memref_squeeze %dma_start3A_349 : memref<1x125xi32, #tpu.memory_space<vmem>> -> memref<125xi32, #tpu.memory_space<vmem>>
        %dma_start3A_351 = arith.constant 0 : i32
        %dma_start3A_352 = arith.constant 0 : i32
        %dma_start3A_353 = tpu.memref_slice %arg11[%dma_start3A_351, %dma_start3A_352] : memref<10240x40xf32, #tpu.memory_space<vmem_shared>> -> memref<10240x40xf32, #tpu.memory_space<vmem_shared>>
        tpu.enqueue_indirect_dma source(%dma_start3A_347 : memref<125x40xf32, #tpu.memory_space<vmem>>) target(%dma_start3A_353 : memref<10240x40xf32, #tpu.memory_space<vmem_shared>>) offsets(%dma_start3A_350 : memref<125xi32, #tpu.memory_space<vmem>>) semaphore(%run_scoped3A_343 : memref<!tpu.dma_semaphore, #tpu.memory_space<semaphore_mem>>) {add = true}
        %dma_wait3A_354 = arith.constant 0 : i32
        %dma_wait3A_355 = arith.constant 0 : i32
        %dma_wait3A_356 = tpu.memref_slice %arg9[%run_scoped3A_335, %dma_wait3A_354, %dma_wait3A_355] : memref<10x125x40xf32, #tpu.memory_space<vmem>> -> memref<1x125x40xf32, #tpu.memory_space<vmem>>
        %dma_wait3A_357 = tpu.memref_squeeze %dma_wait3A_356 : memref<1x125x40xf32, #tpu.memory_space<vmem>> -> memref<125x40xf32, #tpu.memory_space<vmem>>
        %dma_wait3A_358 = arith.constant 0 : i32
        %dma_wait3A_359 = tpu.memref_slice %arg8[%add3A_320, %dma_wait3A_358] : memref<80x125xi32, #tpu.memory_space<vmem>> -> memref<1x125xi32, #tpu.memory_space<vmem>>
        %dma_wait3A_360 = tpu.memref_squeeze %dma_wait3A_359 : memref<1x125xi32, #tpu.memory_space<vmem>> -> memref<125xi32, #tpu.memory_space<vmem>>
        %dma_wait3A_361 = arith.constant 0 : i32
        %dma_wait3A_362 = arith.constant 0 : i32
        %dma_wait3A_363 = tpu.memref_slice %arg11[%dma_wait3A_361, %dma_wait3A_362] : memref<10240x40xf32, #tpu.memory_space<vmem_shared>> -> memref<10240x40xf32, #tpu.memory_space<vmem_shared>>
        tpu.wait_indirect_dma semaphore(%run_scoped3A_343 : memref<!tpu.dma_semaphore, #tpu.memory_space<semaphore_mem>>) src(%dma_wait3A_357 : memref<125x40xf32, #tpu.memory_space<vmem>>) dst(%dma_wait3A_363 : memref<10240x40xf32, #tpu.memory_space<vmem_shared>>)
        tpu.yield
      }) : () -> ()
      %add3A_336 = arith.constant 6 : i32
      %add3A_337 = arith.addi %add3A_320, %add3A_336 : i32
      %lt3A_338 = arith.constant 80 : i32
      %lt3A_339 = arith.cmpi slt, %add3A_337, %lt3A_338 : i32
      %convert_element_type3A_340 = arith.extui %lt3A_339 : i1 to i32
      %cond3A_341 = arith.constant 0 : i32
      %cond3A_342 = arith.cmpi ne, %convert_element_type3A_340, %cond3A_341 : i32
      scf.if %cond3A_342 {
        %dma_start3A_343 = arith.constant 5 : i32
        %dma_start3A_344 = arith.constant 5 : i32
        %dma_start3A_345 = arith.constant 0 : i32
        %dma_start3A_346 = arith.constant 0 : i32
        %dma_start3A_347 = tpu.memref_slice %arg9[%dma_start3A_343, %dma_start3A_345, %dma_start3A_346] : memref<10x125x40xf32, #tpu.memory_space<vmem>> -> memref<1x125x40xf32, #tpu.memory_space<vmem>>
        %dma_start3A_348 = tpu.memref_squeeze %dma_start3A_347 : memref<1x125x40xf32, #tpu.memory_space<vmem>> -> memref<125x40xf32, #tpu.memory_space<vmem>>
        %dma_start3A_349 = arith.constant 0 : i32
        %dma_start3A_350 = tpu.memref_slice %arg7[%add3A_337, %dma_start3A_349] : memref<80x125xi32, #tpu.memory_space<vmem>> -> memref<1x125xi32, #tpu.memory_space<vmem>>
        %dma_start3A_351 = tpu.memref_squeeze %dma_start3A_350 : memref<1x125xi32, #tpu.memory_space<vmem>> -> memref<125xi32, #tpu.memory_space<vmem>>
        %dma_start3A_352 = arith.constant 0 : i32
        %dma_start3A_353 = arith.constant 0 : i32
        %dma_start3A_354 = tpu.memref_slice %arg2[%dma_start3A_352, %dma_start3A_353] : memref<10000x40xf32, #tpu.memory_space<hbm>> -> memref<10000x40xf32, #tpu.memory_space<hbm>>
        %dma_start3A_355 = tpu.memref_slice %arg12[%dma_start3A_344] : memref<10x!tpu.dma_semaphore, #tpu.memory_space<semaphore_mem>> -> memref<1x!tpu.dma_semaphore, #tpu.memory_space<semaphore_mem>>
        %dma_start3A_356 = tpu.memref_squeeze %dma_start3A_355 : memref<1x!tpu.dma_semaphore, #tpu.memory_space<semaphore_mem>> -> memref<!tpu.dma_semaphore, #tpu.memory_space<semaphore_mem>>
        tpu.enqueue_indirect_dma source(%dma_start3A_354 : memref<10000x40xf32, #tpu.memory_space<hbm>>) target(%dma_start3A_348 : memref<125x40xf32, #tpu.memory_space<vmem>>) offsets(%dma_start3A_351 : memref<125xi32, #tpu.memory_space<vmem>>) semaphore(%dma_start3A_356 : memref<!tpu.dma_semaphore, #tpu.memory_space<semaphore_mem>>)
      } else {
      }
    }
    %scan3A_96 = arith.constant 8 : i32
    %barrier3A_97 = arith.constant 0 : index
    tpu.barrier barrier_id(%barrier3A_97)
    %mul3A_98 = arith.constant 640 : i32
    %mul3A_99 = arith.muli %arg1, %mul3A_98 : i32
    %mul3A_100 = arith.constant 10240 : i32
    %mul3A_101 = arith.muli %arg0, %mul3A_100 : i32
    %mul3A_102 = arith.constant 640 : i32
    %mul3A_103 = arith.muli %arg1, %mul3A_102 : i32
    %add3A_104 = arith.addi %mul3A_101, %mul3A_103 : i32
    "tpu.region"() ({
      %run_scoped3A = tpu.sem_alloc : memref<!tpu.dma_semaphore, #tpu.memory_space<semaphore_mem>>
      %dma_start3A_105 = arith.constant 0 : i32
      %dma_start3A_106 = tpu.memref_slice %arg6[%add3A_104, %dma_start3A_105] : memref<20480x128xf32, #tpu.memory_space<hbm>> -> memref<640x40xf32, #tpu.memory_space<hbm>>
      %dma_start3A_107 = arith.constant 0 : i32
      %dma_start3A_108 = tpu.memref_slice %arg11[%mul3A_99, %dma_start3A_107] : memref<10240x40xf32, #tpu.memory_space<vmem_shared>> -> memref<640x40xf32, #tpu.memory_space<vmem_shared>>
      tpu.enqueue_dma source(%dma_start3A_108 : memref<640x40xf32, #tpu.memory_space<vmem_shared>>) target(%dma_start3A_106 : memref<640x40xf32, #tpu.memory_space<hbm>>) target_semaphore(%run_scoped3A : memref<!tpu.dma_semaphore, #tpu.memory_space<semaphore_mem>>)
      %dma_wait3A = arith.constant 0 : i32
      %dma_wait3A_109 = tpu.memref_slice %arg6[%add3A_104, %dma_wait3A] : memref<20480x128xf32, #tpu.memory_space<hbm>> -> memref<640x40xf32, #tpu.memory_space<hbm>>
      %dma_wait3A_110 = arith.constant 0 : i32
      %dma_wait3A_111 = tpu.memref_slice %arg11[%mul3A_99, %dma_wait3A_110] : memref<10240x40xf32, #tpu.memory_space<vmem_shared>> -> memref<640x40xf32, #tpu.memory_space<vmem_shared>>
      tpu.wait_dma2 semaphore(%run_scoped3A : memref<!tpu.dma_semaphore, #tpu.memory_space<semaphore_mem>>) src(%dma_wait3A_111 : memref<640x40xf32, #tpu.memory_space<vmem_shared>>) dst(%dma_wait3A_109 : memref<640x40xf32, #tpu.memory_space<hbm>>)
      tpu.yield
    }) : () -> ()
    return
  }
}

module attributes {stable_mosaic.version = 14 : i64} {
  func.func @_tc0_body(%arg0: memref<10000x128xf32, #tpu.memory_space<vmem>>, %arg1: memref<128x16xf32, #tpu.memory_space<vmem>>, %arg2: memref<10000x16xf32, #tpu.memory_space<vmem>>) attributes {dimension_semantics = [], scalar_prefetch = 0 : i64, scratch_operands = 0 : i64, tpu.core_type = #tpu.core_type<tc>} {
    %get3A = arith.constant 0 : index
    %get3A_0 = arith.constant 0 : index
    %get3A_1 = vector.load %arg0[%get3A, %get3A_0] : memref<10000x128xf32, #tpu.memory_space<vmem>>, vector<10000x128xf32>
    %get3A_2 = arith.constant 0 : index
    %get3A_3 = arith.constant 0 : index
    %get3A_4 = vector.load %arg1[%get3A_2, %get3A_3] : memref<128x16xf32, #tpu.memory_space<vmem>>, vector<128x16xf32>
    %dot_general3A = arith.constant dense<0.000000e+00> : vector<10000x16xf32>
    %dot_general3A_5 = tpu.matmul %get3A_1, %get3A_4, %dot_general3A {dimension_numbers = #tpu.dot_dimension_numbers<[1], [0], [0], [1], [0, 0, 1, 1], [], []>, transpose_lhs_hint = false} : vector<10000x128xf32>, vector<128x16xf32>, vector<10000x16xf32> -> vector<10000x16xf32>
    %swap3A = arith.constant 0 : index
    %swap3A_6 = arith.constant 0 : index
    %swap3A_7 = vector.load %arg2[%swap3A, %swap3A_6] : memref<10000x16xf32, #tpu.memory_space<vmem>>, vector<10000x16xf32>
    tpu.vector_store %arg2[%swap3A, %swap3A_6], %dot_general3A_5 {strides = array<i32>} : memref<10000x16xf32, #tpu.memory_space<vmem>>, vector<10000x16xf32>,
    return
  }
}

module attributes {stable_mosaic.version = 14 : i64} {
  func.func @_tc1_body(%arg0: memref<10000x16xf32, #tpu.memory_space<vmem>>, %arg1: memref<2x10240x128xf32, #tpu.memory_space<vmem>>, %arg2: memref<10000x16xf32, #tpu.memory_space<vmem>>, %arg3: memref<10000x1xf32, #tpu.memory_space<vmem>>) attributes {dimension_semantics = [], scalar_prefetch = 0 : i64, scratch_operands = 0 : i64, tpu.core_type = #tpu.core_type<tc>} {
    %get3A = arith.constant 0 : index
    %get3A_0 = arith.constant 0 : index
    %get3A_1 = arith.constant 0 : index
    %get3A_2 = vector.load %arg1[%get3A, %get3A_0, %get3A_1] : memref<2x10240x128xf32, #tpu.memory_space<vmem>>, vector<1x10000x1xf32>
    %get3A_3 = vector.shape_cast %get3A_2 : vector<1x10000x1xf32> to vector<10000x1xf32>
    %get3A_4 = arith.constant 1 : index
    %get3A_5 = arith.constant 0 : index
    %get3A_6 = arith.constant 0 : index
    %get3A_7 = vector.load %arg1[%get3A_4, %get3A_5, %get3A_6] : memref<2x10240x128xf32, #tpu.memory_space<vmem>>, vector<1x10000x1xf32>
    %get3A_8 = vector.shape_cast %get3A_7 : vector<1x10000x1xf32> to vector<10000x1xf32>
    %add3A = arith.addf %get3A_3, %get3A_8 : vector<10000x1xf32>
    %add3A_9 = arith.constant 1.000000e+00 : f32
    %add3A_10 = vector.broadcast %add3A_9 : f32 to vector<10000x1xf32>
    %add3A_11 = arith.addf %add3A, %add3A_10 : vector<10000x1xf32>
    %rsqrt3A = math.rsqrt %add3A_11 : vector<10000x1xf32>
    %get3A_12 = arith.constant 0 : index
    %get3A_13 = arith.constant 0 : index
    %get3A_14 = vector.load %arg0[%get3A_12, %get3A_13] : memref<10000x16xf32, #tpu.memory_space<vmem>>, vector<10000x16xf32>
    %mul3A = vector.broadcast %rsqrt3A : vector<10000x1xf32> to vector<10000x16xf32>
    %mul3A_15 = arith.mulf %get3A_14, %mul3A : vector<10000x16xf32>
    %swap3A = arith.constant 0 : index
    %swap3A_16 = arith.constant 0 : index
    %swap3A_17 = vector.load %arg2[%swap3A, %swap3A_16] : memref<10000x16xf32, #tpu.memory_space<vmem>>, vector<10000x16xf32>
    tpu.vector_store %arg2[%swap3A, %swap3A_16], %mul3A_15 {strides = array<i32>} : memref<10000x16xf32, #tpu.memory_space<vmem>>, vector<10000x16xf32>,
    %swap3A_18 = arith.constant 0 : index
    %swap3A_19 = arith.constant 0 : index
    %swap3A_20 = vector.load %arg3[%swap3A_18, %swap3A_19] : memref<10000x1xf32, #tpu.memory_space<vmem>>, vector<10000x1xf32>
    tpu.vector_store %arg3[%swap3A_18, %swap3A_19], %rsqrt3A {strides = array<i32>} : memref<10000x1xf32, #tpu.memory_space<vmem>>, vector<10000x1xf32>,
    return
  }
}

module attributes {stable_mosaic.version = 14 : i64} {
  func.func @_tc2_body(%arg0: memref<2x10240x128xf32, #tpu.memory_space<vmem>>, %arg1: memref<10000x16xf32, #tpu.memory_space<vmem>>, %arg2: memref<10000x1xf32, #tpu.memory_space<vmem>>, %arg3: memref<1x16xf32, #tpu.memory_space<vmem>>, %arg4: memref<16x40xf32, #tpu.memory_space<vmem>>, %arg5: memref<10000x40xf32, #tpu.memory_space<vmem>>) attributes {dimension_semantics = [], scalar_prefetch = 0 : i64, scratch_operands = 0 : i64, tpu.core_type = #tpu.core_type<tc>} {
    %get3A = arith.constant 0 : index
    %get3A_0 = arith.constant 0 : index
    %get3A_1 = arith.constant 0 : index
    %get3A_2 = vector.load %arg0[%get3A, %get3A_0, %get3A_1] : memref<2x10240x128xf32, #tpu.memory_space<vmem>>, vector<1x10000x16xf32>
    %get3A_3 = vector.shape_cast %get3A_2 : vector<1x10000x16xf32> to vector<10000x16xf32>
    %get3A_4 = arith.constant 1 : index
    %get3A_5 = arith.constant 0 : index
    %get3A_6 = arith.constant 0 : index
    %get3A_7 = vector.load %arg0[%get3A_4, %get3A_5, %get3A_6] : memref<2x10240x128xf32, #tpu.memory_space<vmem>>, vector<1x10000x16xf32>
    %get3A_8 = vector.shape_cast %get3A_7 : vector<1x10000x16xf32> to vector<10000x16xf32>
    %add3A = arith.addf %get3A_3, %get3A_8 : vector<10000x16xf32>
    %get3A_9 = arith.constant 0 : index
    %get3A_10 = arith.constant 0 : index
    %get3A_11 = vector.load %arg1[%get3A_9, %get3A_10] : memref<10000x16xf32, #tpu.memory_space<vmem>>, vector<10000x16xf32>
    %add3A_12 = arith.addf %add3A, %get3A_11 : vector<10000x16xf32>
    %get3A_13 = arith.constant 0 : index
    %get3A_14 = arith.constant 0 : index
    %get3A_15 = vector.load %arg2[%get3A_13, %get3A_14] : memref<10000x1xf32, #tpu.memory_space<vmem>>, vector<10000x1xf32>
    %mul3A = vector.broadcast %get3A_15 : vector<10000x1xf32> to vector<10000x16xf32>
    %mul3A_16 = arith.mulf %mul3A, %add3A_12 : vector<10000x16xf32>
    %get3A_17 = arith.constant 0 : index
    %get3A_18 = arith.constant 0 : index
    %get3A_19 = vector.load %arg3[%get3A_17, %get3A_18] : memref<1x16xf32, #tpu.memory_space<vmem>>, vector<1x16xf32>
    %add3A_20 = vector.broadcast %get3A_19 : vector<1x16xf32> to vector<10000x16xf32>
    %add3A_21 = arith.addf %mul3A_16, %add3A_20 : vector<10000x16xf32>
    %gt3A = arith.constant 0.000000e+00 : f32
    %gt3A_22 = vector.broadcast %gt3A : f32 to vector<10000x16xf32>
    %gt3A_23 = arith.cmpf ogt, %add3A_21, %gt3A_22 : vector<10000x16xf32>
    %exp3A = math.exp %add3A_21 : vector<10000x16xf32>
    %sub3A = arith.constant 1.000000e+00 : f32
    %sub3A_24 = vector.broadcast %sub3A : f32 to vector<10000x16xf32>
    %sub3A_25 = arith.subf %exp3A, %sub3A_24 : vector<10000x16xf32>
    %select_n3A = arith.select %gt3A_23, %add3A_21, %sub3A_25 : vector<10000x16xi1>, vector<10000x16xf32>
    %get3A_26 = arith.constant 0 : index
    %get3A_27 = arith.constant 0 : index
    %get3A_28 = vector.load %arg4[%get3A_26, %get3A_27] : memref<16x40xf32, #tpu.memory_space<vmem>>, vector<16x40xf32>
    %dot_general3A = arith.constant dense<0.000000e+00> : vector<10000x40xf32>
    %dot_general3A_29 = tpu.matmul %select_n3A, %get3A_28, %dot_general3A {dimension_numbers = #tpu.dot_dimension_numbers<[1], [0], [0], [1], [0, 0, 1, 1], [], []>, transpose_lhs_hint = false} : vector<10000x16xf32>, vector<16x40xf32>, vector<10000x40xf32> -> vector<10000x40xf32>
    %get3A_30 = arith.constant 0 : index
    %get3A_31 = arith.constant 0 : index
    %get3A_32 = vector.load %arg2[%get3A_30, %get3A_31] : memref<10000x1xf32, #tpu.memory_space<vmem>>, vector<10000x1xf32>
    %mul3A_33 = vector.broadcast %get3A_32 : vector<10000x1xf32> to vector<10000x40xf32>
    %mul3A_34 = arith.mulf %dot_general3A_29, %mul3A_33 : vector<10000x40xf32>
    %swap3A = arith.constant 0 : index
    %swap3A_35 = arith.constant 0 : index
    %swap3A_36 = vector.load %arg5[%swap3A, %swap3A_35] : memref<10000x40xf32, #tpu.memory_space<vmem>>, vector<10000x40xf32>
    tpu.vector_store %arg5[%swap3A, %swap3A_35], %mul3A_34 {strides = array<i32>} : memref<10000x40xf32, #tpu.memory_space<vmem>>, vector<10000x40xf32>,
    return
  }
}

module attributes {stable_mosaic.version = 14 : i64} {
  func.func @_tc3_body(%arg0: memref<2x10240x128xf32, #tpu.memory_space<vmem>>, %arg1: memref<10000x40xf32, #tpu.memory_space<vmem>>, %arg2: memref<10000x1xf32, #tpu.memory_space<vmem>>, %arg3: memref<1x40xf32, #tpu.memory_space<vmem>>, %arg4: memref<10000x40xf32, #tpu.memory_space<vmem>>) attributes {dimension_semantics = [], scalar_prefetch = 0 : i64, scratch_operands = 0 : i64, tpu.core_type = #tpu.core_type<tc>} {
    %get3A = arith.constant 0 : index
    %get3A_0 = arith.constant 0 : index
    %get3A_1 = vector.load %arg2[%get3A, %get3A_0] : memref<10000x1xf32, #tpu.memory_space<vmem>>, vector<10000x1xf32>
    %get3A_2 = arith.constant 0 : index
    %get3A_3 = arith.constant 0 : index
    %get3A_4 = arith.constant 0 : index
    %get3A_5 = vector.load %arg0[%get3A_2, %get3A_3, %get3A_4] : memref<2x10240x128xf32, #tpu.memory_space<vmem>>, vector<1x10000x40xf32>
    %get3A_6 = vector.shape_cast %get3A_5 : vector<1x10000x40xf32> to vector<10000x40xf32>
    %get3A_7 = arith.constant 1 : index
    %get3A_8 = arith.constant 0 : index
    %get3A_9 = arith.constant 0 : index
    %get3A_10 = vector.load %arg0[%get3A_7, %get3A_8, %get3A_9] : memref<2x10240x128xf32, #tpu.memory_space<vmem>>, vector<1x10000x40xf32>
    %get3A_11 = vector.shape_cast %get3A_10 : vector<1x10000x40xf32> to vector<10000x40xf32>
    %add3A = arith.addf %get3A_6, %get3A_11 : vector<10000x40xf32>
    %get3A_12 = arith.constant 0 : index
    %get3A_13 = arith.constant 0 : index
    %get3A_14 = vector.load %arg1[%get3A_12, %get3A_13] : memref<10000x40xf32, #tpu.memory_space<vmem>>, vector<10000x40xf32>
    %add3A_15 = arith.addf %add3A, %get3A_14 : vector<10000x40xf32>
    %mul3A = vector.broadcast %get3A_1 : vector<10000x1xf32> to vector<10000x40xf32>
    %mul3A_16 = arith.mulf %mul3A, %add3A_15 : vector<10000x40xf32>
    %get3A_17 = arith.constant 0 : index
    %get3A_18 = arith.constant 0 : index
    %get3A_19 = vector.load %arg3[%get3A_17, %get3A_18] : memref<1x40xf32, #tpu.memory_space<vmem>>, vector<1x40xf32>
    %add3A_20 = vector.broadcast %get3A_19 : vector<1x40xf32> to vector<10000x40xf32>
    %add3A_21 = arith.addf %mul3A_16, %add3A_20 : vector<10000x40xf32>
    %reduce_max3A = arith.constant dense<0xFF800000> : vector<10000xf32>
    %reduce_max3A_22 = vector.multi_reduction <maximumf>, %add3A_21, %reduce_max3A [1] : vector<10000x40xf32> to vector<10000xf32>
    %broadcast_in_dim3A = vector.shape_cast %reduce_max3A_22 : vector<10000xf32> to vector<10000x1xf32>
    %sub3A = vector.broadcast %broadcast_in_dim3A : vector<10000x1xf32> to vector<10000x40xf32>
    %sub3A_23 = arith.subf %add3A_21, %sub3A : vector<10000x40xf32>
    %exp3A = math.exp %sub3A_23 : vector<10000x40xf32>
    %reduce_sum3A = arith.constant dense<0.000000e+00> : vector<10000xf32>
    %reduce_sum3A_24 = vector.multi_reduction <add>, %exp3A, %reduce_sum3A [1] : vector<10000x40xf32> to vector<10000xf32>
    %broadcast_in_dim3A_25 = vector.shape_cast %reduce_sum3A_24 : vector<10000xf32> to vector<10000x1xf32>
    %log3A = math.log %broadcast_in_dim3A_25 : vector<10000x1xf32>
    %sub3A_26 = vector.broadcast %log3A : vector<10000x1xf32> to vector<10000x40xf32>
    %sub3A_27 = arith.subf %sub3A_23, %sub3A_26 : vector<10000x40xf32>
    %swap3A = arith.constant 0 : index
    %swap3A_28 = arith.constant 0 : index
    %swap3A_29 = vector.load %arg4[%swap3A, %swap3A_28] : memref<10000x40xf32, #tpu.memory_space<vmem>>, vector<10000x40xf32>
    tpu.vector_store %arg4[%swap3A, %swap3A_28], %sub3A_27 {strides = array<i32>} : memref<10000x40xf32, #tpu.memory_space<vmem>>, vector<10000x40xf32>,
    return
  }
}

</mosaic_0001>

<sc_bundles>
// kernel: kernel.12.cloned.1.call-start
scs
__scs_entry_jumppad:
0x0: {  	(pc) =	sbr.rel $0x88, $3  }
0x1: {  	(tag) =	ssettag $0x0;
	lr =	simm.s32 $0x1  }
0x2: {  	[smem:$0x3F9B] =	sst lr;
	_ =	strace $0xD0000000  }
0x3: {  	_ = 	snop  }
0x4: {  	_ = 	snop  }
0x5: {  	_ = 	snop  }
0x6: {  	_ = 	snop  }
0x7: {  	_ = 	snop  }
__scs_overlays_trampoline_lowered:
0x8: {  	[smem:$0x3FAA] =	sst s0  }
0x9: {  	[smem:$0x3FAB] =	sst s1  }
0xa: {  	[smem:$0x3FAC] =	sst s2  }
0xb: {  	[smem:$0x3FAD] =	sst s3  }
0xc: {  	[smem:$0x3FAE] =	sst s4  }
0xd: {  	[smem:$0x3FAF] =	sst s5  }
0xe: {  	[smem:$0x3FB0] =	sst s6  }
0xf: {  	[smem:$0x3FB1] =	sst s7  }
0x10: {  	[smem:$0x3FB2] =	sst s8  }
0x11: {  	[smem:$0x3FB3] =	sst s9;
	s0 =	simm.s32 @!p0 $0x0  }
0x12: {  	s1 =	sld [smem:$0x3F99];
	s0 =	simm.s32 @p0 $0x1  }
0x13: {  	[smem:$0x3FB4] =	sst s0;
	s0 =	simm.s32 @!p1 $0x0  }
0x14: {  	s2 =	sld [smem:$0x3F98];
	s0 =	simm.s32 @p1 $0x1  }
0x15: {  	[smem:$0x3FB5] =	sst s0;
	s0 =	simm.s32 @!p2 $0x0  }
0x16: {  	s3 =	sld [smem:$0x3FDB];
	s0 =	simm.s32 @p2 $0x1  }
0x17: {  	s4 =	simm.s32 $0x1BF5;
	[smem:$0x3FB7] =	sst s0  }
0x18: {  	s0 =	sld [smem:$0x3F9A];
	_ =	swait.ge [sflag:s4], $0x0  }
0x19: {  	s7 =	sld [smem:$0x3F9B]  }
0x1a: {  	s8 =	sadd.s32 $0xFFFFE003, lr  }
0x1b: {  	s9 =	sadd.s32 $0xFFFFFEF7, lr;
	s5 =	simm.s32 $0xFFFFFFFF;
	p2 =	slt.u32 s8, $0xFFFFF086  }
0x1c: {  	p1 =	slt.u32 s9, $0xF7A;
	s5 =	simm.s32 @!p2 $0x0  }
0x1d: {  	s5 =	simm.s32 @p1 $0x1;
	p0 =	seq.s32 s7, s2  }
0x1e: {  	s7 =	smul.u32 @!p0 $0xF7A, s2;
	p2 =	seq.s32 @!p0 s5, $0x0  }
0x1f: {  	s9 =	smul.u32 $0xF7A, s1;
	s8 =	simm.s32 @!p0 $0x1BF5;
	p2 =	por !p2, p0  }
0x20: {  	[sflag:s8] =	ssyncset.s32 @!p0 $0xFFFFF086;
	s6 =	sadd.s32 @!p0 s3, s7;
	s7 =	simm.s32 @!p0 $0x108  }
0x21: {  	s3 =	sadd.s32 s3, s9;
	s6 =	sadd.s32 @!p0 $0x88, s6;
	s7 =	simm.s32 @p2 $0x1082  }
0x22: {  	[simem:s7], [sflag:s8] =	dma.local @!p0 [hbm:s6], $0xF7A  }
0x23: {  	s9 =	sor.u32 $0xD0000000, s2;
	s6 =	simm.s32 $0x108;
	_ =	swait.ge @!p0 [sflag:s8], $0x0  }
0x24: {  	s3 =	sadd.s32 $0x88, s3;
	s6 =	simm.s32 @!p1 $0x1082;
	[sflag:s4] =	ssyncset.s32 $0xFFFFF086  }
0x25: {  	[simem:s6], [sflag:s4] =	dma.local [hbm:s3], $0xF7A  }
0x26: {  	[smem:$0x3F9B] =	sst s1;
	(tag) =	ssettag s2;
	_ =	strace s9  }
0x27: {  	s1 =	sld [smem:$0x3FAB]  }
0x28: {  	s2 =	sld [smem:$0x3FAC]  }
0x29: {  	s4 =	sld [smem:$0x3FAE]  }
0x2a: {  	p0 =	seq.s32 s5, $0x0;
	s5 =	sld [smem:$0x3FAF]  }
0x2b: {  	s6 =	sld [smem:$0x3FB0]  }
0x2c: {  	s7 =	sld [smem:$0x3FB1]  }
0x2d: {  	s3 =	simm.s32 $0x108;
	s8 =	sld [smem:$0x3FB2]  }
0x2e: {  	s3 =	simm.s32 @!p0 $0x1082;
	s9 =	sld [smem:$0x3FB3]  }
0x2f: {  	lr =	sadd.s32 s0, s3;
	s0 =	sld [smem:$0x3FAA]  }
0x30: {  	s3 =	sld [smem:$0x3FAD]  }
0x31: {  	[smem:$0x3FB6] =	sst s10  }
0x32: {  	s10 =	sld [smem:$0x3FB4];
	_ =	sdelay $0x3  }
0x33: {  	p0 =	seq.s32 s10, $0x1;
	s10 =	sld [smem:$0x3FB6];
	_ =	sdelay $0x3  }
0x34: {  	[smem:$0x3FB6] =	sst s10  }
0x35: {  	s10 =	sld [smem:$0x3FB5];
	_ =	sdelay $0x3  }
0x36: {  	p1 =	seq.s32 s10, $0x1;
	s10 =	sld [smem:$0x3FB6];
	_ =	sdelay $0x3  }
0x37: {  	[smem:$0x3FB6] =	sst s10  }
0x38: {  	s10 =	sld [smem:$0x3FB7]  }
0x39: {  	_ = 	snop;
	(pc) =	sbr.ind lr, $3  }
0x3a: {  	_ = 	snop  }
0x3b: {  	_ = 	snop  }
0x3c: {  	p2 =	seq.s32 s10, $0x1;
	s10 =	sld [smem:$0x3FB6]  }
0x3d: {  	_ =	shalt  }
0x3e: {  	_ =	shalt  }
0x3f: {  	_ =	shalt  }
0x40: {  	_ =	shalt  }
0x41: {  	_ =	shalt  }
0x42: {  	_ =	shalt  }
0x43: {  	_ =	shalt  }
0x44: {  	_ =	shalt  }
0x45: {  	_ =	shalt  }
0x46: {  	_ =	shalt  }
0x47: {  	_ =	shalt  }
0x48: {  	_ =	shalt  }
0x49: {  	_ =	shalt  }
0x4a: {  	_ =	shalt  }
0x4b: {  	_ =	shalt  }
0x4c: {  	_ =	shalt  }
0x4d: {  	_ =	shalt  }
0x4e: {  	_ =	shalt  }
0x4f: {  	_ =	shalt  }
0x50: {  	_ =	shalt  }
0x51: {  	_ =	shalt  }
0x52: {  	_ =	shalt  }
0x53: {  	_ =	shalt  }
0x54: {  	_ =	shalt  }
0x55: {  	_ =	shalt  }
0x56: {  	_ =	shalt  }
0x57: {  	_ =	shalt  }
0x58: {  	_ =	shalt  }
0x59: {  	_ =	shalt  }
0x5a: {  	_ =	shalt  }
0x5b: {  	_ =	shalt  }
0x5c: {  	_ =	shalt  }
0x5d: {  	_ =	shalt  }
0x5e: {  	_ =	shalt  }
0x5f: {  	_ =	shalt  }
0x60: {  	_ =	shalt  }
0x61: {  	_ =	shalt  }
0x62: {  	_ =	shalt  }
0x63: {  	_ =	shalt  }
0x64: {  	_ =	shalt  }
0x65: {  	_ =	shalt  }
0x66: {  	_ =	shalt  }
0x67: {  	_ =	shalt  }
0x68: {  	_ =	shalt  }
0x69: {  	_ =	shalt  }
0x6a: {  	_ =	shalt  }
0x6b: {  	_ =	shalt  }
0x6c: {  	_ =	shalt  }
0x6d: {  	_ =	shalt  }
0x6e: {  	_ =	shalt  }
0x6f: {  	_ =	shalt  }
0x70: {  	_ =	shalt  }
0x71: {  	_ =	shalt  }
0x72: {  	_ =	shalt  }
0x73: {  	_ =	shalt  }
0x74: {  	_ =	shalt  }
0x75: {  	_ =	shalt  }
0x76: {  	_ =	shalt  }
0x77: {  	_ =	shalt  }
0x78: {  	_ =	shalt  }
0x79: {  	_ =	shalt  }
0x7a: {  	_ =	shalt  }
0x7b: {  	_ =	shalt  }
0x7c: {  	_ =	shalt  }
0x7d: {  	_ =	shalt  }
0x7e: {  	_ =	shalt  }
0x7f: {  	_ =	shalt  }
0x80: {  	_ =	shalt  }
0x81: {  	_ =	shalt  }
0x82: {  	_ =	shalt  }
0x83: {  	_ =	shalt  }
0x84: {  	_ =	shalt  }
0x85: {  	_ =	shalt  }
0x86: {  	_ =	shalt  }
0x87: {  	_ =	shalt  }
.Lfunc_end0:
.L_simem_size_0:
called_computation.1_lowered:
.L_overlay_start_0:
0x88: {  	s2 =	sld [smem:$0x3FD9]  }
0x89: {  	s3 =	sld [smem:$0x3FFE];
	_ =	sdelay $0x1  }
0x8a: {  	s1 =	srdreg.scid  }
0x8b: {  	s0 =	sand.u32 $0x1, s1  }
0x8c: {  	s17 =	sshll.u32 s0, $0xA;
	s2 =	sadd.s32 s3, s2  }
0x8d: {  	s2 =	sadd.s32 s2, s17  }
0x8e: {  	[smem:$0x3FC2] =	sst s2  }
0x8f: {  	_ = 	snop  }
0x90: {  	s2 =	sld [smem:$0x3FD0];
	(tm) =	ssettm $0x1  }
0x91: {  	s18 =	sld [smem:$0x3FFB];
	_ =	sdelay $0x3  }
0x92: {  	_ =	strace s18  }
0x93: {  	s3 =	sld [smem:$0x3FFC];
	_ =	sdelay $0x3  }
0x94: {  	_ =	strace s3  }
0x95: {  	s3 =	sld [smem:$0x3FFD];
	_ =	sdelay $0x3  }
0x96: {  	_ =	strace s3  }
0x97: {  	_ =	strace $0x8FFFFFFF  }
0x98: {  	s19 =	sld [smem:$0x3FDB];
	_ =	sdelay $0x1  }
0x99: {  	s4 =	simm.s32 $_scs_section_size  }
0x9a: {  	s5 =	simm.s32 $_size__tile_overlayer_lowered;
	s6 =	simm.s32 $_tile_overlayer_lowered  }
0x9b: {  	s22 =	simm.s32 $0x1BFF;
	s21 =	sshll.u32 s6, $0x1;
	s3 =	sadd.s32 s4, s19  }
0x9c: {  	s7 =	simm.s32 $0x0;
	s20 =	sshll.u32 s5, $0x1;
	s5 =	sadd.s32 s21, s3  }
0x9d: {  	[timem:s7], [sflag:s22] =	dma.local [hbm:s5], s20  }
0x9e: {  	_ =	swait.ge [sflag:s22], s20  }
0x9f: {  	s4 =	ssub.s32 $0x0, s20;
	[sflag:s22] =	ssyncset.done $0x0  }
0xa0: {  	[sflag:s22] =	ssyncadd.s32 s4;
	_ =	sdelay $0x1  }
0xa1: {  	s23 =	simm.s32 $0x1B8B  }
0xa2: {  	_ =	swait.ge [sflag:s23], $0x1  }
0xa3: {  	[sflag:s23] =	ssyncset.done $0x0  }
0xa4: {  	s25 =	simm.s32 $0x1B8E;
	s24 =	sld [smem:$0x3FFE];
	[sflag:s23] =	ssyncadd.s32 $0xFFFFFFFF  }
0xa5: {  	s26 =	simm.s32 $execute0_lowered;
	[smem:$0x3FD2] =	sst s25  }
0xa6: {  	s5 =	sshll.u32 s26, $0x1;
	_ =	strace $0x80000049;
	[dreg:$0x1] =	wrdreg $0xFFFFFFFF  }
0xa7: {  	s28 =	simm.s32 $_size_execute0_lowered;
	s3 =	sadd.s32 s3, s5;
	[dreg:$0x0] =	wrdreg $0x0  }
0xa8: {  	s5 =	sshll.u32 s28, $0x1;
	[dreg:$0x2] =	wrdreg s3  }
0xa9: {  	[dreg:$0x3] =	wrdreg s5  }
0xaa: {  	[dreg:$0x4] =	wrdreg $0xC0  }
0xab: {  	_ =	task [dreg:s7], $0x5FFFF  }
0xac: {  	[dreg:$0x1] =	wrdreg $0xFFFFFFFF  }
0xad: {  	[dreg:$0x0] =	wrdreg $0x60  }
0xae: {  	[dreg:$0x2] =	wrdreg s2  }
0xaf: {  	[dreg:$0x3] =	wrdreg s24  }
0xb0: {  	[dreg:$0x4] =	wrdreg $0x9E200  }
0xb1: {  	[dreg:$0x5] =	wrdreg $0xC5300  }
0xb2: {  	[dreg:$0x6] =	wrdreg $0x9  }
0xb3: {  	_ =	task.clear_ibuf [dreg:s7], $0x7FFFF;
	_ =	strace $0x90000049  }
0xb4: {  	s29 =	simm.s32 $0x9;
	_ =	strace $0x8000004B  }
0xb5: {  	_ =	swait.ge [sflag:s29], $0x1  }
0xb6: {  	[sflag:s29] =	ssyncadd.s32 $0xFFFFFFFF  }
0xb7: {  	_ =	strace $0x9000004B  }
0xb8: {  	_ =	sfence  }
0xb9: {  	s30 =	sld [smem:$0x0];
	_ =	sdelay $0x2  }
0xba: {  	s31 =	sshll.u32 s1, $0xD;
	s1 =	sshrl.u32 s1, $0x2  }
0xbb: {  	s3 =	sand.u32 $0x4000, s31;
	s1 =	sadd.s32 s1, s30  }
0xbc: {  	s0 =	sor.u32 s3, s0;
	s1 =	sshll.u32 s1, $0x11  }
0xbd: {  	s0 =	sor.u32 s1, s0  }
0xbe: {  	s0 =	sadd.s32 $0x8F2B, s0  }
0xbf: {  	[sflag:s0] =	ssyncadd.remote.s32 $0x1  }
0xc0: {  	_ =	sfence.sel $0xFFFF  }
0xc1: {  	[dreg:$0x0] =	wrdreg $0xFFFFFFFF;
	(pc) =	sbr.abs _section_cstart, $3  }
0xc2: {  	[dreg:$0x1] =	wrdreg $0xFFFFFFFF  }
0xc3: {  	_ =	task.clear_ibuf [dreg:s7], $0x2FFFF;
	_ =	strace $0x9FFFFFFF  }
0xc4: {  	(tm) =	ssettm $0x7FFFFFFF  }
0xc5: {  	_ =	shalt  }
tec
execute0_lowered:
.L_overlay_start_1:
0x0: {  	(tag) =	ssettag $0x1  }
0x1: {  	s1 =	rddreg [dreg:$0x0]  }
0x2: {  	s0 =	srdreg.scid;
	s5 =	rddreg [dreg:$0x1]  }
0x3: {  	s10 =	stileid.u32;
	s2 =	rddreg [dreg:$0x2];
	s17 =	simm.s32 $0x0  }
0x4: {  	s12 =	simm.s32 $0xB;
	s29 =	simm.s32 $0x6F40;
	s31 =	simm.s32 $0x7710  }
0x5: {  	s13 =	simm.s32 $0x2;
	s28 =	simm.s32 $0x4;
	s30 =	simm.s32 $0x9650  }
0x6: {  	s0 =	sand.u32 $0x1, s0;
	s7 =	smul.u32 $0x2800, s10;
	[smem:$0x7FF] =	sst s17  }
0x7: {  	s18 =	sadd.s32 $0xB600, s5;
	s21 =	smul.u32 $0xA000, s10;
	p0 =	seq.s32 s10, $0xF  }
0x8: {  	s26 =	sshll.u32 s10, $0x6;
	s3 =	sshll.u32 s0, $0x4;
	s8 =	smul.u32 $0x28000, s0  }
0x9: {  	s0 =	ssub.s32 $0x2, s0;
	s14 =	sor.u32 $0x1C0B, s26;
	s26 =	simm.s32 $0x6770  }
0xa: {  	s4 =	sor.u32 s10, s3;
	s3 =	rddreg [dreg:$0x3];
	_ =	strace $0x8000004A  }
0xb: {  	s9 =	sshrl.u32 s0, $0x1;
	[dreg:$0x5] =	wrdreg s18;
	s20 =	sshrl.u32 s7, $0x3  }
0xc: {  	s24 =	sshrl.u32 s21, $0x2;
	s21 =	simm.s32 $0x86B0;
	[dreg:$0xf] =	wrdreg s14  }
0xd: {  	s6 =	smul.u32 $0x500, s4;
	s8 =	sadd.s32 s7, s8;
	s23 =	sadd.s32 s1, s20  }
0xe: {  	s0 =	ssub.s32 s0, s9;
	s1 =	sadd.s32 $0x4B00, s1;
	[dreg:$0x8] =	wrdreg s23  }
0xf: {  	s9 =	simm.s32 $0x0;
	[dreg:$0x9] =	wrdreg s1;
	s1 =	sadd.s32 s24, s3  }
0x10: {  	s0 =	smax.u32 s0, $0x1;
	s24 =	simm.s32 $0x5FA0;
	s23 =	simm.s32 $0x3  }
0x11: {  	s6 =	sadd.s32 s6, s5;
	s5 =	sadd.s32 s8, s5;
	[dreg:$0xb] =	wrdreg s0  }
0x12: {  	s15 =	sshrl.u32 s1, $0x3;
	s1 =	simm.s32 $0x1;
	s8 =	simm.s32 $0xA  }
0x13: {  	s19 =	sadd.s32 $0x5B800, s6;
	s22 =	sadd.s32 $0x1600, s6;
	[dreg:$0x10] =	wrdreg s15  }
0x14: {  	s6 =	sadd.s32 s7, s2;
	s7 =	sadd.s32 $0x25800, s2;
	[dreg:$0x6] =	wrdreg s19  }
0x15: {  	s25 =	sadd.s32 $0x65800, s5;
	s5 =	simm.s32 $0x5;
	[dreg:$0x7] =	wrdreg s22  }
.Ltmp0:
0x16: {  	[dreg:$0xa] =	wrdreg s25;
	s0 =	sshrl.u32 @p0 s7, $0x3;
	(pc) =	sbr.rel .LBB2_1-.Ltmp0, $4  }
0x17: {  	s19 =	simm.s32 $0x7D;
	[dreg:$0xc] =	wrdreg s0;
	s0 =	sshll.u32 @!p0 s10, $0x6  }
0x18: {  	s22 =	simm.s32 $0x57D0;
	s25 =	simm.s32 $0x8E80;
	s0 =	sor.u32 @!p0 $0x1C0B, s0  }
0x19: {  	s7 =	simm.s32 $0x9;
	[dreg:$0xd] =	wrdreg s0;
	s0 =	sshrl.u32 @!p0 s6, $0x3  }
0x1a: {  	s6 =	simm.s32 $0x7;
	[dreg:$0xe] =	wrdreg s0;
	s0 =	simm.s32 $0x7EE0  }
.LBB2_4:
0x1b: {  	_ =	swait.ge [sflag:s8], $0x7D0  }
0x1c: {  	[sflag:s8] =	ssyncset.done $0x0  }
0x1d: {  	[sflag:s8] =	ssyncadd.s32 $0xFFFFF830  }
0x1e: {  	[spmem:s3] =	stream.indirect.scatter.add.f32 [tilespmem:s30], [sflag:$0xB], $0x10, s14, s19, $0xb8;
	[tilespmem:$0xED30] =	vst v63  }
0x1f: {  	_ =	swait.ge [sflag:s12], $0x7D0  }
0x20: {  	[sflag:s12] =	ssyncset.done $0x0  }
0x21: {  	[sflag:s12] =	ssyncadd.s32 $0xFFFFF830  }
0x22: {  	[bflag:$0x0] =	sbarrier.arrive $0xFFFF  }
0x23: {  	s4 =	rddreg [dreg:$0xa]  }
0x24: {  	s14 =	rddreg [dreg:$0xf]  }
0x25: {  	s9 =	simm.s32 $0x10;
	s15 =	rddreg [dreg:$0x10]  }
0x26: {  	[hbm:s4@s9], [sflag:s14] =	dma.strided [spmem:s15@s13], $0x500, s1, $0x2   }
0x27: {  	_ =	swait.ge [sflag:s12], $0x500  }
0x28: {  	s18 =	rddreg [dreg:$0x11]  }
0x29: {  	s20 =	rddreg [dreg:$0xb];
	s9 =	sadd.s32 $0x1, s18  }
0x2a: {  	p1 =	sne.s32 s9, s20  }
.Ltmp1:
0x2b: {  	_ = 	snop;
	(pc) =	sbr.rel @!p1 .LBB2_5-.Ltmp1, $3  }
0x2c: {  	_ =	sdelay $0x1  }
0x2d: {  	[sflag:s12] =	ssyncset.done $0x0  }
0x2e: {  	[sflag:s12] =	ssyncadd.s32 $0xFFFFFB00  }
.LBB2_1:
0x2f: {  	[dreg:$0x11] =	wrdreg s9  }
0x30: {  	s4 =	simm.s32 $0x0;
	s18 =	rddreg [dreg:$0x6]  }
0x31: {  	[tilespmem:s4], [sflag:$0xB] =	stream.linear.gather [hbm4b:s18+s4], $0x2800, $0x38;
	[tilespmem:$0xED30] =	vst v63  }
0x32: {  	_ =	swait.ge [sflag:s12], $0x2800  }
0x33: {  	[sflag:s12] =	ssyncset.done $0x0  }
0x34: {  	s10 =	simm.s32 $0x2800;
	s20 =	rddreg [dreg:$0x7];
	[sflag:s12] =	ssyncadd.s32 $0xFFFFD800  }
0x35: {  	[tilespmem:s10], [sflag:$0xB] =	stream.linear.gather [hbm4b:s20+s4], $0x2800, $0x38;
	[tilespmem:$0xED30] =	vst v63  }
0x36: {  	_ =	swait.ge [sflag:s12], $0x2800  }
0x37: {  	[sflag:s12] =	ssyncset.done $0x0;
	s9 =	rddreg [dreg:$0x9]  }
0x38: {  	s10 =	simm.s32 @p0 $0x1FCB;
	s11 =	rddreg [dreg:$0xc];
	[sflag:s12] =	ssyncadd.s32 $0xFFFFD800  }
0x39: {  	[spmem:s11], [sflag:s10] =	dma.local @p0 [hbm:s9], $0x320  }
0x3a: {  	s10 =	simm.s32 @p0 $0xB  }
0x3b: {  	_ =	swait.ge @p0 [sflag:s10], $0x320  }
0x3c: {  	s9 =	rddreg [dreg:$0x8]  }
0x3d: {  	[sflag:s10] =	ssyncset.done @p0 $0x0;
	s11 =	rddreg [dreg:$0xe]  }
0x3e: {  	[sflag:s10] =	ssyncadd.s32 @p0 $0xFFFFFCE0;
	s10 =	rddreg [dreg:$0xd]  }
0x3f: {  	[spmem:s11], [sflag:s10] =	dma.local @!p0 [hbm:s9], $0x500  }
0x40: {  	s10 =	simm.s32 @!p0 $0xB  }
0x41: {  	_ =	swait.ge @!p0 [sflag:s10], $0x500  }
0x42: {  	[sflag:s10] =	ssyncset.done @!p0 $0x0  }
0x43: {  	s11 =	rddreg [dreg:$0x5];
	[sflag:s10] =	ssyncadd.s32 @!p0 $0xFFFFFB00  }
0x44: {  	[spmem:s15], [sflag:s14] =	dma.local [hbm:s11], $0x500  }
0x45: {  	_ =	swait.ge [sflag:s12], $0x500  }
0x46: {  	[sflag:s12] =	ssyncset.done $0x0  }
0x47: {  	[sflag:s12] =	ssyncadd.s32 $0xFFFFFB00  }
0x48: {  	s14 =	simm.s32 $0x5000;
	[bflag:$0x0] =	sbarrier.arrive $0xFFFF  }
0x49: {  	[tilespmem:s14], [sflag:$0x1] =	stream.indirect.gather [spmem:s2], $0x10, s4, s19, $0xb8;
	[tilespmem:$0xED30] =	vst v63  }
0x4a: {  	s15 =	simm.s32 $0x80  }
0x4b: {  	[tilespmem:s22], [sflag:$0x2] =	stream.indirect.gather [spmem:s2], $0x10, s15, s19, $0xb8;
	[tilespmem:$0xED30] =	vst v63  }
0x4c: {  	s16 =	simm.s32 $0x100  }
0x4d: {  	[tilespmem:s24], [sflag:$0x3] =	stream.indirect.gather [spmem:s2], $0x10, s16, s19, $0xb8;
	[tilespmem:$0xED30] =	vst v63  }
0x4e: {  	s17 =	simm.s32 $0x180  }
0x4f: {  	[tilespmem:s26], [sflag:$0x4] =	stream.indirect.gather [spmem:s2], $0x10, s17, s19, $0xb8;
	[tilespmem:$0xED30] =	vst v63  }
0x50: {  	s18 =	simm.s32 $0x200  }
0x51: {  	[tilespmem:s29], [sflag:$0x5] =	stream.indirect.gather [spmem:s2], $0x10, s18, s19, $0xb8;
	[tilespmem:$0xED30] =	vst v63  }
0x52: {  	s20 =	simm.s32 $0x280;
	s10 =	simm.s32 $0x0  }
0x53: {  	[tilespmem:s31], [sflag:$0x6] =	stream.indirect.gather [spmem:s2], $0x10, s20, s19, $0xb8;
	[tilespmem:$0xED30] =	vst v63  }
.LBB2_2:
0x54: {  	_ =	swait.ge [sflag:s1], $0x7D0  }
0x55: {  	s11 =	sshra.s32 s10, $0x2;
	[sflag:s1] =	ssyncset.done $0x0  }
0x56: {  	s4 =	simm.s32 $0x5000;
	s14 =	sadd.s32 $0x2800, s11;
	[sflag:s1] =	ssyncadd.s32 $0xFFFFF830  }
0x57: {  	[spmem:s3] =	stream.indirect.scatter.add.f32 [tilespmem:s4], [sflag:$0xB], $0x10, s14, s19, $0xb8;
	[tilespmem:$0xED30] =	vst v63  }
0x58: {  	_ =	swait.ge [sflag:s12], $0x7D0  }
0x59: {  	[sflag:s12] =	ssyncset.done $0x0  }
0x5a: {  	s18 =	sadd.s32 $0x300, s11;
	[sflag:s12] =	ssyncadd.s32 $0xFFFFF830  }
0x5b: {  	[tilespmem:s0], [sflag:$0x7] =	stream.indirect.gather [spmem:s2], $0x10, s18, s19, $0xb8;
	[tilespmem:$0xED30] =	vst v63  }
0x5c: {  	_ =	swait.ge [sflag:s13], $0x7D0  }
0x5d: {  	[sflag:s13] =	ssyncset.done $0x0  }
0x5e: {  	s20 =	sadd.s32 $0x2880, s11;
	[sflag:s13] =	ssyncadd.s32 $0xFFFFF830  }
0x5f: {  	[spmem:s3] =	stream.indirect.scatter.add.f32 [tilespmem:s22], [sflag:$0xB], $0x10, s20, s19, $0xb8;
	[tilespmem:$0xED30] =	vst v63  }
0x60: {  	_ =	swait.ge [sflag:s12], $0x7D0  }
0x61: {  	[sflag:s12] =	ssyncset.done $0x0  }
0x62: {  	s4 =	sadd.s32 $0x380, s11;
	[sflag:s12] =	ssyncadd.s32 $0xFFFFF830  }
0x63: {  	[tilespmem:s21], [sflag:$0x8] =	stream.indirect.gather [spmem:s2], $0x10, s4, s19, $0xb8;
	[tilespmem:$0xED30] =	vst v63  }
0x64: {  	_ =	swait.ge [sflag:s23], $0x7D0  }
0x65: {  	[sflag:s23] =	ssyncset.done $0x0  }
0x66: {  	s9 =	sadd.s32 $0x2900, s11;
	[sflag:s23] =	ssyncadd.s32 $0xFFFFF830  }
0x67: {  	[spmem:s3] =	stream.indirect.scatter.add.f32 [tilespmem:s24], [sflag:$0xB], $0x10, s9, s19, $0xb8;
	[tilespmem:$0xED30] =	vst v63  }
0x68: {  	_ =	swait.ge [sflag:s12], $0x7D0  }
0x69: {  	[sflag:s12] =	ssyncset.done $0x0  }
0x6a: {  	s15 =	sadd.s32 $0x400, s11;
	[sflag:s12] =	ssyncadd.s32 $0xFFFFF830  }
0x6b: {  	[tilespmem:s25], [sflag:$0x9] =	stream.indirect.gather [spmem:s2], $0x10, s15, s19, $0xb8;
	[tilespmem:$0xED30] =	vst v63  }
0x6c: {  	_ =	swait.ge [sflag:s28], $0x7D0  }
0x6d: {  	[sflag:s28] =	ssyncset.done $0x0  }
0x6e: {  	s16 =	sadd.s32 $0x2980, s11;
	[sflag:s28] =	ssyncadd.s32 $0xFFFFF830  }
0x6f: {  	[spmem:s3] =	stream.indirect.scatter.add.f32 [tilespmem:s26], [sflag:$0xB], $0x10, s16, s19, $0xb8;
	[tilespmem:$0xED30] =	vst v63  }
0x70: {  	_ =	swait.ge [sflag:s12], $0x7D0  }
0x71: {  	[sflag:s12] =	ssyncset.done $0x0  }
0x72: {  	s17 =	sadd.s32 $0x480, s11;
	[sflag:s12] =	ssyncadd.s32 $0xFFFFF830  }
0x73: {  	[tilespmem:s30], [sflag:$0xA] =	stream.indirect.gather [spmem:s2], $0x10, s17, s19, $0xb8;
	[tilespmem:$0xED30] =	vst v63  }
0x74: {  	_ =	swait.ge [sflag:s5], $0x7D0  }
0x75: {  	[sflag:s5] =	ssyncset.done $0x0  }
0x76: {  	s18 =	sadd.s32 $0x2A00, s11;
	[sflag:s5] =	ssyncadd.s32 $0xFFFFF830  }
0x77: {  	[spmem:s3] =	stream.indirect.scatter.add.f32 [tilespmem:s29], [sflag:$0xB], $0x10, s18, s19, $0xb8;
	[tilespmem:$0xED30] =	vst v63  }
0x78: {  	_ =	swait.ge [sflag:s12], $0x7D0  }
0x79: {  	p1 =	seq.s32 s10, $0x8C00;
	[sflag:s12] =	ssyncset.done $0x0  }
0x7a: {  	s14 =	simm.s32 @p1 $0x6;
	[sflag:s12] =	ssyncadd.s32 $0xFFFFF830  }
0x7b: {  	_ =	swait.ge @p1 [sflag:s14], $0x7D0  }
0x7c: {  	[sflag:s14] =	ssyncset.done @p1 $0x0  }
0x7d: {  	[sflag:s14] =	ssyncadd.s32 @p1 $0xFFFFF830;
	s14 =	sshra.s32 @p1 s10, $0x2  }
0x7e: {  	s4 =	simm.s32 @p1 $0x7710;
	s16 =	simm.s32 @p1 $0x7D;
	s15 =	sadd.s32 @p1 $0x2A80, s14  }
0x7f: {  	[spmem:s3] =	stream.indirect.scatter.add.f32 @p1 [tilespmem:s4], [sflag:$0xB], $0x10, s15, s16, $0xb8;
	[tilespmem:$0xED30] =	vst v63  }
0x80: {  	s4 =	simm.s32 @p1 $0xB  }
0x81: {  	_ =	swait.ge @p1 [sflag:s4], $0x7D0  }
0x82: {  	s9 =	simm.s32 @!p1 $0x5000;
	s15 =	sshra.s32 @!p1 s10, $0x2;
	[sflag:s4] =	ssyncset.done @p1 $0x0  }
0x83: {  	s18 =	simm.s32 @!p1 $0x7D;
	s17 =	sadd.s32 @!p1 $0x500, s15;
	[sflag:s4] =	ssyncadd.s32 @p1 $0xFFFFF830  }
0x84: {  	[tilespmem:s9], [sflag:$0x1] =	stream.indirect.gather @!p1 [spmem:s2], $0x10, s17, s18, $0xb8;
	[tilespmem:$0xED30] =	vst v63  }
0x85: {  	s9 =	simm.s32 @!p1 $0x6  }
0x86: {  	_ =	swait.ge @!p1 [sflag:s9], $0x7D0  }
0x87: {  	[sflag:s9] =	ssyncset.done @!p1 $0x0  }
0x88: {  	s17 =	simm.s32 @!p1 $0x7710;
	[sflag:s9] =	ssyncadd.s32 @!p1 $0xFFFFF830;
	s9 =	sadd.s32 @!p1 $0x2A80, s15  }
0x89: {  	[spmem:s3] =	stream.indirect.scatter.add.f32 @!p1 [tilespmem:s17], [sflag:$0xB], $0x10, s9, s18, $0xb8;
	[tilespmem:$0xED30] =	vst v63  }
0x8a: {  	s9 =	simm.s32 @!p1 $0xB  }
0x8b: {  	_ =	swait.ge @!p1 [sflag:s9], $0x7D0  }
0x8c: {  	[sflag:s9] =	ssyncset.done @!p1 $0x0  }
0x8d: {  	s20 =	simm.s32 @!p1 $0x57D0;
	s17 =	sadd.s32 @!p1 $0x580, s15;
	[sflag:s9] =	ssyncadd.s32 @!p1 $0xFFFFF830  }
0x8e: {  	[tilespmem:s20], [sflag:$0x2] =	stream.indirect.gather @!p1 [spmem:s2], $0x10, s17, s18, $0xb8;
	[tilespmem:$0xED30] =	vst v63  }
0x8f: {  	_ =	swait.ge [sflag:s6], $0x7D0  }
0x90: {  	[sflag:s6] =	ssyncset.done $0x0  }
0x91: {  	s20 =	sadd.s32 $0x2B00, s11;
	[sflag:s6] =	ssyncadd.s32 $0xFFFFF830  }
0x92: {  	[spmem:s3] =	stream.indirect.scatter.add.f32 [tilespmem:s0], [sflag:$0xB], $0x10, s20, s19, $0xb8;
	[tilespmem:$0xED30] =	vst v63  }
0x93: {  	_ =	swait.ge [sflag:s12], $0x7D0  }
0x94: {  	[sflag:s12] =	ssyncset.done $0x0  }
0x95: {  	s17 =	simm.s32 @p1 $0x8;
	[sflag:s12] =	ssyncadd.s32 $0xFFFFF830  }
0x96: {  	_ =	swait.ge @p1 [sflag:s17], $0x7D0  }
0x97: {  	[sflag:s17] =	ssyncset.done @p1 $0x0  }
0x98: {  	s14 =	sadd.s32 @p1 $0x2B80, s14;
	[sflag:s17] =	ssyncadd.s32 @p1 $0xFFFFF830;
	s17 =	simm.s32 @p1 $0x86B0  }
0x99: {  	[spmem:s3] =	stream.indirect.scatter.add.f32 @p1 [tilespmem:s17], [sflag:$0xB], $0x10, s14, s16, $0xb8;
	[tilespmem:$0xED30] =	vst v63  }
0x9a: {  	_ =	swait.ge @p1 [sflag:s4], $0x7D0  }
0x9b: {  	[sflag:s4] =	ssyncset.done @p1 $0x0  }
0x9c: {  	s14 =	simm.s32 @!p1 $0x5FA0;
	[sflag:s4] =	ssyncadd.s32 @p1 $0xFFFFF830;
	s4 =	sadd.s32 @!p1 $0x600, s15  }
0x9d: {  	[tilespmem:s14], [sflag:$0x3] =	stream.indirect.gather @!p1 [spmem:s2], $0x10, s4, s18, $0xb8;
	[tilespmem:$0xED30] =	vst v63  }
0x9e: {  	s4 =	simm.s32 @!p1 $0x8  }
0x9f: {  	_ =	swait.ge @!p1 [sflag:s4], $0x7D0  }
0xa0: {  	[sflag:s4] =	ssyncset.done @!p1 $0x0  }
0xa1: {  	s14 =	simm.s32 @!p1 $0x86B0;
	[sflag:s4] =	ssyncadd.s32 @!p1 $0xFFFFF830;
	s4 =	sadd.s32 @!p1 $0x2B80, s15  }
0xa2: {  	[spmem:s3] =	stream.indirect.scatter.add.f32 @!p1 [tilespmem:s14], [sflag:$0xB], $0x10, s4, s18, $0xb8;
	[tilespmem:$0xED30] =	vst v63  }
0xa3: {  	_ =	swait.ge @!p1 [sflag:s9], $0x7D0  }
0xa4: {  	[sflag:s9] =	ssyncset.done @!p1 $0x0  }
0xa5: {  	s4 =	sadd.s32 @!p1 $0x680, s15;
	[sflag:s9] =	ssyncadd.s32 @!p1 $0xFFFFF830;
	s9 =	simm.s32 @!p1 $0x6770  }
0xa6: {  	[tilespmem:s9], [sflag:$0x4] =	stream.indirect.gather @!p1 [spmem:s2], $0x10, s4, s18, $0xb8;
	[tilespmem:$0xED30] =	vst v63  }
0xa7: {  	_ =	swait.ge [sflag:s7], $0x7D0  }
0xa8: {  	[sflag:s7] =	ssyncset.done $0x0  }
.Ltmp2:
0xa9: {  	s20 =	sadd.s32 $0x2C00, s11;
	[sflag:s7] =	ssyncadd.s32 $0xFFFFF830;
	(pc) =	sbr.rel @p1 .LBB2_4-.Ltmp2, $4  }
0xaa: {  	[spmem:s3] =	stream.indirect.scatter.add.f32 [tilespmem:s25], [sflag:$0xB], $0x10, s20, s19, $0xb8;
	[tilespmem:$0xED30] =	vst v63  }
0xab: {  	_ =	swait.ge [sflag:s12], $0x7D0  }
0xac: {  	[sflag:s12] =	ssyncset.done $0x0  }
0xad: {  	s14 =	sadd.s32 $0x2C80, s11;
	[sflag:s12] =	ssyncadd.s32 $0xFFFFF830  }
0xae: {  	s4 =	sadd.s32 $0x700, s11  }
0xaf: {  	[tilespmem:s29], [sflag:$0x5] =	stream.indirect.gather [spmem:s2], $0x10, s4, s19, $0xb8;
	[tilespmem:$0xED30] =	vst v63  }
0xb0: {  	_ =	swait.ge [sflag:s8], $0x7D0  }
0xb1: {  	[sflag:s8] =	ssyncset.done $0x0  }
0xb2: {  	[sflag:s8] =	ssyncadd.s32 $0xFFFFF830  }
0xb3: {  	[spmem:s3] =	stream.indirect.scatter.add.f32 [tilespmem:s30], [sflag:$0xB], $0x10, s14, s19, $0xb8;
	[tilespmem:$0xED30] =	vst v63  }
.Ltmp3:
0xb4: {  	_ = 	snop;
	(pc) =	sbr.rel .LBB2_2-.Ltmp3, $4  }
0xb5: {  	_ =	swait.ge [sflag:s12], $0x7D0  }
0xb6: {  	[sflag:s12] =	ssyncset.done $0x0  }
0xb7: {  	s20 =	sadd.s32 $0x780, s11;
	s10 =	sadd.s32 $0x1400, s10;
	[sflag:s12] =	ssyncadd.s32 $0xFFFFF830  }
0xb8: {  	[tilespmem:s31], [sflag:$0x6] =	stream.indirect.gather [spmem:s2], $0x10, s20, s19, $0xb8;
	[tilespmem:$0xED30] =	vst v63  }
.LBB2_5:
0xb9: {  	_ =	sfence.sel $0x180000  }
0xba: {  	[bflag:$0x0] =	sbarrier.arrive $0xFFFF  }
0xbb: {  	_ =	strace $0x9000004A  }
0xbc: {  	s0 =	stileid.u32;
	[bflag:$0x2] =	sbarrier.arrive $0xFFFF  }
0xbd: {  	p0 =	sne.s32 s0, $0x0;
	s0 =	rddreg [dreg:$0x4]  }
0xbe: {  	s0 =	sadd.s32 @!p0 $0x100000, s0  }
0xbf: {  	[sflag:s0] =	ssyncadd.tile.s32 @!p0 $0x1;
	_ =	shalt  }
.Lfunc_end2:
_tile_overlayer_lowered:
.L_overlay_start_2:
0xc0: {  	(tag) =	ssettag $0x2  }
0xc1: {  	s0 =	rddreg [dreg:$0x0];
	s2 =	stileid.u32  }
0xc2: {  	s1 =	rddreg [dreg:$0x1];
	p0 =	sne.s32 s2, $0x0  }
0xc3: {  	s3 =	rddreg [dreg:$0x2];
	[bflag:$0x3] =	sbarrier.arrive $0xFFFF;
	s2 =	simm.s32 @!p0 $0x1C0B  }
0xc4: {  	[timem:s3], [sflag:s2] =	dma.local @!p0 [hbm:s0], s1  }
0xc5: {  	s0 =	simm.s32 @!p0 $0xB  }
0xc6: {  	_ =	swait.ge @!p0 [sflag:s0], s1  }
0xc7: {  	s1 =	ssub.s32 @!p0 $0x0, s1;
	[sflag:s0] =	ssyncset.done @!p0 $0x0  }
0xc8: {  	[sflag:s0] =	ssyncadd.s32 @!p0 s1  }
0xc9: {  	[bflag:$0x3] =	sbarrier.arrive $0xFFFF  }
0xca: {  	_ =	shalt  }

// kernel: kernel.15.cloned.1.call-start
scs
__scs_entry_jumppad:
0x0: {  	(pc) =	sbr.rel $0x88, $3  }
0x1: {  	(tag) =	ssettag $0x0;
	lr =	simm.s32 $0x1  }
0x2: {  	[smem:$0x3F9B] =	sst lr;
	_ =	strace $0xD0000000  }
0x3: {  	_ = 	snop  }
0x4: {  	_ = 	snop  }
0x5: {  	_ = 	snop  }
0x6: {  	_ = 	snop  }
0x7: {  	_ = 	snop  }
__scs_overlays_trampoline_lowered:
0x8: {  	[smem:$0x3FAA] =	sst s0  }
0x9: {  	[smem:$0x3FAB] =	sst s1  }
0xa: {  	[smem:$0x3FAC] =	sst s2  }
0xb: {  	[smem:$0x3FAD] =	sst s3  }
0xc: {  	[smem:$0x3FAE] =	sst s4  }
0xd: {  	[smem:$0x3FAF] =	sst s5  }
0xe: {  	[smem:$0x3FB0] =	sst s6  }
0xf: {  	[smem:$0x3FB1] =	sst s7  }
0x10: {  	[smem:$0x3FB2] =	sst s8  }
0x11: {  	[smem:$0x3FB3] =	sst s9;
	s0 =	simm.s32 @!p0 $0x0  }
0x12: {  	s1 =	sld [smem:$0x3F99];
	s0 =	simm.s32 @p0 $0x1  }
0x13: {  	[smem:$0x3FB4] =	sst s0;
	s0 =	simm.s32 @!p1 $0x0  }
0x14: {  	s2 =	sld [smem:$0x3F98];
	s0 =	simm.s32 @p1 $0x1  }
0x15: {  	[smem:$0x3FB5] =	sst s0;
	s0 =	simm.s32 @!p2 $0x0  }
0x16: {  	s3 =	sld [smem:$0x3FDB];
	s0 =	simm.s32 @p2 $0x1  }
0x17: {  	s4 =	simm.s32 $0x1BF5;
	[smem:$0x3FB7] =	sst s0  }
0x18: {  	s0 =	sld [smem:$0x3F9A];
	_ =	swait.ge [sflag:s4], $0x0  }
0x19: {  	s7 =	sld [smem:$0x3F9B]  }
0x1a: {  	s8 =	sadd.s32 $0xFFFFE003, lr  }
0x1b: {  	s9 =	sadd.s32 $0xFFFFFEF7, lr;
	s5 =	simm.s32 $0xFFFFFFFF;
	p2 =	slt.u32 s8, $0xFFFFF086  }
0x1c: {  	p1 =	slt.u32 s9, $0xF7A;
	s5 =	simm.s32 @!p2 $0x0  }
0x1d: {  	s5 =	simm.s32 @p1 $0x1;
	p0 =	seq.s32 s7, s2  }
0x1e: {  	s7 =	smul.u32 @!p0 $0xF7A, s2;
	p2 =	seq.s32 @!p0 s5, $0x0  }
0x1f: {  	s9 =	smul.u32 $0xF7A, s1;
	s8 =	simm.s32 @!p0 $0x1BF5;
	p2 =	por !p2, p0  }
0x20: {  	[sflag:s8] =	ssyncset.s32 @!p0 $0xFFFFF086;
	s6 =	sadd.s32 @!p0 s3, s7;
	s7 =	simm.s32 @!p0 $0x108  }
0x21: {  	s3 =	sadd.s32 s3, s9;
	s6 =	sadd.s32 @!p0 $0x88, s6;
	s7 =	simm.s32 @p2 $0x1082  }
0x22: {  	[simem:s7], [sflag:s8] =	dma.local @!p0 [hbm:s6], $0xF7A  }
0x23: {  	s9 =	sor.u32 $0xD0000000, s2;
	s6 =	simm.s32 $0x108;
	_ =	swait.ge @!p0 [sflag:s8], $0x0  }
0x24: {  	s3 =	sadd.s32 $0x88, s3;
	s6 =	simm.s32 @!p1 $0x1082;
	[sflag:s4] =	ssyncset.s32 $0xFFFFF086  }
0x25: {  	[simem:s6], [sflag:s4] =	dma.local [hbm:s3], $0xF7A  }
0x26: {  	[smem:$0x3F9B] =	sst s1;
	(tag) =	ssettag s2;
	_ =	strace s9  }
0x27: {  	s1 =	sld [smem:$0x3FAB]  }
0x28: {  	s2 =	sld [smem:$0x3FAC]  }
0x29: {  	s4 =	sld [smem:$0x3FAE]  }
0x2a: {  	p0 =	seq.s32 s5, $0x0;
	s5 =	sld [smem:$0x3FAF]  }
0x2b: {  	s6 =	sld [smem:$0x3FB0]  }
0x2c: {  	s7 =	sld [smem:$0x3FB1]  }
0x2d: {  	s3 =	simm.s32 $0x108;
	s8 =	sld [smem:$0x3FB2]  }
0x2e: {  	s3 =	simm.s32 @!p0 $0x1082;
	s9 =	sld [smem:$0x3FB3]  }
0x2f: {  	lr =	sadd.s32 s0, s3;
	s0 =	sld [smem:$0x3FAA]  }
0x30: {  	s3 =	sld [smem:$0x3FAD]  }
0x31: {  	[smem:$0x3FB6] =	sst s10  }
0x32: {  	s10 =	sld [smem:$0x3FB4];
	_ =	sdelay $0x3  }
0x33: {  	p0 =	seq.s32 s10, $0x1;
	s10 =	sld [smem:$0x3FB6];
	_ =	sdelay $0x3  }
0x34: {  	[smem:$0x3FB6] =	sst s10  }
0x35: {  	s10 =	sld [smem:$0x3FB5];
	_ =	sdelay $0x3  }
0x36: {  	p1 =	seq.s32 s10, $0x1;
	s10 =	sld [smem:$0x3FB6];
	_ =	sdelay $0x3  }
0x37: {  	[smem:$0x3FB6] =	sst s10  }
0x38: {  	s10 =	sld [smem:$0x3FB7]  }
0x39: {  	_ = 	snop;
	(pc) =	sbr.ind lr, $3  }
0x3a: {  	_ = 	snop  }
0x3b: {  	_ = 	snop  }
0x3c: {  	p2 =	seq.s32 s10, $0x1;
	s10 =	sld [smem:$0x3FB6]  }
0x3d: {  	_ =	shalt  }
0x3e: {  	_ =	shalt  }
0x3f: {  	_ =	shalt  }
0x40: {  	_ =	shalt  }
0x41: {  	_ =	shalt  }
0x42: {  	_ =	shalt  }
0x43: {  	_ =	shalt  }
0x44: {  	_ =	shalt  }
0x45: {  	_ =	shalt  }
0x46: {  	_ =	shalt  }
0x47: {  	_ =	shalt  }
0x48: {  	_ =	shalt  }
0x49: {  	_ =	shalt  }
0x4a: {  	_ =	shalt  }
0x4b: {  	_ =	shalt  }
0x4c: {  	_ =	shalt  }
0x4d: {  	_ =	shalt  }
0x4e: {  	_ =	shalt  }
0x4f: {  	_ =	shalt  }
0x50: {  	_ =	shalt  }
0x51: {  	_ =	shalt  }
0x52: {  	_ =	shalt  }
0x53: {  	_ =	shalt  }
0x54: {  	_ =	shalt  }
0x55: {  	_ =	shalt  }
0x56: {  	_ =	shalt  }
0x57: {  	_ =	shalt  }
0x58: {  	_ =	shalt  }
0x59: {  	_ =	shalt  }
0x5a: {  	_ =	shalt  }
0x5b: {  	_ =	shalt  }
0x5c: {  	_ =	shalt  }
0x5d: {  	_ =	shalt  }
0x5e: {  	_ =	shalt  }
0x5f: {  	_ =	shalt  }
0x60: {  	_ =	shalt  }
0x61: {  	_ =	shalt  }
0x62: {  	_ =	shalt  }
0x63: {  	_ =	shalt  }
0x64: {  	_ =	shalt  }
0x65: {  	_ =	shalt  }
0x66: {  	_ =	shalt  }
0x67: {  	_ =	shalt  }
0x68: {  	_ =	shalt  }
0x69: {  	_ =	shalt  }
0x6a: {  	_ =	shalt  }
0x6b: {  	_ =	shalt  }
0x6c: {  	_ =	shalt  }
0x6d: {  	_ =	shalt  }
0x6e: {  	_ =	shalt  }
0x6f: {  	_ =	shalt  }
0x70: {  	_ =	shalt  }
0x71: {  	_ =	shalt  }
0x72: {  	_ =	shalt  }
0x73: {  	_ =	shalt  }
0x74: {  	_ =	shalt  }
0x75: {  	_ =	shalt  }
0x76: {  	_ =	shalt  }
0x77: {  	_ =	shalt  }
0x78: {  	_ =	shalt  }
0x79: {  	_ =	shalt  }
0x7a: {  	_ =	shalt  }
0x7b: {  	_ =	shalt  }
0x7c: {  	_ =	shalt  }
0x7d: {  	_ =	shalt  }
0x7e: {  	_ =	shalt  }
0x7f: {  	_ =	shalt  }
0x80: {  	_ =	shalt  }
0x81: {  	_ =	shalt  }
0x82: {  	_ =	shalt  }
0x83: {  	_ =	shalt  }
0x84: {  	_ =	shalt  }
0x85: {  	_ =	shalt  }
0x86: {  	_ =	shalt  }
0x87: {  	_ =	shalt  }
.Lfunc_end0:
.L_simem_size_0:
called_computation.2_lowered:
.L_overlay_start_0:
0x88: {  	s2 =	sld [smem:$0x3FD9]  }
0x89: {  	s3 =	sld [smem:$0x3FFE];
	_ =	sdelay $0x1  }
0x8a: {  	s1 =	srdreg.scid  }
0x8b: {  	s0 =	sand.u32 $0x1, s1  }
0x8c: {  	s17 =	sshll.u32 s0, $0xA;
	s2 =	sadd.s32 s3, s2  }
0x8d: {  	s2 =	sadd.s32 s2, s17  }
0x8e: {  	[smem:$0x3FC2] =	sst s2  }
0x8f: {  	_ = 	snop  }
0x90: {  	s2 =	sld [smem:$0x3FD0];
	(tm) =	ssettm $0x1  }
0x91: {  	s18 =	sld [smem:$0x3FFB];
	_ =	sdelay $0x3  }
0x92: {  	_ =	strace s18  }
0x93: {  	s3 =	sld [smem:$0x3FFC];
	_ =	sdelay $0x3  }
0x94: {  	_ =	strace s3  }
0x95: {  	s3 =	sld [smem:$0x3FFD];
	_ =	sdelay $0x3  }
0x96: {  	_ =	strace s3  }
0x97: {  	_ =	strace $0x8FFFFFFF  }
0x98: {  	s19 =	sld [smem:$0x3FDB];
	_ =	sdelay $0x1  }
0x99: {  	s4 =	simm.s32 $_scs_section_size  }
0x9a: {  	s5 =	simm.s32 $_size__tile_overlayer_lowered;
	s6 =	simm.s32 $_tile_overlayer_lowered  }
0x9b: {  	s22 =	simm.s32 $0x1BFF;
	s21 =	sshll.u32 s6, $0x1;
	s3 =	sadd.s32 s4, s19  }
0x9c: {  	s7 =	simm.s32 $0x0;
	s20 =	sshll.u32 s5, $0x1;
	s5 =	sadd.s32 s21, s3  }
0x9d: {  	[timem:s7], [sflag:s22] =	dma.local [hbm:s5], s20  }
0x9e: {  	_ =	swait.ge [sflag:s22], s20  }
0x9f: {  	s4 =	ssub.s32 $0x0, s20;
	[sflag:s22] =	ssyncset.done $0x0  }
0xa0: {  	[sflag:s22] =	ssyncadd.s32 s4;
	_ =	sdelay $0x1  }
0xa1: {  	s23 =	simm.s32 $0x1B8B  }
0xa2: {  	_ =	swait.ge [sflag:s23], $0x1  }
0xa3: {  	[sflag:s23] =	ssyncset.done $0x0  }
0xa4: {  	s25 =	simm.s32 $0x1B8E;
	s24 =	sld [smem:$0x3FFE];
	[sflag:s23] =	ssyncadd.s32 $0xFFFFFFFF  }
0xa5: {  	s26 =	simm.s32 $execute0_lowered;
	[smem:$0x3FD2] =	sst s25  }
0xa6: {  	s5 =	sshll.u32 s26, $0x1;
	_ =	strace $0x8000004C;
	[dreg:$0x1] =	wrdreg $0xFFFFFFFF  }
0xa7: {  	s28 =	simm.s32 $_size_execute0_lowered;
	s3 =	sadd.s32 s3, s5;
	[dreg:$0x0] =	wrdreg $0x0  }
0xa8: {  	s5 =	sshll.u32 s28, $0x1;
	[dreg:$0x2] =	wrdreg s3  }
0xa9: {  	[dreg:$0x3] =	wrdreg s5  }
0xaa: {  	[dreg:$0x4] =	wrdreg $0xC0  }
0xab: {  	_ =	task [dreg:s7], $0x5FFFF  }
0xac: {  	[dreg:$0x1] =	wrdreg $0xFFFFFFFF  }
0xad: {  	[dreg:$0x0] =	wrdreg $0x60  }
0xae: {  	[dreg:$0x2] =	wrdreg s2  }
0xaf: {  	[dreg:$0x3] =	wrdreg s24  }
0xb0: {  	[dreg:$0x4] =	wrdreg $0x113500  }
0xb1: {  	[dreg:$0x5] =	wrdreg $0x9  }
0xb2: {  	_ =	task.clear_ibuf [dreg:s7], $0x6FFFF;
	_ =	strace $0x9000004C  }
0xb3: {  	s29 =	simm.s32 $0x9;
	_ =	strace $0x8000004E  }
0xb4: {  	_ =	swait.ge [sflag:s29], $0x1  }
0xb5: {  	[sflag:s29] =	ssyncadd.s32 $0xFFFFFFFF  }
0xb6: {  	_ =	strace $0x9000004E  }
0xb7: {  	_ =	sfence  }
0xb8: {  	s30 =	sld [smem:$0x0];
	_ =	sdelay $0x2  }
0xb9: {  	s31 =	sshll.u32 s1, $0xD;
	s1 =	sshrl.u32 s1, $0x2  }
0xba: {  	s3 =	sand.u32 $0x4000, s31;
	s1 =	sadd.s32 s1, s30  }
0xbb: {  	s0 =	sor.u32 s3, s0;
	s1 =	sshll.u32 s1, $0x11  }
0xbc: {  	s0 =	sor.u32 s1, s0  }
0xbd: {  	s0 =	sadd.s32 $0x8F2B, s0  }
0xbe: {  	[sflag:s0] =	ssyncadd.remote.s32 $0x1  }
0xbf: {  	_ =	sfence.sel $0xFFFF  }
0xc0: {  	[dreg:$0x0] =	wrdreg $0xFFFFFFFF;
	(pc) =	sbr.abs _section_cstart, $3  }
0xc1: {  	[dreg:$0x1] =	wrdreg $0xFFFFFFFF  }
0xc2: {  	_ =	task.clear_ibuf [dreg:s7], $0x2FFFF;
	_ =	strace $0x9FFFFFFF  }
0xc3: {  	(tm) =	ssettm $0x7FFFFFFF  }
tec
execute0_lowered:
.L_overlay_start_1:
0x0: {  	(tag) =	ssettag $0x1  }
0x1: {  	s1 =	rddreg [dreg:$0x0]  }
0x2: {  	s0 =	srdreg.scid;
	s2 =	rddreg [dreg:$0x1]  }
0x3: {  	s9 =	stileid.u32;
	s3 =	rddreg [dreg:$0x2]  }
0x4: {  	s19 =	simm.s32 $0x0;
	s10 =	simm.s32 $0xB;
	s14 =	simm.s32 $0x7D  }
0x5: {  	s17 =	simm.s32 $0x6388;
	s28 =	simm.s32 $0xC530;
	s29 =	simm.s32 $0x2  }
0x6: {  	s30 =	simm.s32 $0xD8B8;
	s31 =	simm.s32 $0x3;
	s11 =	simm.s32 $0xFFC8  }
0x7: {  	s16 =	simm.s32 $0x5;
	s18 =	simm.s32 $0x7;
	s6 =	smul.u32 $0x2800, s9  }
0x8: {  	s0 =	sand.u32 $0x1, s0;
	[smem:$0x7FF] =	sst s19;
	s8 =	smul.u32 $0x19000, s9  }
0x9: {  	s20 =	sadd.s32 $0xB600, s2;
	s26 =	sshll.u32 s9, $0x6;
	s19 =	simm.s32 $0x7710  }
0xa: {  	s4 =	sshll.u32 s0, $0x4;
	_ =	strace $0x8000004D;
	s7 =	smul.u32 $0x28000, s0  }
0xb: {  	s0 =	ssub.s32 $0x2, s0;
	[dreg:$0x4] =	wrdreg s20;
	s20 =	simm.s32 $0x9  }
0xc: {  	s5 =	sor.u32 s9, s4;
	s21 =	sshrl.u32 s0, $0x1;
	s22 =	sshrl.u32 s8, $0x2  }
0xd: {  	s5 =	smul.u32 $0x500, s5;
	s6 =	sadd.s32 s6, s7;
	s0 =	ssub.s32 s0, s21  }
0xe: {  	s25 =	sadd.s32 s22, s3;
	s7 =	sor.u32 $0x1C0B, s26;
	s21 =	simm.s32 $0x8A98  }
0xf: {  	s26 =	simm.s32 $0x1;
	s22 =	simm.s32 $0xA;
	s0 =	smax.u32 s0, $0x1  }
0x10: {  	s8 =	sshrl.u32 s25, $0x3;
	s25 =	simm.s32 $0xB1A8;
	[dreg:$0x9] =	wrdreg s7  }
.Ltmp0:
0x11: {  	s5 =	sadd.s32 s5, s2;
	[dreg:$0x8] =	wrdreg s0;
	(pc) =	sbr.rel .LBB2_1-.Ltmp0, $4  }
0x12: {  	s2 =	sadd.s32 s6, s2;
	[dreg:$0xa] =	wrdreg s8;
	s23 =	sadd.s32 $0x5B800, s5  }
0x13: {  	s0 =	simm.s32 $0x4;
	s24 =	sadd.s32 $0x1600, s5;
	[dreg:$0x5] =	wrdreg s23  }
0x14: {  	s2 =	sadd.s32 $0x65800, s2;
	s5 =	simm.s32 $0x0;
	[dreg:$0x6] =	wrdreg s24  }
0x15: {  	[dreg:$0x7] =	wrdreg s2;
	s23 =	simm.s32 $0x9E20;
	s2 =	simm.s32 $0xEC40  }
.LBB2_4:
0x16: {  	_ =	swait.ge [sflag:s22], $0x1388  }
0x17: {  	[sflag:s22] =	ssyncset.done $0x0  }
0x18: {  	[sflag:s22] =	ssyncadd.s32 $0xFFFFEC78  }
0x19: {  	[spmem:s3] =	stream.indirect.scatter.add.f32 [tilespmem:s11], [sflag:$0xB], $0x28, s7, s14, $0xb8;
	[tilespmem:$0x17750] =	vst v63  }
0x1a: {  	_ =	swait.ge [sflag:s10], $0x1388  }
0x1b: {  	[sflag:s10] =	ssyncset.done $0x0  }
0x1c: {  	[sflag:s10] =	ssyncadd.s32 $0xFFFFEC78  }
0x1d: {  	[bflag:$0x0] =	sbarrier.arrive $0xFFFF  }
0x1e: {  	s4 =	rddreg [dreg:$0x7]  }
0x1f: {  	s7 =	rddreg [dreg:$0x9]  }
0x20: {  	s5 =	simm.s32 $0x10;
	s8 =	rddreg [dreg:$0xa]  }
0x21: {  	[hbm:s4@s5], [sflag:s7] =	dma.strided [spmem:s8@s16], $0xC80, s26, $0x5   }
0x22: {  	_ =	swait.ge [sflag:s10], $0xC80  }
0x23: {  	s15 =	rddreg [dreg:$0xb]  }
0x24: {  	s24 =	rddreg [dreg:$0x8];
	s5 =	sadd.s32 $0x1, s15  }
0x25: {  	p0 =	sne.s32 s5, s24  }
.Ltmp1:
0x26: {  	_ = 	snop;
	(pc) =	sbr.rel @!p0 .LBB2_5-.Ltmp1, $3  }
0x27: {  	_ =	sdelay $0x1  }
0x28: {  	[sflag:s10] =	ssyncset.done $0x0  }
0x29: {  	[sflag:s10] =	ssyncadd.s32 $0xFFFFF380  }
.LBB2_1:
0x2a: {  	[dreg:$0xb] =	wrdreg s5  }
0x2b: {  	s4 =	simm.s32 $0x0;
	s15 =	rddreg [dreg:$0x5]  }
0x2c: {  	[tilespmem:s4], [sflag:$0xB] =	stream.linear.gather [hbm4b:s15+s4], $0x2800, $0x38;
	[tilespmem:$0x17750] =	vst v63  }
0x2d: {  	_ =	swait.ge [sflag:s10], $0x2800  }
0x2e: {  	[sflag:s10] =	ssyncset.done $0x0  }
0x2f: {  	s6 =	simm.s32 $0x2800;
	s24 =	rddreg [dreg:$0x6];
	[sflag:s10] =	ssyncadd.s32 $0xFFFFD800  }
0x30: {  	[tilespmem:s6], [sflag:$0xB] =	stream.linear.gather [hbm4b:s24+s4], $0x2800, $0x38;
	[tilespmem:$0x17750] =	vst v63  }
0x31: {  	_ =	swait.ge [sflag:s10], $0x2800  }
0x32: {  	[sflag:s10] =	ssyncset.done $0x0  }
0x33: {  	s6 =	rddreg [dreg:$0x4];
	[sflag:s10] =	ssyncadd.s32 $0xFFFFD800  }
0x34: {  	[spmem:s8], [sflag:s7] =	dma.local [hbm:s6], $0xC80  }
0x35: {  	_ =	swait.ge [sflag:s10], $0xC80  }
0x36: {  	[sflag:s10] =	ssyncset.done $0x0  }
0x37: {  	[sflag:s10] =	ssyncadd.s32 $0xFFFFF380  }
0x38: {  	s8 =	simm.s32 $0x5000;
	[bflag:$0x0] =	sbarrier.arrive $0xFFFF  }
0x39: {  	[tilespmem:s8], [sflag:$0x1] =	stream.indirect.gather [hbm4b:s1+s14], $0x28, s4, s14, $0xb8;
	[tilespmem:$0x17750] =	vst v63  }
0x3a: {  	s9 =	simm.s32 $0x80  }
0x3b: {  	[tilespmem:s17], [sflag:$0x2] =	stream.indirect.gather [hbm4b:s1+s14], $0x28, s9, s14, $0xb8;
	[tilespmem:$0x17750] =	vst v63  }
0x3c: {  	s12 =	simm.s32 $0x100  }
0x3d: {  	[tilespmem:s19], [sflag:$0x3] =	stream.indirect.gather [hbm4b:s1+s14], $0x28, s12, s14, $0xb8;
	[tilespmem:$0x17750] =	vst v63  }
0x3e: {  	s13 =	simm.s32 $0x180  }
0x3f: {  	[tilespmem:s21], [sflag:$0x4] =	stream.indirect.gather [hbm4b:s1+s14], $0x28, s13, s14, $0xb8;
	[tilespmem:$0x17750] =	vst v63  }
0x40: {  	s15 =	simm.s32 $0x200  }
0x41: {  	[tilespmem:s23], [sflag:$0x5] =	stream.indirect.gather [hbm4b:s1+s14], $0x28, s15, s14, $0xb8;
	[tilespmem:$0x17750] =	vst v63  }
0x42: {  	s5 =	simm.s32 $0x0;
	s24 =	simm.s32 $0x280  }
0x43: {  	[tilespmem:s25], [sflag:$0x6] =	stream.indirect.gather [hbm4b:s1+s14], $0x28, s24, s14, $0xb8;
	[tilespmem:$0x17750] =	vst v63  }
.LBB2_2:
0x44: {  	_ =	swait.ge [sflag:s26], $0x1388  }
0x45: {  	s6 =	sshra.s32 s5, $0x2;
	[sflag:s26] =	ssyncset.done $0x0  }
0x46: {  	s4 =	simm.s32 $0x5000;
	s7 =	sadd.s32 $0x2800, s6;
	[sflag:s26] =	ssyncadd.s32 $0xFFFFEC78  }
0x47: {  	[spmem:s3] =	stream.indirect.scatter.add.f32 [tilespmem:s4], [sflag:$0xB], $0x28, s7, s14, $0xb8;
	[tilespmem:$0x17750] =	vst v63  }
0x48: {  	_ =	swait.ge [sflag:s10], $0x1388  }
0x49: {  	[sflag:s10] =	ssyncset.done $0x0  }
0x4a: {  	s15 =	sadd.s32 $0x300, s6;
	[sflag:s10] =	ssyncadd.s32 $0xFFFFEC78  }
0x4b: {  	[tilespmem:s28], [sflag:$0x7] =	stream.indirect.gather [hbm4b:s1+s14], $0x28, s15, s14, $0xb8;
	[tilespmem:$0x17750] =	vst v63  }
0x4c: {  	_ =	swait.ge [sflag:s29], $0x1388  }
0x4d: {  	[sflag:s29] =	ssyncset.done $0x0  }
0x4e: {  	s24 =	sadd.s32 $0x2880, s6;
	[sflag:s29] =	ssyncadd.s32 $0xFFFFEC78  }
0x4f: {  	[spmem:s3] =	stream.indirect.scatter.add.f32 [tilespmem:s17], [sflag:$0xB], $0x28, s24, s14, $0xb8;
	[tilespmem:$0x17750] =	vst v63  }
0x50: {  	_ =	swait.ge [sflag:s10], $0x1388  }
0x51: {  	[sflag:s10] =	ssyncset.done $0x0  }
0x52: {  	s4 =	sadd.s32 $0x380, s6;
	[sflag:s10] =	ssyncadd.s32 $0xFFFFEC78  }
0x53: {  	[tilespmem:s30], [sflag:$0x8] =	stream.indirect.gather [hbm4b:s1+s14], $0x28, s4, s14, $0xb8;
	[tilespmem:$0x17750] =	vst v63  }
0x54: {  	_ =	swait.ge [sflag:s31], $0x1388  }
0x55: {  	[sflag:s31] =	ssyncset.done $0x0  }
0x56: {  	s8 =	sadd.s32 $0x2900, s6;
	[sflag:s31] =	ssyncadd.s32 $0xFFFFEC78  }
0x57: {  	[spmem:s3] =	stream.indirect.scatter.add.f32 [tilespmem:s19], [sflag:$0xB], $0x28, s8, s14, $0xb8;
	[tilespmem:$0x17750] =	vst v63  }
0x58: {  	_ =	swait.ge [sflag:s10], $0x1388  }
0x59: {  	[sflag:s10] =	ssyncset.done $0x0  }
0x5a: {  	s9 =	sadd.s32 $0x400, s6;
	[sflag:s10] =	ssyncadd.s32 $0xFFFFEC78  }
0x5b: {  	[tilespmem:s2], [sflag:$0x9] =	stream.indirect.gather [hbm4b:s1+s14], $0x28, s9, s14, $0xb8;
	[tilespmem:$0x17750] =	vst v63  }
0x5c: {  	_ =	swait.ge [sflag:s0], $0x1388  }
0x5d: {  	[sflag:s0] =	ssyncset.done $0x0  }
0x5e: {  	s12 =	sadd.s32 $0x2980, s6;
	[sflag:s0] =	ssyncadd.s32 $0xFFFFEC78  }
0x5f: {  	[spmem:s3] =	stream.indirect.scatter.add.f32 [tilespmem:s21], [sflag:$0xB], $0x28, s12, s14, $0xb8;
	[tilespmem:$0x17750] =	vst v63  }
0x60: {  	_ =	swait.ge [sflag:s10], $0x1388  }
0x61: {  	[sflag:s10] =	ssyncset.done $0x0  }
0x62: {  	s13 =	sadd.s32 $0x480, s6;
	[sflag:s10] =	ssyncadd.s32 $0xFFFFEC78  }
0x63: {  	[tilespmem:s11], [sflag:$0xA] =	stream.indirect.gather [hbm4b:s1+s14], $0x28, s13, s14, $0xb8;
	[tilespmem:$0x17750] =	vst v63  }
0x64: {  	_ =	swait.ge [sflag:s16], $0x1388  }
0x65: {  	[sflag:s16] =	ssyncset.done $0x0  }
0x66: {  	s15 =	sadd.s32 $0x2A00, s6;
	[sflag:s16] =	ssyncadd.s32 $0xFFFFEC78  }
0x67: {  	[spmem:s3] =	stream.indirect.scatter.add.f32 [tilespmem:s23], [sflag:$0xB], $0x28, s15, s14, $0xb8;
	[tilespmem:$0x17750] =	vst v63  }
0x68: {  	_ =	swait.ge [sflag:s10], $0x1388  }
0x69: {  	p0 =	seq.s32 s5, $0x8C00;
	[sflag:s10] =	ssyncset.done $0x0  }
0x6a: {  	s7 =	simm.s32 @p0 $0x6;
	[sflag:s10] =	ssyncadd.s32 $0xFFFFEC78  }
0x6b: {  	_ =	swait.ge @p0 [sflag:s7], $0x1388  }
0x6c: {  	[sflag:s7] =	ssyncset.done @p0 $0x0  }
0x6d: {  	[sflag:s7] =	ssyncadd.s32 @p0 $0xFFFFEC78;
	s7 =	sshra.s32 @p0 s5, $0x2  }
0x6e: {  	s4 =	simm.s32 @p0 $0xB1A8;
	s9 =	simm.s32 @p0 $0x7D;
	s8 =	sadd.s32 @p0 $0x2A80, s7  }
0x6f: {  	[spmem:s3] =	stream.indirect.scatter.add.f32 @p0 [tilespmem:s4], [sflag:$0xB], $0x28, s8, s9, $0xb8;
	[tilespmem:$0x17750] =	vst v63  }
0x70: {  	s4 =	simm.s32 @p0 $0xB  }
0x71: {  	_ =	swait.ge @p0 [sflag:s4], $0x1388  }
0x72: {  	s24 =	simm.s32 @!p0 $0x5000;
	s8 =	sshra.s32 @!p0 s5, $0x2;
	[sflag:s4] =	ssyncset.done @p0 $0x0  }
0x73: {  	s13 =	simm.s32 @!p0 $0x7D;
	s12 =	sadd.s32 @!p0 $0x500, s8;
	[sflag:s4] =	ssyncadd.s32 @p0 $0xFFFFEC78  }
0x74: {  	[tilespmem:s24], [sflag:$0x1] =	stream.indirect.gather @!p0 [hbm4b:s1+s13], $0x28, s12, s13, $0xb8;
	[tilespmem:$0x17750] =	vst v63  }
0x75: {  	s12 =	simm.s32 @!p0 $0x6  }
0x76: {  	_ =	swait.ge @!p0 [sflag:s12], $0x1388  }
0x77: {  	[sflag:s12] =	ssyncset.done @!p0 $0x0  }
0x78: {  	s24 =	simm.s32 @!p0 $0xB1A8;
	[sflag:s12] =	ssyncadd.s32 @!p0 $0xFFFFEC78;
	s12 =	sadd.s32 @!p0 $0x2A80, s8  }
0x79: {  	[spmem:s3] =	stream.indirect.scatter.add.f32 @!p0 [tilespmem:s24], [sflag:$0xB], $0x28, s12, s13, $0xb8;
	[tilespmem:$0x17750] =	vst v63  }
0x7a: {  	s12 =	simm.s32 @!p0 $0xB  }
0x7b: {  	_ =	swait.ge @!p0 [sflag:s12], $0x1388  }
0x7c: {  	[sflag:s12] =	ssyncset.done @!p0 $0x0  }
0x7d: {  	s15 =	simm.s32 @!p0 $0x6388;
	s24 =	sadd.s32 @!p0 $0x580, s8;
	[sflag:s12] =	ssyncadd.s32 @!p0 $0xFFFFEC78  }
0x7e: {  	[tilespmem:s15], [sflag:$0x2] =	stream.indirect.gather @!p0 [hbm4b:s1+s13], $0x28, s24, s13, $0xb8;
	[tilespmem:$0x17750] =	vst v63  }
0x7f: {  	_ =	swait.ge [sflag:s18], $0x1388  }
0x80: {  	[sflag:s18] =	ssyncset.done $0x0  }
0x81: {  	s24 =	sadd.s32 $0x2B00, s6;
	[sflag:s18] =	ssyncadd.s32 $0xFFFFEC78  }
0x82: {  	[spmem:s3] =	stream.indirect.scatter.add.f32 [tilespmem:s28], [sflag:$0xB], $0x28, s24, s14, $0xb8;
	[tilespmem:$0x17750] =	vst v63  }
0x83: {  	_ =	swait.ge [sflag:s10], $0x1388  }
0x84: {  	[sflag:s10] =	ssyncset.done $0x0  }
0x85: {  	s15 =	simm.s32 @p0 $0x8;
	[sflag:s10] =	ssyncadd.s32 $0xFFFFEC78  }
0x86: {  	_ =	swait.ge @p0 [sflag:s15], $0x1388  }
0x87: {  	[sflag:s15] =	ssyncset.done @p0 $0x0  }
0x88: {  	s7 =	sadd.s32 @p0 $0x2B80, s7;
	[sflag:s15] =	ssyncadd.s32 @p0 $0xFFFFEC78;
	s15 =	simm.s32 @p0 $0xD8B8  }
0x89: {  	[spmem:s3] =	stream.indirect.scatter.add.f32 @p0 [tilespmem:s15], [sflag:$0xB], $0x28, s7, s9, $0xb8;
	[tilespmem:$0x17750] =	vst v63  }
0x8a: {  	_ =	swait.ge @p0 [sflag:s4], $0x1388  }
0x8b: {  	[sflag:s4] =	ssyncset.done @p0 $0x0  }
0x8c: {  	s7 =	simm.s32 @!p0 $0x7710;
	[sflag:s4] =	ssyncadd.s32 @p0 $0xFFFFEC78;
	s4 =	sadd.s32 @!p0 $0x600, s8  }
0x8d: {  	[tilespmem:s7], [sflag:$0x3] =	stream.indirect.gather @!p0 [hbm4b:s1+s13], $0x28, s4, s13, $0xb8;
	[tilespmem:$0x17750] =	vst v63  }
0x8e: {  	s4 =	simm.s32 @!p0 $0x8  }
0x8f: {  	_ =	swait.ge @!p0 [sflag:s4], $0x1388  }
0x90: {  	[sflag:s4] =	ssyncset.done @!p0 $0x0  }
0x91: {  	s7 =	simm.s32 @!p0 $0xD8B8;
	[sflag:s4] =	ssyncadd.s32 @!p0 $0xFFFFEC78;
	s4 =	sadd.s32 @!p0 $0x2B80, s8  }
0x92: {  	[spmem:s3] =	stream.indirect.scatter.add.f32 @!p0 [tilespmem:s7], [sflag:$0xB], $0x28, s4, s13, $0xb8;
	[tilespmem:$0x17750] =	vst v63  }
0x93: {  	_ =	swait.ge @!p0 [sflag:s12], $0x1388  }
0x94: {  	[sflag:s12] =	ssyncset.done @!p0 $0x0  }
0x95: {  	s4 =	sadd.s32 @!p0 $0x680, s8;
	s7 =	simm.s32 @!p0 $0x8A98;
	[sflag:s12] =	ssyncadd.s32 @!p0 $0xFFFFEC78  }
0x96: {  	[tilespmem:s7], [sflag:$0x4] =	stream.indirect.gather @!p0 [hbm4b:s1+s13], $0x28, s4, s13, $0xb8;
	[tilespmem:$0x17750] =	vst v63  }
0x97: {  	_ =	swait.ge [sflag:s20], $0x1388  }
0x98: {  	[sflag:s20] =	ssyncset.done $0x0  }
.Ltmp2:
0x99: {  	s24 =	sadd.s32 $0x2C00, s6;
	[sflag:s20] =	ssyncadd.s32 $0xFFFFEC78;
	(pc) =	sbr.rel @p0 .LBB2_4-.Ltmp2, $4  }
0x9a: {  	[spmem:s3] =	stream.indirect.scatter.add.f32 [tilespmem:s2], [sflag:$0xB], $0x28, s24, s14, $0xb8;
	[tilespmem:$0x17750] =	vst v63  }
0x9b: {  	_ =	swait.ge [sflag:s10], $0x1388  }
0x9c: {  	[sflag:s10] =	ssyncset.done $0x0  }
0x9d: {  	s7 =	sadd.s32 $0x2C80, s6;
	[sflag:s10] =	ssyncadd.s32 $0xFFFFEC78  }
0x9e: {  	s4 =	sadd.s32 $0x700, s6  }
0x9f: {  	[tilespmem:s23], [sflag:$0x5] =	stream.indirect.gather [hbm4b:s1+s14], $0x28, s4, s14, $0xb8;
	[tilespmem:$0x17750] =	vst v63  }
0xa0: {  	_ =	swait.ge [sflag:s22], $0x1388  }
0xa1: {  	[sflag:s22] =	ssyncset.done $0x0  }
0xa2: {  	[sflag:s22] =	ssyncadd.s32 $0xFFFFEC78  }
0xa3: {  	[spmem:s3] =	stream.indirect.scatter.add.f32 [tilespmem:s11], [sflag:$0xB], $0x28, s7, s14, $0xb8;
	[tilespmem:$0x17750] =	vst v63  }
.Ltmp3:
0xa4: {  	_ = 	snop;
	(pc) =	sbr.rel .LBB2_2-.Ltmp3, $4  }
0xa5: {  	_ =	swait.ge [sflag:s10], $0x1388  }
0xa6: {  	[sflag:s10] =	ssyncset.done $0x0  }
0xa7: {  	s24 =	sadd.s32 $0x780, s6;
	s5 =	sadd.s32 $0x1400, s5;
	[sflag:s10] =	ssyncadd.s32 $0xFFFFEC78  }
0xa8: {  	[tilespmem:s25], [sflag:$0x6] =	stream.indirect.gather [hbm4b:s1+s14], $0x28, s24, s14, $0xb8;
	[tilespmem:$0x17750] =	vst v63  }
.LBB2_5:
0xa9: {  	_ =	sfence.sel $0x180000  }
0xaa: {  	[bflag:$0x0] =	sbarrier.arrive $0xFFFF  }
0xab: {  	_ =	strace $0x9000004D  }
0xac: {  	s0 =	stileid.u32;
	[bflag:$0x2] =	sbarrier.arrive $0xFFFF  }
0xad: {  	p0 =	sne.s32 s0, $0x0;
	s0 =	rddreg [dreg:$0x3]  }
0xae: {  	s0 =	sadd.s32 @!p0 $0x100000, s0  }
0xaf: {  	[sflag:s0] =	ssyncadd.tile.s32 @!p0 $0x1;
	_ =	shalt  }
.Lfunc_end2:
_tile_overlayer_lowered:
.L_overlay_start_2:
0xb0: {  	(tag) =	ssettag $0x2  }
0xb1: {  	s0 =	rddreg [dreg:$0x0];
	s2 =	stileid.u32  }
0xb2: {  	s1 =	rddreg [dreg:$0x1];
	p0 =	sne.s32 s2, $0x0  }
0xb3: {  	s3 =	rddreg [dreg:$0x2];
	[bflag:$0x3] =	sbarrier.arrive $0xFFFF;
	s2 =	simm.s32 @!p0 $0x1C0B  }
0xb4: {  	[timem:s3], [sflag:s2] =	dma.local @!p0 [hbm:s0], s1  }
0xb5: {  	s0 =	simm.s32 @!p0 $0xB  }
0xb6: {  	_ =	swait.ge @!p0 [sflag:s0], s1  }
0xb7: {  	s1 =	ssub.s32 @!p0 $0x0, s1;
	[sflag:s0] =	ssyncset.done @!p0 $0x0  }
0xb8: {  	[sflag:s0] =	ssyncadd.s32 @!p0 s1  }
0xb9: {  	[bflag:$0x3] =	sbarrier.arrive $0xFFFF  }
0xba: {  	_ =	shalt  }

// kernel: kernel.9.cloned.1.call-start
scs
__scs_entry_jumppad:
0x0: {  	(pc) =	sbr.rel $0x88, $3  }
0x1: {  	(tag) =	ssettag $0x0;
	lr =	simm.s32 $0x1  }
0x2: {  	[smem:$0x3F9B] =	sst lr;
	_ =	strace $0xD0000000  }
0x3: {  	_ = 	snop  }
0x4: {  	_ = 	snop  }
0x5: {  	_ = 	snop  }
0x6: {  	_ = 	snop  }
0x7: {  	_ = 	snop  }
__scs_overlays_trampoline_lowered:
0x8: {  	[smem:$0x3FAA] =	sst s0  }
0x9: {  	[smem:$0x3FAB] =	sst s1  }
0xa: {  	[smem:$0x3FAC] =	sst s2  }
0xb: {  	[smem:$0x3FAD] =	sst s3  }
0xc: {  	[smem:$0x3FAE] =	sst s4  }
0xd: {  	[smem:$0x3FAF] =	sst s5  }
0xe: {  	[smem:$0x3FB0] =	sst s6  }
0xf: {  	[smem:$0x3FB1] =	sst s7  }
0x10: {  	[smem:$0x3FB2] =	sst s8  }
0x11: {  	[smem:$0x3FB3] =	sst s9;
	s0 =	simm.s32 @!p0 $0x0  }
0x12: {  	s1 =	sld [smem:$0x3F99];
	s0 =	simm.s32 @p0 $0x1  }
0x13: {  	[smem:$0x3FB4] =	sst s0;
	s0 =	simm.s32 @!p1 $0x0  }
0x14: {  	s2 =	sld [smem:$0x3F98];
	s0 =	simm.s32 @p1 $0x1  }
0x15: {  	[smem:$0x3FB5] =	sst s0;
	s0 =	simm.s32 @!p2 $0x0  }
0x16: {  	s3 =	sld [smem:$0x3FDB];
	s0 =	simm.s32 @p2 $0x1  }
0x17: {  	s4 =	simm.s32 $0x1BF5;
	[smem:$0x3FB7] =	sst s0  }
0x18: {  	s0 =	sld [smem:$0x3F9A];
	_ =	swait.ge [sflag:s4], $0x0  }
0x19: {  	s7 =	sld [smem:$0x3F9B]  }
0x1a: {  	s8 =	sadd.s32 $0xFFFFE003, lr  }
0x1b: {  	s9 =	sadd.s32 $0xFFFFFEF7, lr;
	s5 =	simm.s32 $0xFFFFFFFF;
	p2 =	slt.u32 s8, $0xFFFFF086  }
0x1c: {  	p1 =	slt.u32 s9, $0xF7A;
	s5 =	simm.s32 @!p2 $0x0  }
0x1d: {  	s5 =	simm.s32 @p1 $0x1;
	p0 =	seq.s32 s7, s2  }
0x1e: {  	s7 =	smul.u32 @!p0 $0xF7A, s2;
	p2 =	seq.s32 @!p0 s5, $0x0  }
0x1f: {  	s9 =	smul.u32 $0xF7A, s1;
	s8 =	simm.s32 @!p0 $0x1BF5;
	p2 =	por !p2, p0  }
0x20: {  	[sflag:s8] =	ssyncset.s32 @!p0 $0xFFFFF086;
	s6 =	sadd.s32 @!p0 s3, s7;
	s7 =	simm.s32 @!p0 $0x108  }
0x21: {  	s3 =	sadd.s32 s3, s9;
	s6 =	sadd.s32 @!p0 $0x88, s6;
	s7 =	simm.s32 @p2 $0x1082  }
0x22: {  	[simem:s7], [sflag:s8] =	dma.local @!p0 [hbm:s6], $0xF7A  }
0x23: {  	s9 =	sor.u32 $0xD0000000, s2;
	s6 =	simm.s32 $0x108;
	_ =	swait.ge @!p0 [sflag:s8], $0x0  }
0x24: {  	s3 =	sadd.s32 $0x88, s3;
	s6 =	simm.s32 @!p1 $0x1082;
	[sflag:s4] =	ssyncset.s32 $0xFFFFF086  }
0x25: {  	[simem:s6], [sflag:s4] =	dma.local [hbm:s3], $0xF7A  }
0x26: {  	[smem:$0x3F9B] =	sst s1;
	(tag) =	ssettag s2;
	_ =	strace s9  }
0x27: {  	s1 =	sld [smem:$0x3FAB]  }
0x28: {  	s2 =	sld [smem:$0x3FAC]  }
0x29: {  	s4 =	sld [smem:$0x3FAE]  }
0x2a: {  	p0 =	seq.s32 s5, $0x0;
	s5 =	sld [smem:$0x3FAF]  }
0x2b: {  	s6 =	sld [smem:$0x3FB0]  }
0x2c: {  	s7 =	sld [smem:$0x3FB1]  }
0x2d: {  	s3 =	simm.s32 $0x108;
	s8 =	sld [smem:$0x3FB2]  }
0x2e: {  	s3 =	simm.s32 @!p0 $0x1082;
	s9 =	sld [smem:$0x3FB3]  }
0x2f: {  	lr =	sadd.s32 s0, s3;
	s0 =	sld [smem:$0x3FAA]  }
0x30: {  	s3 =	sld [smem:$0x3FAD]  }
0x31: {  	[smem:$0x3FB6] =	sst s10  }
0x32: {  	s10 =	sld [smem:$0x3FB4];
	_ =	sdelay $0x3  }
0x33: {  	p0 =	seq.s32 s10, $0x1;
	s10 =	sld [smem:$0x3FB6];
	_ =	sdelay $0x3  }
0x34: {  	[smem:$0x3FB6] =	sst s10  }
0x35: {  	s10 =	sld [smem:$0x3FB5];
	_ =	sdelay $0x3  }
0x36: {  	p1 =	seq.s32 s10, $0x1;
	s10 =	sld [smem:$0x3FB6];
	_ =	sdelay $0x3  }
0x37: {  	[smem:$0x3FB6] =	sst s10  }
0x38: {  	s10 =	sld [smem:$0x3FB7]  }
0x39: {  	_ = 	snop;
	(pc) =	sbr.ind lr, $3  }
0x3a: {  	_ = 	snop  }
0x3b: {  	_ = 	snop  }
0x3c: {  	p2 =	seq.s32 s10, $0x1;
	s10 =	sld [smem:$0x3FB6]  }
0x3d: {  	_ =	shalt  }
0x3e: {  	_ =	shalt  }
0x3f: {  	_ =	shalt  }
0x40: {  	_ =	shalt  }
0x41: {  	_ =	shalt  }
0x42: {  	_ =	shalt  }
0x43: {  	_ =	shalt  }
0x44: {  	_ =	shalt  }
0x45: {  	_ =	shalt  }
0x46: {  	_ =	shalt  }
0x47: {  	_ =	shalt  }
0x48: {  	_ =	shalt  }
0x49: {  	_ =	shalt  }
0x4a: {  	_ =	shalt  }
0x4b: {  	_ =	shalt  }
0x4c: {  	_ =	shalt  }
0x4d: {  	_ =	shalt  }
0x4e: {  	_ =	shalt  }
0x4f: {  	_ =	shalt  }
0x50: {  	_ =	shalt  }
0x51: {  	_ =	shalt  }
0x52: {  	_ =	shalt  }
0x53: {  	_ =	shalt  }
0x54: {  	_ =	shalt  }
0x55: {  	_ =	shalt  }
0x56: {  	_ =	shalt  }
0x57: {  	_ =	shalt  }
0x58: {  	_ =	shalt  }
0x59: {  	_ =	shalt  }
0x5a: {  	_ =	shalt  }
0x5b: {  	_ =	shalt  }
0x5c: {  	_ =	shalt  }
0x5d: {  	_ =	shalt  }
0x5e: {  	_ =	shalt  }
0x5f: {  	_ =	shalt  }
0x60: {  	_ =	shalt  }
0x61: {  	_ =	shalt  }
0x62: {  	_ =	shalt  }
0x63: {  	_ =	shalt  }
0x64: {  	_ =	shalt  }
0x65: {  	_ =	shalt  }
0x66: {  	_ =	shalt  }
0x67: {  	_ =	shalt  }
0x68: {  	_ =	shalt  }
0x69: {  	_ =	shalt  }
0x6a: {  	_ =	shalt  }
0x6b: {  	_ =	shalt  }
0x6c: {  	_ =	shalt  }
0x6d: {  	_ =	shalt  }
0x6e: {  	_ =	shalt  }
0x6f: {  	_ =	shalt  }
0x70: {  	_ =	shalt  }
0x71: {  	_ =	shalt  }
0x72: {  	_ =	shalt  }
0x73: {  	_ =	shalt  }
0x74: {  	_ =	shalt  }
0x75: {  	_ =	shalt  }
0x76: {  	_ =	shalt  }
0x77: {  	_ =	shalt  }
0x78: {  	_ =	shalt  }
0x79: {  	_ =	shalt  }
0x7a: {  	_ =	shalt  }
0x7b: {  	_ =	shalt  }
0x7c: {  	_ =	shalt  }
0x7d: {  	_ =	shalt  }
0x7e: {  	_ =	shalt  }
0x7f: {  	_ =	shalt  }
0x80: {  	_ =	shalt  }
0x81: {  	_ =	shalt  }
0x82: {  	_ =	shalt  }
0x83: {  	_ =	shalt  }
0x84: {  	_ =	shalt  }
0x85: {  	_ =	shalt  }
0x86: {  	_ =	shalt  }
0x87: {  	_ =	shalt  }
.Lfunc_end0:
.L_simem_size_0:
called_computation_lowered:
.L_overlay_start_0:
0x88: {  	s2 =	sld [smem:$0x3FD9]  }
0x89: {  	s3 =	sld [smem:$0x3FFE];
	_ =	sdelay $0x1  }
0x8a: {  	s1 =	srdreg.scid  }
0x8b: {  	s0 =	sand.u32 $0x1, s1  }
0x8c: {  	s17 =	sshll.u32 s0, $0xA;
	s2 =	sadd.s32 s3, s2  }
0x8d: {  	s2 =	sadd.s32 s2, s17  }
0x8e: {  	[smem:$0x3FC2] =	sst s2  }
0x8f: {  	_ = 	snop  }
0x90: {  	s2 =	sld [smem:$0x3FD0];
	(tm) =	ssettm $0x1  }
0x91: {  	s18 =	sld [smem:$0x3FFB];
	_ =	sdelay $0x3  }
0x92: {  	_ =	strace s18  }
0x93: {  	s3 =	sld [smem:$0x3FFC];
	_ =	sdelay $0x3  }
0x94: {  	_ =	strace s3  }
0x95: {  	s3 =	sld [smem:$0x3FFD];
	_ =	sdelay $0x3  }
0x96: {  	_ =	strace s3  }
0x97: {  	_ =	strace $0x8FFFFFFF  }
0x98: {  	s19 =	sld [smem:$0x3FDB];
	_ =	sdelay $0x1  }
0x99: {  	s4 =	simm.s32 $_scs_section_size  }
0x9a: {  	s5 =	simm.s32 $_size__tile_overlayer_lowered;
	s6 =	simm.s32 $_tile_overlayer_lowered  }
0x9b: {  	s22 =	simm.s32 $0x1BFF;
	s21 =	sshll.u32 s6, $0x1;
	s3 =	sadd.s32 s4, s19  }
0x9c: {  	s7 =	simm.s32 $0x0;
	s20 =	sshll.u32 s5, $0x1;
	s5 =	sadd.s32 s21, s3  }
0x9d: {  	[timem:s7], [sflag:s22] =	dma.local [hbm:s5], s20  }
0x9e: {  	_ =	swait.ge [sflag:s22], s20  }
0x9f: {  	s4 =	ssub.s32 $0x0, s20;
	[sflag:s22] =	ssyncset.done $0x0  }
0xa0: {  	[sflag:s22] =	ssyncadd.s32 s4;
	_ =	sdelay $0x1  }
0xa1: {  	s23 =	simm.s32 $0x1B8B  }
0xa2: {  	_ =	swait.ge [sflag:s23], $0x1  }
0xa3: {  	[sflag:s23] =	ssyncset.done $0x0  }
0xa4: {  	s25 =	simm.s32 $0x1B8E;
	s24 =	sld [smem:$0x3FFE];
	[sflag:s23] =	ssyncadd.s32 $0xFFFFFFFF  }
0xa5: {  	s26 =	simm.s32 $execute0_lowered;
	[smem:$0x3FD2] =	sst s25  }
0xa6: {  	s5 =	sshll.u32 s26, $0x1;
	_ =	strace $0x80000046;
	[dreg:$0x1] =	wrdreg $0xFFFFFFFF  }
0xa7: {  	s28 =	simm.s32 $_size_execute0_lowered;
	s3 =	sadd.s32 s3, s5;
	[dreg:$0x0] =	wrdreg $0x0  }
0xa8: {  	s5 =	sshll.u32 s28, $0x1;
	[dreg:$0x2] =	wrdreg s3  }
0xa9: {  	[dreg:$0x3] =	wrdreg s5  }
0xaa: {  	[dreg:$0x4] =	wrdreg $0xC0  }
0xab: {  	_ =	task [dreg:s7], $0x5FFFF  }
0xac: {  	[dreg:$0x1] =	wrdreg $0xFFFFFFFF  }
0xad: {  	[dreg:$0x0] =	wrdreg $0x60  }
0xae: {  	[dreg:$0x2] =	wrdreg s24  }
0xaf: {  	[dreg:$0x3] =	wrdreg s2  }
0xb0: {  	[dreg:$0x4] =	wrdreg $0x2BE80  }
0xb1: {  	[dreg:$0x5] =	wrdreg $0x9  }
0xb2: {  	_ =	task.clear_ibuf [dreg:s7], $0x6FFFF;
	_ =	strace $0x90000046  }
0xb3: {  	s29 =	simm.s32 $0x9;
	_ =	strace $0x80000048  }
0xb4: {  	_ =	swait.ge [sflag:s29], $0x1  }
0xb5: {  	[sflag:s29] =	ssyncadd.s32 $0xFFFFFFFF  }
0xb6: {  	_ =	strace $0x90000048  }
0xb7: {  	_ =	sfence  }
0xb8: {  	s30 =	sld [smem:$0x0];
	_ =	sdelay $0x2  }
0xb9: {  	s31 =	sshll.u32 s1, $0xD;
	s1 =	sshrl.u32 s1, $0x2  }
0xba: {  	s3 =	sand.u32 $0x4000, s31;
	s1 =	sadd.s32 s1, s30  }
0xbb: {  	s0 =	sor.u32 s3, s0;
	s1 =	sshll.u32 s1, $0x11  }
0xbc: {  	s0 =	sor.u32 s1, s0  }
0xbd: {  	s0 =	sadd.s32 $0x8F2B, s0  }
0xbe: {  	[sflag:s0] =	ssyncadd.remote.s32 $0x1  }
0xbf: {  	_ =	sfence.sel $0xFFFF  }
0xc0: {  	[dreg:$0x0] =	wrdreg $0xFFFFFFFF;
	(pc) =	sbr.abs _section_cstart, $3  }
0xc1: {  	[dreg:$0x1] =	wrdreg $0xFFFFFFFF  }
0xc2: {  	_ =	task.clear_ibuf [dreg:s7], $0x2FFFF;
	_ =	strace $0x9FFFFFFF  }
0xc3: {  	(tm) =	ssettm $0x7FFFFFFF  }
tec
execute0_lowered:
.L_overlay_start_1:
0x0: {  	(tag) =	ssettag $0x1  }
0x1: {  	s6 =	rddreg [dreg:$0x0]  }
0x2: {  	s0 =	srdreg.scid;
	s2 =	rddreg [dreg:$0x1]  }
0x3: {  	s3 =	rddreg [dreg:$0x2];
	s4 =	simm.s32 $0x0;
	s13 =	simm.s32 $0x7D  }
0x4: {  	s14 =	simm.s32 $0x10;
	s5 =	sand.u32 $0x1, s0;
	s0 =	stileid.u32  }
0x5: {  	s15 =	simm.s32 $0x0;
	[smem:$0x7FF] =	sst s4;
	s8 =	smul.u32 $0x2800, s0  }
0x6: {  	s1 =	sshll.u32 s5, $0x4;
	s9 =	smul.u32 $0x28000, s5;
	s10 =	ssub.s32 $0x2, s5  }
0x7: {  	s11 =	smul.u32 $0x5000, s0;
	s5 =	sadd.s32 $0xB600, s6;
	s31 =	sshll.u32 s0, $0x6  }
0x8: {  	s7 =	sor.u32 s0, s1;
	s1 =	rddreg [dreg:$0x3];
	_ =	strace $0x80000047  }
0x9: {  	s29 =	sshrl.u32 s10, $0x1;
	s7 =	smul.u32 $0x500, s7;
	s8 =	sadd.s32 s8, s9  }
0xa: {  	s9 =	ssub.s32 s10, s29;
	s30 =	sshrl.u32 s11, $0x2;
	s10 =	simm.s32 $0x2800  }
0xb: {  	s11 =	sor.u32 $0x1C01, s31;
	s12 =	sadd.s32 s30, s3;
	s7 =	sadd.s32 s7, s6  }
0xc: {  	s8 =	sadd.s32 s8, s6;
	s12 =	sshrl.u32 s12, $0x3;
	s6 =	sadd.s32 $0x1600, s7  }
0xd: {  	s7 =	sadd.s32 $0xB800, s8;
	s8 =	smax.u32 s9, $0x1;
	s9 =	simm.s32 $0x1  }
.LBB2_1:
0xe: {  	[tilespmem:s4], [sflag:$0x1] =	stream.linear.gather [hbm4b:s6+s4], $0x2800, $0x38;
	[tilespmem:$0x3FE8] =	vst v63  }
0xf: {  	_ =	swait.ge [sflag:s9], $0x2800  }
0x10: {  	[sflag:s9] =	ssyncset.done $0x0  }
0x11: {  	[sflag:s9] =	ssyncadd.s32 $0xFFFFD800  }
0x12: {  	[tilespmem:s10], [sflag:$0x1] =	stream.linear.gather [hbm4b:s5+s4], $0x3E8, $0x38;
	[tilespmem:$0x3FE8] =	vst v63  }
0x13: {  	_ =	swait.ge [sflag:s9], $0x3E8  }
0x14: {  	[sflag:s9] =	ssyncset.done $0x0  }
0x15: {  	[sflag:s9] =	ssyncadd.s32 $0xFFFFFC18  }
0x16: {  	[spmem:s12], [sflag:s11] =	dma.local [hbm:s2], $0x280  }
0x17: {  	_ =	swait.ge [sflag:s9], $0x280  }
0x18: {  	[sflag:s9] =	ssyncset.done $0x0  }
0x19: {  	[sflag:s9] =	ssyncadd.s32 $0xFFFFFD80  }
0x1a: {  	s16 =	simm.s32 $0x0;
	[bflag:$0x0] =	sbarrier.arrive $0xFFFF  }
0x1b: {  	[spmem:s3] =	stream.indirect.scatter.add.f32 [tilespmem:s10], [sflag:$0x1], $0x8, s16, s13, $0xb8;
	[tilespmem:$0x3FE8] =	vst v63  }
0x1c: {  	_ =	swait.ge [sflag:s9], $0x3E8  }
0x1d: {  	s16 =	simm.s32 $0x200;
	[sflag:s9] =	ssyncset.done $0x0  }
.LBB2_2:
0x1e: {  	s17 =	sshra.s32 s16, $0x2;
	[sflag:s9] =	ssyncadd.s32 $0xFFFFFC18;
	p0 =	sne.s32 s16, $0x9E00  }
0x1f: {  	[spmem:s3] =	stream.indirect.scatter.add.f32 [tilespmem:s10], [sflag:$0x1], $0x8, s17, s13, $0xb8;
	[tilespmem:$0x3FE8] =	vst v63  }
.Ltmp0:
0x20: {  	_ = 	snop;
	(pc) =	sbr.rel @p0 .LBB2_2-.Ltmp0, $4  }
0x21: {  	_ = 	snop  }
0x22: {  	s16 =	sadd.s32 $0x200, s16  }
0x23: {  	_ =	swait.ge [sflag:s9], $0x3E8  }
0x24: {  	[sflag:s9] =	ssyncset.done $0x0  }
0x25: {  	s15 =	sadd.s32 $0x1, s15  }
0x26: {  	[sflag:s9] =	ssyncadd.s32 $0xFFFFFC18;
	p0 =	sne.s32 s15, s8  }
.Ltmp1:
0x27: {  	[bflag:$0x0] =	sbarrier.arrive $0xFFFF;
	(pc) =	sbr.rel @p0 .LBB2_1-.Ltmp1, $4  }
0x28: {  	[hbm:s7@s14], [sflag:s11] =	dma.strided [spmem:s12@s9], $0x280, s9, $0x1   }
0x29: {  	_ =	swait.ge [sflag:s9], $0x280  }
0x2a: {  	[sflag:s9] =	ssyncset.done $0x0  }
0x2b: {  	[sflag:s9] =	ssyncadd.s32 $0xFFFFFD80  }
0x2c: {  	_ =	sfence.sel $0x180000  }
0x2d: {  	[bflag:$0x0] =	sbarrier.arrive $0xFFFF  }
0x2e: {  	p0 =	sne.s32 s0, $0x0;
	_ =	strace $0x90000047  }
0x2f: {  	s0 =	sadd.s32 @!p0 $0x100000, s1;
	[bflag:$0x2] =	sbarrier.arrive $0xFFFF  }
0x30: {  	[sflag:s0] =	ssyncadd.tile.s32 @!p0 $0x1;
	_ =	shalt  }
.Lfunc_end2:
_tile_overlayer_lowered:
.L_overlay_start_2:
0x31: {  	(tag) =	ssettag $0x2  }
0x32: {  	s0 =	rddreg [dreg:$0x0];
	s2 =	stileid.u32  }
0x33: {  	s1 =	rddreg [dreg:$0x1];
	p0 =	sne.s32 s2, $0x0  }
0x34: {  	s3 =	rddreg [dreg:$0x2];
	[bflag:$0x3] =	sbarrier.arrive $0xFFFF;
	s2 =	simm.s32 @!p0 $0x1C01  }
0x35: {  	[timem:s3], [sflag:s2] =	dma.local @!p0 [hbm:s0], s1  }
0x36: {  	s0 =	simm.s32 @!p0 $0x1  }
0x37: {  	_ =	swait.ge @!p0 [sflag:s0], s1  }
0x38: {  	s1 =	ssub.s32 @!p0 $0x0, s1;
	[sflag:s0] =	ssyncset.done @!p0 $0x0  }
0x39: {  	[sflag:s0] =	ssyncadd.s32 @!p0 s1  }
0x3a: {  	[bflag:$0x3] =	sbarrier.arrive $0xFFFF  }
0x3b: {  	_ =	shalt  }

</sc_bundles>
